<compile_context>
chip_gen: v7x
topology: tpu7x:2x2x1
jax: 0.10.2.dev20260603
libtpu: 0.0.44.dev20260713+nightly
codegen_flags: <defaults>
</compile_context>

<pallas_src>
import jax
import jax.numpy as jnp
from jax import lax
from jax.experimental import pallas as pl
from jax.experimental.pallas import tpu as pltpu
from jax.experimental.pallas import tpu_sc as plsc

_ROW = 32
_NW = 32
_CH = 256
_G = _CH // 16
_OB = 2048


def _batcher_pairs(n):
    pairs = []

    def merge(lo, m, r):
        step = r * 2
        if step < m:
            merge(lo, m, step)
            merge(lo + r, m, step)
            for i in range(lo + r, lo + m - r, step):
                pairs.append((i, i + r))
        else:
            pairs.append((lo, lo + r))

    def sort(lo, m):
        if m > 1:
            k = m // 2
            sort(lo, k)
            sort(lo + k, k)
            merge(lo, m, 1)

    sort(0, n)
    return pairs


_PAIRS = _batcher_pairs(_ROW)


def _mode16(buf, g, lane):
    rows = lane + g * 16
    vs = [plsc.load_gather(buf, [rows, jnp.full((16,), k, jnp.int32)])
          for k in range(_ROW)]
    for (i, j) in _PAIRS:
        a, b = vs[i], vs[j]
        vs[i] = jnp.minimum(a, b)
        vs[j] = jnp.maximum(a, b)
    anydup = vs[1] == vs[0]
    for k in range(2, _ROW):
        anydup = anydup | (vs[k] == vs[k - 1])

    def with_scan():
        run = jnp.ones((16,), jnp.int32)
        best = run
        bestv = vs[0]
        for k in range(1, _ROW):
            run = run * (vs[k] == vs[k - 1]).astype(jnp.int32) + 1
            bt = run > best
            best = jnp.maximum(run, best)
            bestv = jnp.where(bt, vs[k], bestv)
        return bestv

    return lax.cond(jnp.any(anydup), with_scan, lambda: vs[0])


def _sc_body(x_hbm, o_hbm, buf0, buf1, obuf, sem0, sem1):
    n = o_hbm.shape[0]
    rpw = n // _NW
    nch = rpw // _CH
    wid = lax.axis_index("s") * 2 + lax.axis_index("c")
    base_row = wid * rpw
    lane = lax.iota(jnp.int32, 16)

    def src(c):
        return x_hbm.at[pl.ds(base_row + c * _CH, _CH), :]

    def compute(buf, c):
        ob = (c % (_OB // _CH)) * _CH

        def group(g, _):
            obuf[pl.ds(ob + g * 16, 16)] = _mode16(buf, g, lane)
            return 0

        lax.fori_loop(0, _G, group, 0)

    pltpu.async_copy(src(0), buf0, sem0)
    pltpu.async_copy(src(1), buf1, sem1)

    def pair(cc, _):
        c0 = cc * 2
        pltpu.make_async_copy(src(c0), buf0, sem0).wait()
        compute(buf0, c0)

        @pl.when(cc < nch // 2 - 1)
        def _():
            pltpu.async_copy(src(c0 + 2), buf0, sem0)

        pltpu.make_async_copy(src(c0 + 1), buf1, sem1).wait()
        compute(buf1, c0 + 1)

        @pl.when(cc < nch // 2 - 1)
        def _():
            pltpu.async_copy(src(c0 + 3), buf1, sem1)

        @pl.when((c0 + 2) % (_OB // _CH) == 0)
        def _():
            blk = (c0 + 2) // (_OB // _CH) - 1
            pltpu.sync_copy(obuf, o_hbm.at[pl.ds(base_row + blk * _OB, _OB)])

        return 0

    lax.fori_loop(0, nch // 2, pair, 0)


def kernel(x):
    n = x.shape[0]
    out = pl.kernel(
        _sc_body,
        out_type=jax.ShapeDtypeStruct((n,), jnp.float32),
        mesh=plsc.VectorSubcoreMesh(core_axis_name="c", subcore_axis_name="s"),
        scratch_types=[
            pltpu.VMEM((_CH, _ROW), jnp.float32),
            pltpu.VMEM((_CH, _ROW), jnp.float32),
            pltpu.VMEM((_OB,), jnp.float32),
            pltpu.SemaphoreType.DMA,
            pltpu.SemaphoreType.DMA,
        ],
        compiler_params=pltpu.CompilerParams(needs_layout_passes=False),
    )(x)
    return out

# --- scband reference (transcript-rebuilt; emitter-appended) ---
"""Pipeline reference for scband-my-model-61933428416173 (READ-ONLY COPY).

The authoritative reference and input builder live on the scoring server;
editing this copy changes nothing except your own understanding.
"""

import jax, jax.numpy as jnp
import numpy as np


def _row_mode(row):
    # torch.mode(dim=-1): value appearing most often; ties -> smallest value.
    # Sort row; count multiplicity of each element via searchsorted run bounds;
    # argmax returns first (i.e. smallest sorted value) among max-count ties.
    s = jnp.sort(row)
    left = jnp.searchsorted(s, s, side='left')
    right = jnp.searchsorted(s, s, side='right')
    counts = right - left
    idx = jnp.argmax(counts)
    return s[idx]


def setup_inputs(seed: int = 0) -> dict:
    key = jax.random.key(seed)
    x = jax.random.normal(key, (1048576, 32), dtype=jnp.float32)
    return {"x": x}


def reference(x):
    chunk_size = 65536
    n = x.shape[0]
    num_chunks = (n + chunk_size - 1) // chunk_size
    mode_fn = jax.vmap(_row_mode)
    results = []
    for i in range(num_chunks):
        start_idx = i * chunk_size
        end_idx = min((i + 1) * chunk_size, n)
        chunk = x[start_idx:end_idx]
        results.append(mode_fn(chunk))
    return jnp.concatenate(results, axis=0)

if __name__ == "__main__":
    import jax
    _d = setup_inputs()
    print(jax.jit(kernel)(*tuple(_d.values())))

</pallas_src>

<mosaic_0001>
#map = affine_map<(d0, d1) -> (0, 0)>
#map1 = affine_map<(d0, d1) -> (0)>
module attributes {stable_mosaic.version = 14 : i64} {
  func.func @_sc_body(%arg0: i32, %arg1: i32, %arg2: memref<1048576x32xf32, #tpu.memory_space<hbm>>, %arg3: memref<1048576xf32, #tpu.memory_space<hbm>>, %arg4: memref<256x32xf32, #tpu.memory_space<vmem>>, %arg5: memref<256x32xf32, #tpu.memory_space<vmem>>, %arg6: memref<2048xf32, #tpu.memory_space<vmem>>, %arg7: memref<!tpu.dma_semaphore, #tpu.memory_space<semaphore_mem>>, %arg8: memref<!tpu.dma_semaphore, #tpu.memory_space<semaphore_mem>>) attributes {dimension_semantics = [#tpu.dimension_semantics<core_parallel>, #tpu.dimension_semantics<subcore_parallel>], iteration_bounds = array<i64: 2, 16>, scalar_prefetch = 0 : i64, scratch_operands = 5 : i64, tpu.core_type = #tpu.core_type<sc_vector_subcore>, window_params = [{transform_indices = #map}, {transform_indices = #map1}]} {
    %mul3A = arith.constant 2 : i32
    %mul3A_0 = arith.muli %arg1, %mul3A : i32
    %add3A = arith.addi %mul3A_0, %arg0 : i32
    %mul3A_1 = arith.constant 32768 : i32
    %mul3A_2 = arith.muli %add3A, %mul3A_1 : i32
    %iota3A = tpu.iota {dimensions = array<i32: 0>} : vector<16xi32>
    %add3A_3 = arith.constant 0 : i32
    %add3A_4 = arith.addi %mul3A_2, %add3A_3 : i32
    %dma_start3A = arith.constant 0 : i32
    %dma_start3A_5 = tpu.memref_slice %arg2[%add3A_4, %dma_start3A] : memref<1048576x32xf32, #tpu.memory_space<hbm>> -> memref<256x32xf32, #tpu.memory_space<hbm>>
    %dma_start3A_6 = arith.constant 0 : i32
    %dma_start3A_7 = tpu.memref_slice %arg2[%add3A_4, %dma_start3A_6] : memref<1048576x32xf32, #tpu.memory_space<hbm>> -> memref<256x32xf32, #tpu.memory_space<hbm>>
    tpu.enqueue_dma source(%dma_start3A_7 : memref<256x32xf32, #tpu.memory_space<hbm>>) target(%arg4 : memref<256x32xf32, #tpu.memory_space<vmem>>) target_semaphore(%arg7 : memref<!tpu.dma_semaphore, #tpu.memory_space<semaphore_mem>>)
    %add3A_8 = arith.constant 256 : i32
    %add3A_9 = arith.addi %mul3A_2, %add3A_8 : i32
    %dma_start3A_10 = arith.constant 0 : i32
    %dma_start3A_11 = tpu.memref_slice %arg2[%add3A_9, %dma_start3A_10] : memref<1048576x32xf32, #tpu.memory_space<hbm>> -> memref<256x32xf32, #tpu.memory_space<hbm>>
    %dma_start3A_12 = arith.constant 0 : i32
    %dma_start3A_13 = tpu.memref_slice %arg2[%add3A_9, %dma_start3A_12] : memref<1048576x32xf32, #tpu.memory_space<hbm>> -> memref<256x32xf32, #tpu.memory_space<hbm>>
    tpu.enqueue_dma source(%dma_start3A_13 : memref<256x32xf32, #tpu.memory_space<hbm>>) target(%arg5 : memref<256x32xf32, #tpu.memory_space<vmem>>) target_semaphore(%arg8 : memref<!tpu.dma_semaphore, #tpu.memory_space<semaphore_mem>>)
    %scan3A = arith.constant 0 : i32
    %scan3A_14 = arith.constant 0 : i32
    %scan3A_15 = arith.constant 64 : i32
    %scan3A_16 = arith.addi %scan3A_14, %scan3A_15 : i32
    %scan3A_17 = arith.constant 1 : i32
    %scan3A_18 = scf.for %scan3A_20 = %scan3A_14 to %scan3A_16 step %scan3A_17 iter_args(%scan3A_21 = %scan3A) -> (i32)  : i32 {
      %mul3A_22 = arith.constant 2 : i32
      %mul3A_23 = arith.muli %scan3A_20, %mul3A_22 : i32
      %mul3A_24 = arith.constant 256 : i32
      %mul3A_25 = arith.muli %mul3A_23, %mul3A_24 : i32
      %add3A_26 = arith.addi %mul3A_2, %mul3A_25 : i32
      %dma_wait3A = arith.constant 0 : i32
      %dma_wait3A_27 = tpu.memref_slice %arg2[%add3A_26, %dma_wait3A] : memref<1048576x32xf32, #tpu.memory_space<hbm>> -> memref<256x32xf32, #tpu.memory_space<hbm>>
      %dma_wait3A_28 = arith.constant 0 : i32
      %dma_wait3A_29 = tpu.memref_slice %arg2[%add3A_26, %dma_wait3A_28] : memref<1048576x32xf32, #tpu.memory_space<hbm>> -> memref<256x32xf32, #tpu.memory_space<hbm>>
      tpu.wait_dma2 semaphore(%arg7 : memref<!tpu.dma_semaphore, #tpu.memory_space<semaphore_mem>>) src(%dma_wait3A_29 : memref<256x32xf32, #tpu.memory_space<hbm>>) dst(%arg4 : memref<256x32xf32, #tpu.memory_space<vmem>>)
      %jit3A = arith.constant 8 : i32
      %eq3A = arith.constant 0 : i32
      %eq3A_30 = arith.cmpi eq, %jit3A, %eq3A : i32
      %jit3A_31 = arith.constant 1 : i32
      %select_n3A = arith.select %eq3A_30, %jit3A_31, %jit3A : i32
      %rem3A = arith.remsi %mul3A_23, %select_n3A : i32
      %ne3A = arith.constant 0 : i32
      %ne3A_32 = arith.cmpi ne, %rem3A, %ne3A : i32
      %lt3A = arith.constant 0 : i32
      %lt3A_33 = arith.cmpi slt, %rem3A, %lt3A : i32
      %lt3A_34 = arith.constant 0 : i32
      %lt3A_35 = arith.cmpi slt, %select_n3A, %lt3A_34 : i32
      %ne3A_36 = arith.xori %lt3A_33, %lt3A_35 : i1
      %and3A = arith.andi %ne3A_36, %ne3A_32 : i1
      %add3A_37 = arith.addi %rem3A, %select_n3A : i32
      %select_n3A_38 = arith.select %and3A, %add3A_37, %rem3A : i32
      %mul3A_39 = arith.constant 256 : i32
      %mul3A_40 = arith.muli %select_n3A_38, %mul3A_39 : i32
      %scan3A_41 = arith.constant 0 : i32
      %scan3A_42 = arith.constant 0 : i32
      %scan3A_43 = arith.constant 16 : i32
      %scan3A_44 = arith.addi %scan3A_42, %scan3A_43 : i32
      %scan3A_45 = arith.constant 1 : i32
      %scan3A_46 = scf.for %scan3A_116 = %scan3A_42 to %scan3A_44 step %scan3A_45 iter_args(%scan3A_117 = %scan3A_41) -> (i32)  : i32 {
        %mul3A_118 = arith.constant 16 : i32
        %mul3A_119 = arith.muli %scan3A_116, %mul3A_118 : i32
        %add3A_120 = vector.broadcast %mul3A_119 : i32 to vector<16xi32>
        %add3A_121 = arith.addi %iota3A, %add3A_120 : vector<16xi32>
        %broadcast_in_dim3A = arith.constant 0 : i32
        %broadcast_in_dim3A_122 = vector.broadcast %broadcast_in_dim3A : i32 to vector<16xi32>
        %gather3A = tpu.vector_load_idx %arg4[%add3A_121, %broadcast_in_dim3A_122] : memref<256x32xf32, #tpu.memory_space<vmem>>[vector<16xi32>, vector<16xi32>], vector<16xf32>,
        %broadcast_in_dim3A_123 = arith.constant 1 : i32
        %broadcast_in_dim3A_124 = vector.broadcast %broadcast_in_dim3A_123 : i32 to vector<16xi32>
        %gather3A_125 = tpu.vector_load_idx %arg4[%add3A_121, %broadcast_in_dim3A_124] : memref<256x32xf32, #tpu.memory_space<vmem>>[vector<16xi32>, vector<16xi32>], vector<16xf32>,
        %broadcast_in_dim3A_126 = arith.constant 2 : i32
        %broadcast_in_dim3A_127 = vector.broadcast %broadcast_in_dim3A_126 : i32 to vector<16xi32>
        %gather3A_128 = tpu.vector_load_idx %arg4[%add3A_121, %broadcast_in_dim3A_127] : memref<256x32xf32, #tpu.memory_space<vmem>>[vector<16xi32>, vector<16xi32>], vector<16xf32>,
        %broadcast_in_dim3A_129 = arith.constant 3 : i32
        %broadcast_in_dim3A_130 = vector.broadcast %broadcast_in_dim3A_129 : i32 to vector<16xi32>
        %gather3A_131 = tpu.vector_load_idx %arg4[%add3A_121, %broadcast_in_dim3A_130] : memref<256x32xf32, #tpu.memory_space<vmem>>[vector<16xi32>, vector<16xi32>], vector<16xf32>,
        %broadcast_in_dim3A_132 = arith.constant 4 : i32
        %broadcast_in_dim3A_133 = vector.broadcast %broadcast_in_dim3A_132 : i32 to vector<16xi32>
        %gather3A_134 = tpu.vector_load_idx %arg4[%add3A_121, %broadcast_in_dim3A_133] : memref<256x32xf32, #tpu.memory_space<vmem>>[vector<16xi32>, vector<16xi32>], vector<16xf32>,
        %broadcast_in_dim3A_135 = arith.constant 5 : i32
        %broadcast_in_dim3A_136 = vector.broadcast %broadcast_in_dim3A_135 : i32 to vector<16xi32>
        %gather3A_137 = tpu.vector_load_idx %arg4[%add3A_121, %broadcast_in_dim3A_136] : memref<256x32xf32, #tpu.memory_space<vmem>>[vector<16xi32>, vector<16xi32>], vector<16xf32>,
        %broadcast_in_dim3A_138 = arith.constant 6 : i32
        %broadcast_in_dim3A_139 = vector.broadcast %broadcast_in_dim3A_138 : i32 to vector<16xi32>
        %gather3A_140 = tpu.vector_load_idx %arg4[%add3A_121, %broadcast_in_dim3A_139] : memref<256x32xf32, #tpu.memory_space<vmem>>[vector<16xi32>, vector<16xi32>], vector<16xf32>,
        %broadcast_in_dim3A_141 = arith.constant 7 : i32
        %broadcast_in_dim3A_142 = vector.broadcast %broadcast_in_dim3A_141 : i32 to vector<16xi32>
        %gather3A_143 = tpu.vector_load_idx %arg4[%add3A_121, %broadcast_in_dim3A_142] : memref<256x32xf32, #tpu.memory_space<vmem>>[vector<16xi32>, vector<16xi32>], vector<16xf32>,
        %broadcast_in_dim3A_144 = arith.constant 8 : i32
        %broadcast_in_dim3A_145 = vector.broadcast %broadcast_in_dim3A_144 : i32 to vector<16xi32>
        %gather3A_146 = tpu.vector_load_idx %arg4[%add3A_121, %broadcast_in_dim3A_145] : memref<256x32xf32, #tpu.memory_space<vmem>>[vector<16xi32>, vector<16xi32>], vector<16xf32>,
        %broadcast_in_dim3A_147 = arith.constant 9 : i32
        %broadcast_in_dim3A_148 = vector.broadcast %broadcast_in_dim3A_147 : i32 to vector<16xi32>
        %gather3A_149 = tpu.vector_load_idx %arg4[%add3A_121, %broadcast_in_dim3A_148] : memref<256x32xf32, #tpu.memory_space<vmem>>[vector<16xi32>, vector<16xi32>], vector<16xf32>,
        %broadcast_in_dim3A_150 = arith.constant 10 : i32
        %broadcast_in_dim3A_151 = vector.broadcast %broadcast_in_dim3A_150 : i32 to vector<16xi32>
        %gather3A_152 = tpu.vector_load_idx %arg4[%add3A_121, %broadcast_in_dim3A_151] : memref<256x32xf32, #tpu.memory_space<vmem>>[vector<16xi32>, vector<16xi32>], vector<16xf32>,
        %broadcast_in_dim3A_153 = arith.constant 11 : i32
        %broadcast_in_dim3A_154 = vector.broadcast %broadcast_in_dim3A_153 : i32 to vector<16xi32>
        %gather3A_155 = tpu.vector_load_idx %arg4[%add3A_121, %broadcast_in_dim3A_154] : memref<256x32xf32, #tpu.memory_space<vmem>>[vector<16xi32>, vector<16xi32>], vector<16xf32>,
        %broadcast_in_dim3A_156 = arith.constant 12 : i32
        %broadcast_in_dim3A_157 = vector.broadcast %broadcast_in_dim3A_156 : i32 to vector<16xi32>
        %gather3A_158 = tpu.vector_load_idx %arg4[%add3A_121, %broadcast_in_dim3A_157] : memref<256x32xf32, #tpu.memory_space<vmem>>[vector<16xi32>, vector<16xi32>], vector<16xf32>,
        %broadcast_in_dim3A_159 = arith.constant 13 : i32
        %broadcast_in_dim3A_160 = vector.broadcast %broadcast_in_dim3A_159 : i32 to vector<16xi32>
        %gather3A_161 = tpu.vector_load_idx %arg4[%add3A_121, %broadcast_in_dim3A_160] : memref<256x32xf32, #tpu.memory_space<vmem>>[vector<16xi32>, vector<16xi32>], vector<16xf32>,
        %broadcast_in_dim3A_162 = arith.constant 14 : i32
        %broadcast_in_dim3A_163 = vector.broadcast %broadcast_in_dim3A_162 : i32 to vector<16xi32>
        %gather3A_164 = tpu.vector_load_idx %arg4[%add3A_121, %broadcast_in_dim3A_163] : memref<256x32xf32, #tpu.memory_space<vmem>>[vector<16xi32>, vector<16xi32>], vector<16xf32>,
        %broadcast_in_dim3A_165 = arith.constant 15 : i32
        %broadcast_in_dim3A_166 = vector.broadcast %broadcast_in_dim3A_165 : i32 to vector<16xi32>
        %gather3A_167 = tpu.vector_load_idx %arg4[%add3A_121, %broadcast_in_dim3A_166] : memref<256x32xf32, #tpu.memory_space<vmem>>[vector<16xi32>, vector<16xi32>], vector<16xf32>,
        %broadcast_in_dim3A_168 = arith.constant 16 : i32
        %broadcast_in_dim3A_169 = vector.broadcast %broadcast_in_dim3A_168 : i32 to vector<16xi32>
        %gather3A_170 = tpu.vector_load_idx %arg4[%add3A_121, %broadcast_in_dim3A_169] : memref<256x32xf32, #tpu.memory_space<vmem>>[vector<16xi32>, vector<16xi32>], vector<16xf32>,
        %broadcast_in_dim3A_171 = arith.constant 17 : i32
        %broadcast_in_dim3A_172 = vector.broadcast %broadcast_in_dim3A_171 : i32 to vector<16xi32>
        %gather3A_173 = tpu.vector_load_idx %arg4[%add3A_121, %broadcast_in_dim3A_172] : memref<256x32xf32, #tpu.memory_space<vmem>>[vector<16xi32>, vector<16xi32>], vector<16xf32>,
        %broadcast_in_dim3A_174 = arith.constant 18 : i32
        %broadcast_in_dim3A_175 = vector.broadcast %broadcast_in_dim3A_174 : i32 to vector<16xi32>
        %gather3A_176 = tpu.vector_load_idx %arg4[%add3A_121, %broadcast_in_dim3A_175] : memref<256x32xf32, #tpu.memory_space<vmem>>[vector<16xi32>, vector<16xi32>], vector<16xf32>,
        %broadcast_in_dim3A_177 = arith.constant 19 : i32
        %broadcast_in_dim3A_178 = vector.broadcast %broadcast_in_dim3A_177 : i32 to vector<16xi32>
        %gather3A_179 = tpu.vector_load_idx %arg4[%add3A_121, %broadcast_in_dim3A_178] : memref<256x32xf32, #tpu.memory_space<vmem>>[vector<16xi32>, vector<16xi32>], vector<16xf32>,
        %broadcast_in_dim3A_180 = arith.constant 20 : i32
        %broadcast_in_dim3A_181 = vector.broadcast %broadcast_in_dim3A_180 : i32 to vector<16xi32>
        %gather3A_182 = tpu.vector_load_idx %arg4[%add3A_121, %broadcast_in_dim3A_181] : memref<256x32xf32, #tpu.memory_space<vmem>>[vector<16xi32>, vector<16xi32>], vector<16xf32>,
        %broadcast_in_dim3A_183 = arith.constant 21 : i32
        %broadcast_in_dim3A_184 = vector.broadcast %broadcast_in_dim3A_183 : i32 to vector<16xi32>
        %gather3A_185 = tpu.vector_load_idx %arg4[%add3A_121, %broadcast_in_dim3A_184] : memref<256x32xf32, #tpu.memory_space<vmem>>[vector<16xi32>, vector<16xi32>], vector<16xf32>,
        %broadcast_in_dim3A_186 = arith.constant 22 : i32
        %broadcast_in_dim3A_187 = vector.broadcast %broadcast_in_dim3A_186 : i32 to vector<16xi32>
        %gather3A_188 = tpu.vector_load_idx %arg4[%add3A_121, %broadcast_in_dim3A_187] : memref<256x32xf32, #tpu.memory_space<vmem>>[vector<16xi32>, vector<16xi32>], vector<16xf32>,
        %broadcast_in_dim3A_189 = arith.constant 23 : i32
        %broadcast_in_dim3A_190 = vector.broadcast %broadcast_in_dim3A_189 : i32 to vector<16xi32>
        %gather3A_191 = tpu.vector_load_idx %arg4[%add3A_121, %broadcast_in_dim3A_190] : memref<256x32xf32, #tpu.memory_space<vmem>>[vector<16xi32>, vector<16xi32>], vector<16xf32>,
        %broadcast_in_dim3A_192 = arith.constant 24 : i32
        %broadcast_in_dim3A_193 = vector.broadcast %broadcast_in_dim3A_192 : i32 to vector<16xi32>
        %gather3A_194 = tpu.vector_load_idx %arg4[%add3A_121, %broadcast_in_dim3A_193] : memref<256x32xf32, #tpu.memory_space<vmem>>[vector<16xi32>, vector<16xi32>], vector<16xf32>,
        %broadcast_in_dim3A_195 = arith.constant 25 : i32
        %broadcast_in_dim3A_196 = vector.broadcast %broadcast_in_dim3A_195 : i32 to vector<16xi32>
        %gather3A_197 = tpu.vector_load_idx %arg4[%add3A_121, %broadcast_in_dim3A_196] : memref<256x32xf32, #tpu.memory_space<vmem>>[vector<16xi32>, vector<16xi32>], vector<16xf32>,
        %broadcast_in_dim3A_198 = arith.constant 26 : i32
        %broadcast_in_dim3A_199 = vector.broadcast %broadcast_in_dim3A_198 : i32 to vector<16xi32>
        %gather3A_200 = tpu.vector_load_idx %arg4[%add3A_121, %broadcast_in_dim3A_199] : memref<256x32xf32, #tpu.memory_space<vmem>>[vector<16xi32>, vector<16xi32>], vector<16xf32>,
        %broadcast_in_dim3A_201 = arith.constant 27 : i32
        %broadcast_in_dim3A_202 = vector.broadcast %broadcast_in_dim3A_201 : i32 to vector<16xi32>
        %gather3A_203 = tpu.vector_load_idx %arg4[%add3A_121, %broadcast_in_dim3A_202] : memref<256x32xf32, #tpu.memory_space<vmem>>[vector<16xi32>, vector<16xi32>], vector<16xf32>,
        %broadcast_in_dim3A_204 = arith.constant 28 : i32
        %broadcast_in_dim3A_205 = vector.broadcast %broadcast_in_dim3A_204 : i32 to vector<16xi32>
        %gather3A_206 = tpu.vector_load_idx %arg4[%add3A_121, %broadcast_in_dim3A_205] : memref<256x32xf32, #tpu.memory_space<vmem>>[vector<16xi32>, vector<16xi32>], vector<16xf32>,
        %broadcast_in_dim3A_207 = arith.constant 29 : i32
        %broadcast_in_dim3A_208 = vector.broadcast %broadcast_in_dim3A_207 : i32 to vector<16xi32>
        %gather3A_209 = tpu.vector_load_idx %arg4[%add3A_121, %broadcast_in_dim3A_208] : memref<256x32xf32, #tpu.memory_space<vmem>>[vector<16xi32>, vector<16xi32>], vector<16xf32>,
        %broadcast_in_dim3A_210 = arith.constant 30 : i32
        %broadcast_in_dim3A_211 = vector.broadcast %broadcast_in_dim3A_210 : i32 to vector<16xi32>
        %gather3A_212 = tpu.vector_load_idx %arg4[%add3A_121, %broadcast_in_dim3A_211] : memref<256x32xf32, #tpu.memory_space<vmem>>[vector<16xi32>, vector<16xi32>], vector<16xf32>,
        %broadcast_in_dim3A_213 = arith.constant 31 : i32
        %broadcast_in_dim3A_214 = vector.broadcast %broadcast_in_dim3A_213 : i32 to vector<16xi32>
        %gather3A_215 = tpu.vector_load_idx %arg4[%add3A_121, %broadcast_in_dim3A_214] : memref<256x32xf32, #tpu.memory_space<vmem>>[vector<16xi32>, vector<16xi32>], vector<16xf32>,
        %min3A = arith.minimumf %gather3A, %gather3A_125 : vector<16xf32>
        %max3A = arith.maximumf %gather3A, %gather3A_125 : vector<16xf32>
        %min3A_216 = arith.minimumf %gather3A_128, %gather3A_131 : vector<16xf32>
        %max3A_217 = arith.maximumf %gather3A_128, %gather3A_131 : vector<16xf32>
        %min3A_218 = arith.minimumf %min3A, %min3A_216 : vector<16xf32>
        %max3A_219 = arith.maximumf %min3A, %min3A_216 : vector<16xf32>
        %min3A_220 = arith.minimumf %max3A, %max3A_217 : vector<16xf32>
        %max3A_221 = arith.maximumf %max3A, %max3A_217 : vector<16xf32>
        %min3A_222 = arith.minimumf %min3A_220, %max3A_219 : vector<16xf32>
        %max3A_223 = arith.maximumf %min3A_220, %max3A_219 : vector<16xf32>
        %min3A_224 = arith.minimumf %gather3A_134, %gather3A_137 : vector<16xf32>
        %max3A_225 = arith.maximumf %gather3A_134, %gather3A_137 : vector<16xf32>
        %min3A_226 = arith.minimumf %gather3A_140, %gather3A_143 : vector<16xf32>
        %max3A_227 = arith.maximumf %gather3A_140, %gather3A_143 : vector<16xf32>
        %min3A_228 = arith.minimumf %min3A_224, %min3A_226 : vector<16xf32>
        %max3A_229 = arith.maximumf %min3A_224, %min3A_226 : vector<16xf32>
        %min3A_230 = arith.minimumf %max3A_225, %max3A_227 : vector<16xf32>
        %max3A_231 = arith.maximumf %max3A_225, %max3A_227 : vector<16xf32>
        %min3A_232 = arith.minimumf %min3A_230, %max3A_229 : vector<16xf32>
        %max3A_233 = arith.maximumf %min3A_230, %max3A_229 : vector<16xf32>
        %min3A_234 = arith.minimumf %min3A_218, %min3A_228 : vector<16xf32>
        %max3A_235 = arith.maximumf %min3A_218, %min3A_228 : vector<16xf32>
        %min3A_236 = arith.minimumf %max3A_223, %max3A_233 : vector<16xf32>
        %max3A_237 = arith.maximumf %max3A_223, %max3A_233 : vector<16xf32>
        %min3A_238 = arith.minimumf %min3A_236, %max3A_235 : vector<16xf32>
        %max3A_239 = arith.maximumf %min3A_236, %max3A_235 : vector<16xf32>
        %min3A_240 = arith.minimumf %min3A_222, %min3A_232 : vector<16xf32>
        %max3A_241 = arith.maximumf %min3A_222, %min3A_232 : vector<16xf32>
        %min3A_242 = arith.minimumf %max3A_221, %max3A_231 : vector<16xf32>
        %max3A_243 = arith.maximumf %max3A_221, %max3A_231 : vector<16xf32>
        %min3A_244 = arith.minimumf %min3A_242, %max3A_241 : vector<16xf32>
        %max3A_245 = arith.maximumf %min3A_242, %max3A_241 : vector<16xf32>
        %min3A_246 = arith.minimumf %min3A_240, %min3A_238 : vector<16xf32>
        %max3A_247 = arith.maximumf %min3A_240, %min3A_238 : vector<16xf32>
        %min3A_248 = arith.minimumf %min3A_244, %max3A_239 : vector<16xf32>
        %max3A_249 = arith.maximumf %min3A_244, %max3A_239 : vector<16xf32>
        %min3A_250 = arith.minimumf %max3A_245, %max3A_237 : vector<16xf32>
        %max3A_251 = arith.maximumf %max3A_245, %max3A_237 : vector<16xf32>
        %min3A_252 = arith.minimumf %gather3A_146, %gather3A_149 : vector<16xf32>
        %max3A_253 = arith.maximumf %gather3A_146, %gather3A_149 : vector<16xf32>
        %min3A_254 = arith.minimumf %gather3A_152, %gather3A_155 : vector<16xf32>
        %max3A_255 = arith.maximumf %gather3A_152, %gather3A_155 : vector<16xf32>
        %min3A_256 = arith.minimumf %min3A_252, %min3A_254 : vector<16xf32>
        %max3A_257 = arith.maximumf %min3A_252, %min3A_254 : vector<16xf32>
        %min3A_258 = arith.minimumf %max3A_253, %max3A_255 : vector<16xf32>
        %max3A_259 = arith.maximumf %max3A_253, %max3A_255 : vector<16xf32>
        %min3A_260 = arith.minimumf %min3A_258, %max3A_257 : vector<16xf32>
        %max3A_261 = arith.maximumf %min3A_258, %max3A_257 : vector<16xf32>
        %min3A_262 = arith.minimumf %gather3A_158, %gather3A_161 : vector<16xf32>
        %max3A_263 = arith.maximumf %gather3A_158, %gather3A_161 : vector<16xf32>
        %min3A_264 = arith.minimumf %gather3A_164, %gather3A_167 : vector<16xf32>
        %max3A_265 = arith.maximumf %gather3A_164, %gather3A_167 : vector<16xf32>
        %min3A_266 = arith.minimumf %min3A_262, %min3A_264 : vector<16xf32>
        %max3A_267 = arith.maximumf %min3A_262, %min3A_264 : vector<16xf32>
        %min3A_268 = arith.minimumf %max3A_263, %max3A_265 : vector<16xf32>
        %max3A_269 = arith.maximumf %max3A_263, %max3A_265 : vector<16xf32>
        %min3A_270 = arith.minimumf %min3A_268, %max3A_267 : vector<16xf32>
        %max3A_271 = arith.maximumf %min3A_268, %max3A_267 : vector<16xf32>
        %min3A_272 = arith.minimumf %min3A_256, %min3A_266 : vector<16xf32>
        %max3A_273 = arith.maximumf %min3A_256, %min3A_266 : vector<16xf32>
        %min3A_274 = arith.minimumf %max3A_261, %max3A_271 : vector<16xf32>
        %max3A_275 = arith.maximumf %max3A_261, %max3A_271 : vector<16xf32>
        %min3A_276 = arith.minimumf %min3A_274, %max3A_273 : vector<16xf32>
        %max3A_277 = arith.maximumf %min3A_274, %max3A_273 : vector<16xf32>
        %min3A_278 = arith.minimumf %min3A_260, %min3A_270 : vector<16xf32>
        %max3A_279 = arith.maximumf %min3A_260, %min3A_270 : vector<16xf32>
        %min3A_280 = arith.minimumf %max3A_259, %max3A_269 : vector<16xf32>
        %max3A_281 = arith.maximumf %max3A_259, %max3A_269 : vector<16xf32>
        %min3A_282 = arith.minimumf %min3A_280, %max3A_279 : vector<16xf32>
        %max3A_283 = arith.maximumf %min3A_280, %max3A_279 : vector<16xf32>
        %min3A_284 = arith.minimumf %min3A_278, %min3A_276 : vector<16xf32>
        %max3A_285 = arith.maximumf %min3A_278, %min3A_276 : vector<16xf32>
        %min3A_286 = arith.minimumf %min3A_282, %max3A_277 : vector<16xf32>
        %max3A_287 = arith.maximumf %min3A_282, %max3A_277 : vector<16xf32>
        %min3A_288 = arith.minimumf %max3A_283, %max3A_275 : vector<16xf32>
        %max3A_289 = arith.maximumf %max3A_283, %max3A_275 : vector<16xf32>
        %min3A_290 = arith.minimumf %min3A_234, %min3A_272 : vector<16xf32>
        %max3A_291 = arith.maximumf %min3A_234, %min3A_272 : vector<16xf32>
        %min3A_292 = arith.minimumf %max3A_249, %max3A_287 : vector<16xf32>
        %max3A_293 = arith.maximumf %max3A_249, %max3A_287 : vector<16xf32>
        %min3A_294 = arith.minimumf %min3A_292, %max3A_291 : vector<16xf32>
        %max3A_295 = arith.maximumf %min3A_292, %max3A_291 : vector<16xf32>
        %min3A_296 = arith.minimumf %max3A_247, %max3A_285 : vector<16xf32>
        %max3A_297 = arith.maximumf %max3A_247, %max3A_285 : vector<16xf32>
        %min3A_298 = arith.minimumf %max3A_251, %max3A_289 : vector<16xf32>
        %max3A_299 = arith.maximumf %max3A_251, %max3A_289 : vector<16xf32>
        %min3A_300 = arith.minimumf %min3A_298, %max3A_297 : vector<16xf32>
        %max3A_301 = arith.maximumf %min3A_298, %max3A_297 : vector<16xf32>
        %min3A_302 = arith.minimumf %min3A_296, %min3A_294 : vector<16xf32>
        %max3A_303 = arith.maximumf %min3A_296, %min3A_294 : vector<16xf32>
        %min3A_304 = arith.minimumf %min3A_300, %max3A_295 : vector<16xf32>
        %max3A_305 = arith.maximumf %min3A_300, %max3A_295 : vector<16xf32>
        %min3A_306 = arith.minimumf %max3A_301, %max3A_293 : vector<16xf32>
        %max3A_307 = arith.maximumf %max3A_301, %max3A_293 : vector<16xf32>
        %min3A_308 = arith.minimumf %min3A_246, %min3A_284 : vector<16xf32>
        %max3A_309 = arith.maximumf %min3A_246, %min3A_284 : vector<16xf32>
        %min3A_310 = arith.minimumf %min3A_250, %min3A_288 : vector<16xf32>
        %max3A_311 = arith.maximumf %min3A_250, %min3A_288 : vector<16xf32>
        %min3A_312 = arith.minimumf %min3A_310, %max3A_309 : vector<16xf32>
        %max3A_313 = arith.maximumf %min3A_310, %max3A_309 : vector<16xf32>
        %min3A_314 = arith.minimumf %min3A_248, %min3A_286 : vector<16xf32>
        %max3A_315 = arith.maximumf %min3A_248, %min3A_286 : vector<16xf32>
        %min3A_316 = arith.minimumf %max3A_243, %max3A_281 : vector<16xf32>
        %max3A_317 = arith.maximumf %max3A_243, %max3A_281 : vector<16xf32>
        %min3A_318 = arith.minimumf %min3A_316, %max3A_315 : vector<16xf32>
        %max3A_319 = arith.maximumf %min3A_316, %max3A_315 : vector<16xf32>
        %min3A_320 = arith.minimumf %min3A_314, %min3A_312 : vector<16xf32>
        %max3A_321 = arith.maximumf %min3A_314, %min3A_312 : vector<16xf32>
        %min3A_322 = arith.minimumf %min3A_318, %max3A_313 : vector<16xf32>
        %max3A_323 = arith.maximumf %min3A_318, %max3A_313 : vector<16xf32>
        %min3A_324 = arith.minimumf %max3A_319, %max3A_311 : vector<16xf32>
        %max3A_325 = arith.maximumf %max3A_319, %max3A_311 : vector<16xf32>
        %min3A_326 = arith.minimumf %min3A_308, %min3A_302 : vector<16xf32>
        %max3A_327 = arith.maximumf %min3A_308, %min3A_302 : vector<16xf32>
        %min3A_328 = arith.minimumf %min3A_320, %max3A_303 : vector<16xf32>
        %max3A_329 = arith.maximumf %min3A_320, %max3A_303 : vector<16xf32>
        %min3A_330 = arith.minimumf %max3A_321, %min3A_304 : vector<16xf32>
        %max3A_331 = arith.maximumf %max3A_321, %min3A_304 : vector<16xf32>
        %min3A_332 = arith.minimumf %min3A_322, %max3A_305 : vector<16xf32>
        %max3A_333 = arith.maximumf %min3A_322, %max3A_305 : vector<16xf32>
        %min3A_334 = arith.minimumf %max3A_323, %min3A_306 : vector<16xf32>
        %max3A_335 = arith.maximumf %max3A_323, %min3A_306 : vector<16xf32>
        %min3A_336 = arith.minimumf %min3A_324, %max3A_307 : vector<16xf32>
        %max3A_337 = arith.maximumf %min3A_324, %max3A_307 : vector<16xf32>
        %min3A_338 = arith.minimumf %max3A_325, %max3A_299 : vector<16xf32>
        %max3A_339 = arith.maximumf %max3A_325, %max3A_299 : vector<16xf32>
        %min3A_340 = arith.minimumf %gather3A_170, %gather3A_173 : vector<16xf32>
        %max3A_341 = arith.maximumf %gather3A_170, %gather3A_173 : vector<16xf32>
        %min3A_342 = arith.minimumf %gather3A_176, %gather3A_179 : vector<16xf32>
        %max3A_343 = arith.maximumf %gather3A_176, %gather3A_179 : vector<16xf32>
        %min3A_344 = arith.minimumf %min3A_340, %min3A_342 : vector<16xf32>
        %max3A_345 = arith.maximumf %min3A_340, %min3A_342 : vector<16xf32>
        %min3A_346 = arith.minimumf %max3A_341, %max3A_343 : vector<16xf32>
        %max3A_347 = arith.maximumf %max3A_341, %max3A_343 : vector<16xf32>
        %min3A_348 = arith.minimumf %min3A_346, %max3A_345 : vector<16xf32>
        %max3A_349 = arith.maximumf %min3A_346, %max3A_345 : vector<16xf32>
        %min3A_350 = arith.minimumf %gather3A_182, %gather3A_185 : vector<16xf32>
        %max3A_351 = arith.maximumf %gather3A_182, %gather3A_185 : vector<16xf32>
        %min3A_352 = arith.minimumf %gather3A_188, %gather3A_191 : vector<16xf32>
        %max3A_353 = arith.maximumf %gather3A_188, %gather3A_191 : vector<16xf32>
        %min3A_354 = arith.minimumf %min3A_350, %min3A_352 : vector<16xf32>
        %max3A_355 = arith.maximumf %min3A_350, %min3A_352 : vector<16xf32>
        %min3A_356 = arith.minimumf %max3A_351, %max3A_353 : vector<16xf32>
        %max3A_357 = arith.maximumf %max3A_351, %max3A_353 : vector<16xf32>
        %min3A_358 = arith.minimumf %min3A_356, %max3A_355 : vector<16xf32>
        %max3A_359 = arith.maximumf %min3A_356, %max3A_355 : vector<16xf32>
        %min3A_360 = arith.minimumf %min3A_344, %min3A_354 : vector<16xf32>
        %max3A_361 = arith.maximumf %min3A_344, %min3A_354 : vector<16xf32>
        %min3A_362 = arith.minimumf %max3A_349, %max3A_359 : vector<16xf32>
        %max3A_363 = arith.maximumf %max3A_349, %max3A_359 : vector<16xf32>
        %min3A_364 = arith.minimumf %min3A_362, %max3A_361 : vector<16xf32>
        %max3A_365 = arith.maximumf %min3A_362, %max3A_361 : vector<16xf32>
        %min3A_366 = arith.minimumf %min3A_348, %min3A_358 : vector<16xf32>
        %max3A_367 = arith.maximumf %min3A_348, %min3A_358 : vector<16xf32>
        %min3A_368 = arith.minimumf %max3A_347, %max3A_357 : vector<16xf32>
        %max3A_369 = arith.maximumf %max3A_347, %max3A_357 : vector<16xf32>
        %min3A_370 = arith.minimumf %min3A_368, %max3A_367 : vector<16xf32>
        %max3A_371 = arith.maximumf %min3A_368, %max3A_367 : vector<16xf32>
        %min3A_372 = arith.minimumf %min3A_366, %min3A_364 : vector<16xf32>
        %max3A_373 = arith.maximumf %min3A_366, %min3A_364 : vector<16xf32>
        %min3A_374 = arith.minimumf %min3A_370, %max3A_365 : vector<16xf32>
        %max3A_375 = arith.maximumf %min3A_370, %max3A_365 : vector<16xf32>
        %min3A_376 = arith.minimumf %max3A_371, %max3A_363 : vector<16xf32>
        %max3A_377 = arith.maximumf %max3A_371, %max3A_363 : vector<16xf32>
        %min3A_378 = arith.minimumf %gather3A_194, %gather3A_197 : vector<16xf32>
        %max3A_379 = arith.maximumf %gather3A_194, %gather3A_197 : vector<16xf32>
        %min3A_380 = arith.minimumf %gather3A_200, %gather3A_203 : vector<16xf32>
        %max3A_381 = arith.maximumf %gather3A_200, %gather3A_203 : vector<16xf32>
        %min3A_382 = arith.minimumf %min3A_378, %min3A_380 : vector<16xf32>
        %max3A_383 = arith.maximumf %min3A_378, %min3A_380 : vector<16xf32>
        %min3A_384 = arith.minimumf %max3A_379, %max3A_381 : vector<16xf32>
        %max3A_385 = arith.maximumf %max3A_379, %max3A_381 : vector<16xf32>
        %min3A_386 = arith.minimumf %min3A_384, %max3A_383 : vector<16xf32>
        %max3A_387 = arith.maximumf %min3A_384, %max3A_383 : vector<16xf32>
        %min3A_388 = arith.minimumf %gather3A_206, %gather3A_209 : vector<16xf32>
        %max3A_389 = arith.maximumf %gather3A_206, %gather3A_209 : vector<16xf32>
        %min3A_390 = arith.minimumf %gather3A_212, %gather3A_215 : vector<16xf32>
        %max3A_391 = arith.maximumf %gather3A_212, %gather3A_215 : vector<16xf32>
        %min3A_392 = arith.minimumf %min3A_388, %min3A_390 : vector<16xf32>
        %max3A_393 = arith.maximumf %min3A_388, %min3A_390 : vector<16xf32>
        %min3A_394 = arith.minimumf %max3A_389, %max3A_391 : vector<16xf32>
        %max3A_395 = arith.maximumf %max3A_389, %max3A_391 : vector<16xf32>
        %min3A_396 = arith.minimumf %min3A_394, %max3A_393 : vector<16xf32>
        %max3A_397 = arith.maximumf %min3A_394, %max3A_393 : vector<16xf32>
        %min3A_398 = arith.minimumf %min3A_382, %min3A_392 : vector<16xf32>
        %max3A_399 = arith.maximumf %min3A_382, %min3A_392 : vector<16xf32>
        %min3A_400 = arith.minimumf %max3A_387, %max3A_397 : vector<16xf32>
        %max3A_401 = arith.maximumf %max3A_387, %max3A_397 : vector<16xf32>
        %min3A_402 = arith.minimumf %min3A_400, %max3A_399 : vector<16xf32>
        %max3A_403 = arith.maximumf %min3A_400, %max3A_399 : vector<16xf32>
        %min3A_404 = arith.minimumf %min3A_386, %min3A_396 : vector<16xf32>
        %max3A_405 = arith.maximumf %min3A_386, %min3A_396 : vector<16xf32>
        %min3A_406 = arith.minimumf %max3A_385, %max3A_395 : vector<16xf32>
        %max3A_407 = arith.maximumf %max3A_385, %max3A_395 : vector<16xf32>
        %min3A_408 = arith.minimumf %min3A_406, %max3A_405 : vector<16xf32>
        %max3A_409 = arith.maximumf %min3A_406, %max3A_405 : vector<16xf32>
        %min3A_410 = arith.minimumf %min3A_404, %min3A_402 : vector<16xf32>
        %max3A_411 = arith.maximumf %min3A_404, %min3A_402 : vector<16xf32>
        %min3A_412 = arith.minimumf %min3A_408, %max3A_403 : vector<16xf32>
        %max3A_413 = arith.maximumf %min3A_408, %max3A_403 : vector<16xf32>
        %min3A_414 = arith.minimumf %max3A_409, %max3A_401 : vector<16xf32>
        %max3A_415 = arith.maximumf %max3A_409, %max3A_401 : vector<16xf32>
        %min3A_416 = arith.minimumf %min3A_360, %min3A_398 : vector<16xf32>
        %max3A_417 = arith.maximumf %min3A_360, %min3A_398 : vector<16xf32>
        %min3A_418 = arith.minimumf %max3A_375, %max3A_413 : vector<16xf32>
        %max3A_419 = arith.maximumf %max3A_375, %max3A_413 : vector<16xf32>
        %min3A_420 = arith.minimumf %min3A_418, %max3A_417 : vector<16xf32>
        %max3A_421 = arith.maximumf %min3A_418, %max3A_417 : vector<16xf32>
        %min3A_422 = arith.minimumf %max3A_373, %max3A_411 : vector<16xf32>
        %max3A_423 = arith.maximumf %max3A_373, %max3A_411 : vector<16xf32>
        %min3A_424 = arith.minimumf %max3A_377, %max3A_415 : vector<16xf32>
        %max3A_425 = arith.maximumf %max3A_377, %max3A_415 : vector<16xf32>
        %min3A_426 = arith.minimumf %min3A_424, %max3A_423 : vector<16xf32>
        %max3A_427 = arith.maximumf %min3A_424, %max3A_423 : vector<16xf32>
        %min3A_428 = arith.minimumf %min3A_422, %min3A_420 : vector<16xf32>
        %max3A_429 = arith.maximumf %min3A_422, %min3A_420 : vector<16xf32>
        %min3A_430 = arith.minimumf %min3A_426, %max3A_421 : vector<16xf32>
        %max3A_431 = arith.maximumf %min3A_426, %max3A_421 : vector<16xf32>
        %min3A_432 = arith.minimumf %max3A_427, %max3A_419 : vector<16xf32>
        %max3A_433 = arith.maximumf %max3A_427, %max3A_419 : vector<16xf32>
        %min3A_434 = arith.minimumf %min3A_372, %min3A_410 : vector<16xf32>
        %max3A_435 = arith.maximumf %min3A_372, %min3A_410 : vector<16xf32>
        %min3A_436 = arith.minimumf %min3A_376, %min3A_414 : vector<16xf32>
        %max3A_437 = arith.maximumf %min3A_376, %min3A_414 : vector<16xf32>
        %min3A_438 = arith.minimumf %min3A_436, %max3A_435 : vector<16xf32>
        %max3A_439 = arith.maximumf %min3A_436, %max3A_435 : vector<16xf32>
        %min3A_440 = arith.minimumf %min3A_374, %min3A_412 : vector<16xf32>
        %max3A_441 = arith.maximumf %min3A_374, %min3A_412 : vector<16xf32>
        %min3A_442 = arith.minimumf %max3A_369, %max3A_407 : vector<16xf32>
        %max3A_443 = arith.maximumf %max3A_369, %max3A_407 : vector<16xf32>
        %min3A_444 = arith.minimumf %min3A_442, %max3A_441 : vector<16xf32>
        %max3A_445 = arith.maximumf %min3A_442, %max3A_441 : vector<16xf32>
        %min3A_446 = arith.minimumf %min3A_440, %min3A_438 : vector<16xf32>
        %max3A_447 = arith.maximumf %min3A_440, %min3A_438 : vector<16xf32>
        %min3A_448 = arith.minimumf %min3A_444, %max3A_439 : vector<16xf32>
        %max3A_449 = arith.maximumf %min3A_444, %max3A_439 : vector<16xf32>
        %min3A_450 = arith.minimumf %max3A_445, %max3A_437 : vector<16xf32>
        %max3A_451 = arith.maximumf %max3A_445, %max3A_437 : vector<16xf32>
        %min3A_452 = arith.minimumf %min3A_434, %min3A_428 : vector<16xf32>
        %max3A_453 = arith.maximumf %min3A_434, %min3A_428 : vector<16xf32>
        %min3A_454 = arith.minimumf %min3A_446, %max3A_429 : vector<16xf32>
        %max3A_455 = arith.maximumf %min3A_446, %max3A_429 : vector<16xf32>
        %min3A_456 = arith.minimumf %max3A_447, %min3A_430 : vector<16xf32>
        %max3A_457 = arith.maximumf %max3A_447, %min3A_430 : vector<16xf32>
        %min3A_458 = arith.minimumf %min3A_448, %max3A_431 : vector<16xf32>
        %max3A_459 = arith.maximumf %min3A_448, %max3A_431 : vector<16xf32>
        %min3A_460 = arith.minimumf %max3A_449, %min3A_432 : vector<16xf32>
        %max3A_461 = arith.maximumf %max3A_449, %min3A_432 : vector<16xf32>
        %min3A_462 = arith.minimumf %min3A_450, %max3A_433 : vector<16xf32>
        %max3A_463 = arith.maximumf %min3A_450, %max3A_433 : vector<16xf32>
        %min3A_464 = arith.minimumf %max3A_451, %max3A_425 : vector<16xf32>
        %max3A_465 = arith.maximumf %max3A_451, %max3A_425 : vector<16xf32>
        %min3A_466 = arith.minimumf %min3A_290, %min3A_416 : vector<16xf32>
        %max3A_467 = arith.maximumf %min3A_290, %min3A_416 : vector<16xf32>
        %min3A_468 = arith.minimumf %max3A_333, %max3A_459 : vector<16xf32>
        %max3A_469 = arith.maximumf %max3A_333, %max3A_459 : vector<16xf32>
        %min3A_470 = arith.minimumf %min3A_468, %max3A_467 : vector<16xf32>
        %max3A_471 = arith.maximumf %min3A_468, %max3A_467 : vector<16xf32>
        %min3A_472 = arith.minimumf %max3A_329, %max3A_455 : vector<16xf32>
        %max3A_473 = arith.maximumf %max3A_329, %max3A_455 : vector<16xf32>
        %min3A_474 = arith.minimumf %max3A_337, %max3A_463 : vector<16xf32>
        %max3A_475 = arith.maximumf %max3A_337, %max3A_463 : vector<16xf32>
        %min3A_476 = arith.minimumf %min3A_474, %max3A_473 : vector<16xf32>
        %max3A_477 = arith.maximumf %min3A_474, %max3A_473 : vector<16xf32>
        %min3A_478 = arith.minimumf %min3A_472, %min3A_470 : vector<16xf32>
        %max3A_479 = arith.maximumf %min3A_472, %min3A_470 : vector<16xf32>
        %min3A_480 = arith.minimumf %min3A_476, %max3A_471 : vector<16xf32>
        %max3A_481 = arith.maximumf %min3A_476, %max3A_471 : vector<16xf32>
        %min3A_482 = arith.minimumf %max3A_477, %max3A_469 : vector<16xf32>
        %max3A_483 = arith.maximumf %max3A_477, %max3A_469 : vector<16xf32>
        %min3A_484 = arith.minimumf %max3A_327, %max3A_453 : vector<16xf32>
        %max3A_485 = arith.maximumf %max3A_327, %max3A_453 : vector<16xf32>
        %min3A_486 = arith.minimumf %max3A_335, %max3A_461 : vector<16xf32>
        %max3A_487 = arith.maximumf %max3A_335, %max3A_461 : vector<16xf32>
        %min3A_488 = arith.minimumf %min3A_486, %max3A_485 : vector<16xf32>
        %max3A_489 = arith.maximumf %min3A_486, %max3A_485 : vector<16xf32>
        %min3A_490 = arith.minimumf %max3A_331, %max3A_457 : vector<16xf32>
        %max3A_491 = arith.maximumf %max3A_331, %max3A_457 : vector<16xf32>
        %min3A_492 = arith.minimumf %max3A_339, %max3A_465 : vector<16xf32>
        %max3A_493 = arith.maximumf %max3A_339, %max3A_465 : vector<16xf32>
        %min3A_494 = arith.minimumf %min3A_492, %max3A_491 : vector<16xf32>
        %max3A_495 = arith.maximumf %min3A_492, %max3A_491 : vector<16xf32>
        %min3A_496 = arith.minimumf %min3A_490, %min3A_488 : vector<16xf32>
        %max3A_497 = arith.maximumf %min3A_490, %min3A_488 : vector<16xf32>
        %min3A_498 = arith.minimumf %min3A_494, %max3A_489 : vector<16xf32>
        %max3A_499 = arith.maximumf %min3A_494, %max3A_489 : vector<16xf32>
        %min3A_500 = arith.minimumf %max3A_495, %max3A_487 : vector<16xf32>
        %max3A_501 = arith.maximumf %max3A_495, %max3A_487 : vector<16xf32>
        %min3A_502 = arith.minimumf %min3A_484, %min3A_478 : vector<16xf32>
        %max3A_503 = arith.maximumf %min3A_484, %min3A_478 : vector<16xf32>
        %min3A_504 = arith.minimumf %min3A_496, %max3A_479 : vector<16xf32>
        %max3A_505 = arith.maximumf %min3A_496, %max3A_479 : vector<16xf32>
        %min3A_506 = arith.minimumf %max3A_497, %min3A_480 : vector<16xf32>
        %max3A_507 = arith.maximumf %max3A_497, %min3A_480 : vector<16xf32>
        %min3A_508 = arith.minimumf %min3A_498, %max3A_481 : vector<16xf32>
        %max3A_509 = arith.maximumf %min3A_498, %max3A_481 : vector<16xf32>
        %min3A_510 = arith.minimumf %max3A_499, %min3A_482 : vector<16xf32>
        %max3A_511 = arith.maximumf %max3A_499, %min3A_482 : vector<16xf32>
        %min3A_512 = arith.minimumf %min3A_500, %max3A_483 : vector<16xf32>
        %max3A_513 = arith.maximumf %min3A_500, %max3A_483 : vector<16xf32>
        %min3A_514 = arith.minimumf %max3A_501, %max3A_475 : vector<16xf32>
        %max3A_515 = arith.maximumf %max3A_501, %max3A_475 : vector<16xf32>
        %min3A_516 = arith.minimumf %min3A_326, %min3A_452 : vector<16xf32>
        %max3A_517 = arith.maximumf %min3A_326, %min3A_452 : vector<16xf32>
        %min3A_518 = arith.minimumf %min3A_334, %min3A_460 : vector<16xf32>
        %max3A_519 = arith.maximumf %min3A_334, %min3A_460 : vector<16xf32>
        %min3A_520 = arith.minimumf %min3A_518, %max3A_517 : vector<16xf32>
        %max3A_521 = arith.maximumf %min3A_518, %max3A_517 : vector<16xf32>
        %min3A_522 = arith.minimumf %min3A_330, %min3A_456 : vector<16xf32>
        %max3A_523 = arith.maximumf %min3A_330, %min3A_456 : vector<16xf32>
        %min3A_524 = arith.minimumf %min3A_338, %min3A_464 : vector<16xf32>
        %max3A_525 = arith.maximumf %min3A_338, %min3A_464 : vector<16xf32>
        %min3A_526 = arith.minimumf %min3A_524, %max3A_523 : vector<16xf32>
        %max3A_527 = arith.maximumf %min3A_524, %max3A_523 : vector<16xf32>
        %min3A_528 = arith.minimumf %min3A_522, %min3A_520 : vector<16xf32>
        %max3A_529 = arith.maximumf %min3A_522, %min3A_520 : vector<16xf32>
        %min3A_530 = arith.minimumf %min3A_526, %max3A_521 : vector<16xf32>
        %max3A_531 = arith.maximumf %min3A_526, %max3A_521 : vector<16xf32>
        %min3A_532 = arith.minimumf %max3A_527, %max3A_519 : vector<16xf32>
        %max3A_533 = arith.maximumf %max3A_527, %max3A_519 : vector<16xf32>
        %min3A_534 = arith.minimumf %min3A_328, %min3A_454 : vector<16xf32>
        %max3A_535 = arith.maximumf %min3A_328, %min3A_454 : vector<16xf32>
        %min3A_536 = arith.minimumf %min3A_336, %min3A_462 : vector<16xf32>
        %max3A_537 = arith.maximumf %min3A_336, %min3A_462 : vector<16xf32>
        %min3A_538 = arith.minimumf %min3A_536, %max3A_535 : vector<16xf32>
        %max3A_539 = arith.maximumf %min3A_536, %max3A_535 : vector<16xf32>
        %min3A_540 = arith.minimumf %min3A_332, %min3A_458 : vector<16xf32>
        %max3A_541 = arith.maximumf %min3A_332, %min3A_458 : vector<16xf32>
        %min3A_542 = arith.minimumf %max3A_317, %max3A_443 : vector<16xf32>
        %max3A_543 = arith.maximumf %max3A_317, %max3A_443 : vector<16xf32>
        %min3A_544 = arith.minimumf %min3A_542, %max3A_541 : vector<16xf32>
        %max3A_545 = arith.maximumf %min3A_542, %max3A_541 : vector<16xf32>
        %min3A_546 = arith.minimumf %min3A_540, %min3A_538 : vector<16xf32>
        %max3A_547 = arith.maximumf %min3A_540, %min3A_538 : vector<16xf32>
        %min3A_548 = arith.minimumf %min3A_544, %max3A_539 : vector<16xf32>
        %max3A_549 = arith.maximumf %min3A_544, %max3A_539 : vector<16xf32>
        %min3A_550 = arith.minimumf %max3A_545, %max3A_537 : vector<16xf32>
        %max3A_551 = arith.maximumf %max3A_545, %max3A_537 : vector<16xf32>
        %min3A_552 = arith.minimumf %min3A_534, %min3A_528 : vector<16xf32>
        %max3A_553 = arith.maximumf %min3A_534, %min3A_528 : vector<16xf32>
        %min3A_554 = arith.minimumf %min3A_546, %max3A_529 : vector<16xf32>
        %max3A_555 = arith.maximumf %min3A_546, %max3A_529 : vector<16xf32>
        %min3A_556 = arith.minimumf %max3A_547, %min3A_530 : vector<16xf32>
        %max3A_557 = arith.maximumf %max3A_547, %min3A_530 : vector<16xf32>
        %min3A_558 = arith.minimumf %min3A_548, %max3A_531 : vector<16xf32>
        %max3A_559 = arith.maximumf %min3A_548, %max3A_531 : vector<16xf32>
        %min3A_560 = arith.minimumf %max3A_549, %min3A_532 : vector<16xf32>
        %max3A_561 = arith.maximumf %max3A_549, %min3A_532 : vector<16xf32>
        %min3A_562 = arith.minimumf %min3A_550, %max3A_533 : vector<16xf32>
        %max3A_563 = arith.maximumf %min3A_550, %max3A_533 : vector<16xf32>
        %min3A_564 = arith.minimumf %max3A_551, %max3A_525 : vector<16xf32>
        %max3A_565 = arith.maximumf %max3A_551, %max3A_525 : vector<16xf32>
        %min3A_566 = arith.minimumf %min3A_516, %min3A_502 : vector<16xf32>
        %max3A_567 = arith.maximumf %min3A_516, %min3A_502 : vector<16xf32>
        %min3A_568 = arith.minimumf %min3A_552, %max3A_503 : vector<16xf32>
        %max3A_569 = arith.maximumf %min3A_552, %max3A_503 : vector<16xf32>
        %min3A_570 = arith.minimumf %max3A_553, %min3A_504 : vector<16xf32>
        %max3A_571 = arith.maximumf %max3A_553, %min3A_504 : vector<16xf32>
        %min3A_572 = arith.minimumf %min3A_554, %max3A_505 : vector<16xf32>
        %max3A_573 = arith.maximumf %min3A_554, %max3A_505 : vector<16xf32>
        %min3A_574 = arith.minimumf %max3A_555, %min3A_506 : vector<16xf32>
        %max3A_575 = arith.maximumf %max3A_555, %min3A_506 : vector<16xf32>
        %min3A_576 = arith.minimumf %min3A_556, %max3A_507 : vector<16xf32>
        %max3A_577 = arith.maximumf %min3A_556, %max3A_507 : vector<16xf32>
        %min3A_578 = arith.minimumf %max3A_557, %min3A_508 : vector<16xf32>
        %max3A_579 = arith.maximumf %max3A_557, %min3A_508 : vector<16xf32>
        %min3A_580 = arith.minimumf %min3A_558, %max3A_509 : vector<16xf32>
        %max3A_581 = arith.maximumf %min3A_558, %max3A_509 : vector<16xf32>
        %min3A_582 = arith.minimumf %max3A_559, %min3A_510 : vector<16xf32>
        %max3A_583 = arith.maximumf %max3A_559, %min3A_510 : vector<16xf32>
        %min3A_584 = arith.minimumf %min3A_560, %max3A_511 : vector<16xf32>
        %max3A_585 = arith.maximumf %min3A_560, %max3A_511 : vector<16xf32>
        %min3A_586 = arith.minimumf %max3A_561, %min3A_512 : vector<16xf32>
        %max3A_587 = arith.maximumf %max3A_561, %min3A_512 : vector<16xf32>
        %min3A_588 = arith.minimumf %min3A_562, %max3A_513 : vector<16xf32>
        %max3A_589 = arith.maximumf %min3A_562, %max3A_513 : vector<16xf32>
        %min3A_590 = arith.minimumf %max3A_563, %min3A_514 : vector<16xf32>
        %max3A_591 = arith.maximumf %max3A_563, %min3A_514 : vector<16xf32>
        %min3A_592 = arith.minimumf %min3A_564, %max3A_515 : vector<16xf32>
        %max3A_593 = arith.maximumf %min3A_564, %max3A_515 : vector<16xf32>
        %min3A_594 = arith.minimumf %max3A_565, %max3A_493 : vector<16xf32>
        %max3A_595 = arith.maximumf %max3A_565, %max3A_493 : vector<16xf32>
        %eq3A_596 = arith.cmpf oeq, %min3A_566, %min3A_466 : vector<16xf32>
        %eq3A_597 = arith.cmpf oeq, %max3A_567, %min3A_566 : vector<16xf32>
        %or3A = arith.ori %eq3A_596, %eq3A_597 : vector<16xi1>
        %eq3A_598 = arith.cmpf oeq, %min3A_568, %max3A_567 : vector<16xf32>
        %or3A_599 = arith.ori %or3A, %eq3A_598 : vector<16xi1>
        %eq3A_600 = arith.cmpf oeq, %max3A_569, %min3A_568 : vector<16xf32>
        %or3A_601 = arith.ori %or3A_599, %eq3A_600 : vector<16xi1>
        %eq3A_602 = arith.cmpf oeq, %min3A_570, %max3A_569 : vector<16xf32>
        %or3A_603 = arith.ori %or3A_601, %eq3A_602 : vector<16xi1>
        %eq3A_604 = arith.cmpf oeq, %max3A_571, %min3A_570 : vector<16xf32>
        %or3A_605 = arith.ori %or3A_603, %eq3A_604 : vector<16xi1>
        %eq3A_606 = arith.cmpf oeq, %min3A_572, %max3A_571 : vector<16xf32>
        %or3A_607 = arith.ori %or3A_605, %eq3A_606 : vector<16xi1>
        %eq3A_608 = arith.cmpf oeq, %max3A_573, %min3A_572 : vector<16xf32>
        %or3A_609 = arith.ori %or3A_607, %eq3A_608 : vector<16xi1>
        %eq3A_610 = arith.cmpf oeq, %min3A_574, %max3A_573 : vector<16xf32>
        %or3A_611 = arith.ori %or3A_609, %eq3A_610 : vector<16xi1>
        %eq3A_612 = arith.cmpf oeq, %max3A_575, %min3A_574 : vector<16xf32>
        %or3A_613 = arith.ori %or3A_611, %eq3A_612 : vector<16xi1>
        %eq3A_614 = arith.cmpf oeq, %min3A_576, %max3A_575 : vector<16xf32>
        %or3A_615 = arith.ori %or3A_613, %eq3A_614 : vector<16xi1>
        %eq3A_616 = arith.cmpf oeq, %max3A_577, %min3A_576 : vector<16xf32>
        %or3A_617 = arith.ori %or3A_615, %eq3A_616 : vector<16xi1>
        %eq3A_618 = arith.cmpf oeq, %min3A_578, %max3A_577 : vector<16xf32>
        %or3A_619 = arith.ori %or3A_617, %eq3A_618 : vector<16xi1>
        %eq3A_620 = arith.cmpf oeq, %max3A_579, %min3A_578 : vector<16xf32>
        %or3A_621 = arith.ori %or3A_619, %eq3A_620 : vector<16xi1>
        %eq3A_622 = arith.cmpf oeq, %min3A_580, %max3A_579 : vector<16xf32>
        %or3A_623 = arith.ori %or3A_621, %eq3A_622 : vector<16xi1>
        %eq3A_624 = arith.cmpf oeq, %max3A_581, %min3A_580 : vector<16xf32>
        %or3A_625 = arith.ori %or3A_623, %eq3A_624 : vector<16xi1>
        %eq3A_626 = arith.cmpf oeq, %min3A_582, %max3A_581 : vector<16xf32>
        %or3A_627 = arith.ori %or3A_625, %eq3A_626 : vector<16xi1>
        %eq3A_628 = arith.cmpf oeq, %max3A_583, %min3A_582 : vector<16xf32>
        %or3A_629 = arith.ori %or3A_627, %eq3A_628 : vector<16xi1>
        %eq3A_630 = arith.cmpf oeq, %min3A_584, %max3A_583 : vector<16xf32>
        %or3A_631 = arith.ori %or3A_629, %eq3A_630 : vector<16xi1>
        %eq3A_632 = arith.cmpf oeq, %max3A_585, %min3A_584 : vector<16xf32>
        %or3A_633 = arith.ori %or3A_631, %eq3A_632 : vector<16xi1>
        %eq3A_634 = arith.cmpf oeq, %min3A_586, %max3A_585 : vector<16xf32>
        %or3A_635 = arith.ori %or3A_633, %eq3A_634 : vector<16xi1>
        %eq3A_636 = arith.cmpf oeq, %max3A_587, %min3A_586 : vector<16xf32>
        %or3A_637 = arith.ori %or3A_635, %eq3A_636 : vector<16xi1>
        %eq3A_638 = arith.cmpf oeq, %min3A_588, %max3A_587 : vector<16xf32>
        %or3A_639 = arith.ori %or3A_637, %eq3A_638 : vector<16xi1>
        %eq3A_640 = arith.cmpf oeq, %max3A_589, %min3A_588 : vector<16xf32>
        %or3A_641 = arith.ori %or3A_639, %eq3A_640 : vector<16xi1>
        %eq3A_642 = arith.cmpf oeq, %min3A_590, %max3A_589 : vector<16xf32>
        %or3A_643 = arith.ori %or3A_641, %eq3A_642 : vector<16xi1>
        %eq3A_644 = arith.cmpf oeq, %max3A_591, %min3A_590 : vector<16xf32>
        %or3A_645 = arith.ori %or3A_643, %eq3A_644 : vector<16xi1>
        %eq3A_646 = arith.cmpf oeq, %min3A_592, %max3A_591 : vector<16xf32>
        %or3A_647 = arith.ori %or3A_645, %eq3A_646 : vector<16xi1>
        %eq3A_648 = arith.cmpf oeq, %max3A_593, %min3A_592 : vector<16xf32>
        %or3A_649 = arith.ori %or3A_647, %eq3A_648 : vector<16xi1>
        %eq3A_650 = arith.cmpf oeq, %min3A_594, %max3A_593 : vector<16xf32>
        %or3A_651 = arith.ori %or3A_649, %eq3A_650 : vector<16xi1>
        %eq3A_652 = arith.cmpf oeq, %max3A_595, %min3A_594 : vector<16xf32>
        %or3A_653 = arith.ori %or3A_651, %eq3A_652 : vector<16xi1>
        %eq3A_654 = arith.cmpf oeq, %max3A_543, %max3A_595 : vector<16xf32>
        %or3A_655 = arith.ori %or3A_653, %eq3A_654 : vector<16xi1>
        %reduce_or3A = arith.constant 1.000000e+00 : f32
        %reduce_or3A_656 = arith.constant 0.000000e+00 : f32
        %reduce_or3A_657 = vector.broadcast %reduce_or3A : f32 to vector<16xf32>
        %reduce_or3A_658 = vector.broadcast %reduce_or3A_656 : f32 to vector<16xf32>
        %reduce_or3A_659 = arith.select %or3A_655, %reduce_or3A_657, %reduce_or3A_658 : vector<16xi1>, vector<16xf32>
        %reduce_or3A_660 = arith.constant true
        %reduce_or3A_661 = vector.broadcast %reduce_or3A_660 : i1 to vector<16xi1>
        %reduce_or3A_662 = tpu.scan <max>, %reduce_or3A_659 masked %reduce_or3A_661 : vector<16xf32>, vector<16xi1> -> vector<16xf32>
        %reduce_or3A_663 = vector.extract %reduce_or3A_662[15] : f32 from vector<16xf32>
        %reduce_or3A_664 = arith.constant 0.000000e+00 : f32
        %reduce_or3A_665 = arith.cmpf ogt, %reduce_or3A_663, %reduce_or3A_664 : f32
        %convert_element_type3A_666 = arith.extui %reduce_or3A_665 : i1 to i32
        %cond3A_667 = arith.constant 0 : i32
        %cond3A_668 = arith.cmpi ne, %convert_element_type3A_666, %cond3A_667 : i32
        %cond3A_669 = scf.if %cond3A_668 -> (vector<16xf32>) {
          %broadcast_in_dim3A_675 = arith.constant 1 : i32
          %broadcast_in_dim3A_676 = vector.broadcast %broadcast_in_dim3A_675 : i32 to vector<16xi32>
          %eq3A_677 = arith.cmpf oeq, %min3A_566, %min3A_466 : vector<16xf32>
          %convert_element_type3A_678 = arith.extui %eq3A_677 : vector<16xi1> to vector<16xi32>
          %mul3A_679 = arith.muli %broadcast_in_dim3A_676, %convert_element_type3A_678 : vector<16xi32>
          %add3A_680 = arith.constant 1 : i32
          %add3A_681 = vector.broadcast %add3A_680 : i32 to vector<16xi32>
          %add3A_682 = arith.addi %mul3A_679, %add3A_681 : vector<16xi32>
          %gt3A = arith.cmpi sgt, %add3A_682, %broadcast_in_dim3A_676 : vector<16xi32>
          %max3A_683 = arith.maxsi %add3A_682, %broadcast_in_dim3A_676 : vector<16xi32>
          %select_n3A_684 = arith.select %gt3A, %min3A_566, %min3A_466 : vector<16xi1>, vector<16xf32>
          %eq3A_685 = arith.cmpf oeq, %max3A_567, %min3A_566 : vector<16xf32>
          %convert_element_type3A_686 = arith.extui %eq3A_685 : vector<16xi1> to vector<16xi32>
          %mul3A_687 = arith.muli %add3A_682, %convert_element_type3A_686 : vector<16xi32>
          %add3A_688 = arith.constant 1 : i32
          %add3A_689 = vector.broadcast %add3A_688 : i32 to vector<16xi32>
          %add3A_690 = arith.addi %mul3A_687, %add3A_689 : vector<16xi32>
          %gt3A_691 = arith.cmpi sgt, %add3A_690, %max3A_683 : vector<16xi32>
          %max3A_692 = arith.maxsi %add3A_690, %max3A_683 : vector<16xi32>
          %select_n3A_693 = arith.select %gt3A_691, %max3A_567, %select_n3A_684 : vector<16xi1>, vector<16xf32>
          %eq3A_694 = arith.cmpf oeq, %min3A_568, %max3A_567 : vector<16xf32>
          %convert_element_type3A_695 = arith.extui %eq3A_694 : vector<16xi1> to vector<16xi32>
          %mul3A_696 = arith.muli %add3A_690, %convert_element_type3A_695 : vector<16xi32>
          %add3A_697 = arith.constant 1 : i32
          %add3A_698 = vector.broadcast %add3A_697 : i32 to vector<16xi32>
          %add3A_699 = arith.addi %mul3A_696, %add3A_698 : vector<16xi32>
          %gt3A_700 = arith.cmpi sgt, %add3A_699, %max3A_692 : vector<16xi32>
          %max3A_701 = arith.maxsi %add3A_699, %max3A_692 : vector<16xi32>
          %select_n3A_702 = arith.select %gt3A_700, %min3A_568, %select_n3A_693 : vector<16xi1>, vector<16xf32>
          %eq3A_703 = arith.cmpf oeq, %max3A_569, %min3A_568 : vector<16xf32>
          %convert_element_type3A_704 = arith.extui %eq3A_703 : vector<16xi1> to vector<16xi32>
          %mul3A_705 = arith.muli %add3A_699, %convert_element_type3A_704 : vector<16xi32>
          %add3A_706 = arith.constant 1 : i32
          %add3A_707 = vector.broadcast %add3A_706 : i32 to vector<16xi32>
          %add3A_708 = arith.addi %mul3A_705, %add3A_707 : vector<16xi32>
          %gt3A_709 = arith.cmpi sgt, %add3A_708, %max3A_701 : vector<16xi32>
          %max3A_710 = arith.maxsi %add3A_708, %max3A_701 : vector<16xi32>
          %select_n3A_711 = arith.select %gt3A_709, %max3A_569, %select_n3A_702 : vector<16xi1>, vector<16xf32>
          %eq3A_712 = arith.cmpf oeq, %min3A_570, %max3A_569 : vector<16xf32>
          %convert_element_type3A_713 = arith.extui %eq3A_712 : vector<16xi1> to vector<16xi32>
          %mul3A_714 = arith.muli %add3A_708, %convert_element_type3A_713 : vector<16xi32>
          %add3A_715 = arith.constant 1 : i32
          %add3A_716 = vector.broadcast %add3A_715 : i32 to vector<16xi32>
          %add3A_717 = arith.addi %mul3A_714, %add3A_716 : vector<16xi32>
          %gt3A_718 = arith.cmpi sgt, %add3A_717, %max3A_710 : vector<16xi32>
          %max3A_719 = arith.maxsi %add3A_717, %max3A_710 : vector<16xi32>
          %select_n3A_720 = arith.select %gt3A_718, %min3A_570, %select_n3A_711 : vector<16xi1>, vector<16xf32>
          %eq3A_721 = arith.cmpf oeq, %max3A_571, %min3A_570 : vector<16xf32>
          %convert_element_type3A_722 = arith.extui %eq3A_721 : vector<16xi1> to vector<16xi32>
          %mul3A_723 = arith.muli %add3A_717, %convert_element_type3A_722 : vector<16xi32>
          %add3A_724 = arith.constant 1 : i32
          %add3A_725 = vector.broadcast %add3A_724 : i32 to vector<16xi32>
          %add3A_726 = arith.addi %mul3A_723, %add3A_725 : vector<16xi32>
          %gt3A_727 = arith.cmpi sgt, %add3A_726, %max3A_719 : vector<16xi32>
          %max3A_728 = arith.maxsi %add3A_726, %max3A_719 : vector<16xi32>
          %select_n3A_729 = arith.select %gt3A_727, %max3A_571, %select_n3A_720 : vector<16xi1>, vector<16xf32>
          %eq3A_730 = arith.cmpf oeq, %min3A_572, %max3A_571 : vector<16xf32>
          %convert_element_type3A_731 = arith.extui %eq3A_730 : vector<16xi1> to vector<16xi32>
          %mul3A_732 = arith.muli %add3A_726, %convert_element_type3A_731 : vector<16xi32>
          %add3A_733 = arith.constant 1 : i32
          %add3A_734 = vector.broadcast %add3A_733 : i32 to vector<16xi32>
          %add3A_735 = arith.addi %mul3A_732, %add3A_734 : vector<16xi32>
          %gt3A_736 = arith.cmpi sgt, %add3A_735, %max3A_728 : vector<16xi32>
          %max3A_737 = arith.maxsi %add3A_735, %max3A_728 : vector<16xi32>
          %select_n3A_738 = arith.select %gt3A_736, %min3A_572, %select_n3A_729 : vector<16xi1>, vector<16xf32>
          %eq3A_739 = arith.cmpf oeq, %max3A_573, %min3A_572 : vector<16xf32>
          %convert_element_type3A_740 = arith.extui %eq3A_739 : vector<16xi1> to vector<16xi32>
          %mul3A_741 = arith.muli %add3A_735, %convert_element_type3A_740 : vector<16xi32>
          %add3A_742 = arith.constant 1 : i32
          %add3A_743 = vector.broadcast %add3A_742 : i32 to vector<16xi32>
          %add3A_744 = arith.addi %mul3A_741, %add3A_743 : vector<16xi32>
          %gt3A_745 = arith.cmpi sgt, %add3A_744, %max3A_737 : vector<16xi32>
          %max3A_746 = arith.maxsi %add3A_744, %max3A_737 : vector<16xi32>
          %select_n3A_747 = arith.select %gt3A_745, %max3A_573, %select_n3A_738 : vector<16xi1>, vector<16xf32>
          %eq3A_748 = arith.cmpf oeq, %min3A_574, %max3A_573 : vector<16xf32>
          %convert_element_type3A_749 = arith.extui %eq3A_748 : vector<16xi1> to vector<16xi32>
          %mul3A_750 = arith.muli %add3A_744, %convert_element_type3A_749 : vector<16xi32>
          %add3A_751 = arith.constant 1 : i32
          %add3A_752 = vector.broadcast %add3A_751 : i32 to vector<16xi32>
          %add3A_753 = arith.addi %mul3A_750, %add3A_752 : vector<16xi32>
          %gt3A_754 = arith.cmpi sgt, %add3A_753, %max3A_746 : vector<16xi32>
          %max3A_755 = arith.maxsi %add3A_753, %max3A_746 : vector<16xi32>
          %select_n3A_756 = arith.select %gt3A_754, %min3A_574, %select_n3A_747 : vector<16xi1>, vector<16xf32>
          %eq3A_757 = arith.cmpf oeq, %max3A_575, %min3A_574 : vector<16xf32>
          %convert_element_type3A_758 = arith.extui %eq3A_757 : vector<16xi1> to vector<16xi32>
          %mul3A_759 = arith.muli %add3A_753, %convert_element_type3A_758 : vector<16xi32>
          %add3A_760 = arith.constant 1 : i32
          %add3A_761 = vector.broadcast %add3A_760 : i32 to vector<16xi32>
          %add3A_762 = arith.addi %mul3A_759, %add3A_761 : vector<16xi32>
          %gt3A_763 = arith.cmpi sgt, %add3A_762, %max3A_755 : vector<16xi32>
          %max3A_764 = arith.maxsi %add3A_762, %max3A_755 : vector<16xi32>
          %select_n3A_765 = arith.select %gt3A_763, %max3A_575, %select_n3A_756 : vector<16xi1>, vector<16xf32>
          %eq3A_766 = arith.cmpf oeq, %min3A_576, %max3A_575 : vector<16xf32>
          %convert_element_type3A_767 = arith.extui %eq3A_766 : vector<16xi1> to vector<16xi32>
          %mul3A_768 = arith.muli %add3A_762, %convert_element_type3A_767 : vector<16xi32>
          %add3A_769 = arith.constant 1 : i32
          %add3A_770 = vector.broadcast %add3A_769 : i32 to vector<16xi32>
          %add3A_771 = arith.addi %mul3A_768, %add3A_770 : vector<16xi32>
          %gt3A_772 = arith.cmpi sgt, %add3A_771, %max3A_764 : vector<16xi32>
          %max3A_773 = arith.maxsi %add3A_771, %max3A_764 : vector<16xi32>
          %select_n3A_774 = arith.select %gt3A_772, %min3A_576, %select_n3A_765 : vector<16xi1>, vector<16xf32>
          %eq3A_775 = arith.cmpf oeq, %max3A_577, %min3A_576 : vector<16xf32>
          %convert_element_type3A_776 = arith.extui %eq3A_775 : vector<16xi1> to vector<16xi32>
          %mul3A_777 = arith.muli %add3A_771, %convert_element_type3A_776 : vector<16xi32>
          %add3A_778 = arith.constant 1 : i32
          %add3A_779 = vector.broadcast %add3A_778 : i32 to vector<16xi32>
          %add3A_780 = arith.addi %mul3A_777, %add3A_779 : vector<16xi32>
          %gt3A_781 = arith.cmpi sgt, %add3A_780, %max3A_773 : vector<16xi32>
          %max3A_782 = arith.maxsi %add3A_780, %max3A_773 : vector<16xi32>
          %select_n3A_783 = arith.select %gt3A_781, %max3A_577, %select_n3A_774 : vector<16xi1>, vector<16xf32>
          %eq3A_784 = arith.cmpf oeq, %min3A_578, %max3A_577 : vector<16xf32>
          %convert_element_type3A_785 = arith.extui %eq3A_784 : vector<16xi1> to vector<16xi32>
          %mul3A_786 = arith.muli %add3A_780, %convert_element_type3A_785 : vector<16xi32>
          %add3A_787 = arith.constant 1 : i32
          %add3A_788 = vector.broadcast %add3A_787 : i32 to vector<16xi32>
          %add3A_789 = arith.addi %mul3A_786, %add3A_788 : vector<16xi32>
          %gt3A_790 = arith.cmpi sgt, %add3A_789, %max3A_782 : vector<16xi32>
          %max3A_791 = arith.maxsi %add3A_789, %max3A_782 : vector<16xi32>
          %select_n3A_792 = arith.select %gt3A_790, %min3A_578, %select_n3A_783 : vector<16xi1>, vector<16xf32>
          %eq3A_793 = arith.cmpf oeq, %max3A_579, %min3A_578 : vector<16xf32>
          %convert_element_type3A_794 = arith.extui %eq3A_793 : vector<16xi1> to vector<16xi32>
          %mul3A_795 = arith.muli %add3A_789, %convert_element_type3A_794 : vector<16xi32>
          %add3A_796 = arith.constant 1 : i32
          %add3A_797 = vector.broadcast %add3A_796 : i32 to vector<16xi32>
          %add3A_798 = arith.addi %mul3A_795, %add3A_797 : vector<16xi32>
          %gt3A_799 = arith.cmpi sgt, %add3A_798, %max3A_791 : vector<16xi32>
          %max3A_800 = arith.maxsi %add3A_798, %max3A_791 : vector<16xi32>
          %select_n3A_801 = arith.select %gt3A_799, %max3A_579, %select_n3A_792 : vector<16xi1>, vector<16xf32>
          %eq3A_802 = arith.cmpf oeq, %min3A_580, %max3A_579 : vector<16xf32>
          %convert_element_type3A_803 = arith.extui %eq3A_802 : vector<16xi1> to vector<16xi32>
          %mul3A_804 = arith.muli %add3A_798, %convert_element_type3A_803 : vector<16xi32>
          %add3A_805 = arith.constant 1 : i32
          %add3A_806 = vector.broadcast %add3A_805 : i32 to vector<16xi32>
          %add3A_807 = arith.addi %mul3A_804, %add3A_806 : vector<16xi32>
          %gt3A_808 = arith.cmpi sgt, %add3A_807, %max3A_800 : vector<16xi32>
          %max3A_809 = arith.maxsi %add3A_807, %max3A_800 : vector<16xi32>
          %select_n3A_810 = arith.select %gt3A_808, %min3A_580, %select_n3A_801 : vector<16xi1>, vector<16xf32>
          %eq3A_811 = arith.cmpf oeq, %max3A_581, %min3A_580 : vector<16xf32>
          %convert_element_type3A_812 = arith.extui %eq3A_811 : vector<16xi1> to vector<16xi32>
          %mul3A_813 = arith.muli %add3A_807, %convert_element_type3A_812 : vector<16xi32>
          %add3A_814 = arith.constant 1 : i32
          %add3A_815 = vector.broadcast %add3A_814 : i32 to vector<16xi32>
          %add3A_816 = arith.addi %mul3A_813, %add3A_815 : vector<16xi32>
          %gt3A_817 = arith.cmpi sgt, %add3A_816, %max3A_809 : vector<16xi32>
          %max3A_818 = arith.maxsi %add3A_816, %max3A_809 : vector<16xi32>
          %select_n3A_819 = arith.select %gt3A_817, %max3A_581, %select_n3A_810 : vector<16xi1>, vector<16xf32>
          %eq3A_820 = arith.cmpf oeq, %min3A_582, %max3A_581 : vector<16xf32>
          %convert_element_type3A_821 = arith.extui %eq3A_820 : vector<16xi1> to vector<16xi32>
          %mul3A_822 = arith.muli %add3A_816, %convert_element_type3A_821 : vector<16xi32>
          %add3A_823 = arith.constant 1 : i32
          %add3A_824 = vector.broadcast %add3A_823 : i32 to vector<16xi32>
          %add3A_825 = arith.addi %mul3A_822, %add3A_824 : vector<16xi32>
          %gt3A_826 = arith.cmpi sgt, %add3A_825, %max3A_818 : vector<16xi32>
          %max3A_827 = arith.maxsi %add3A_825, %max3A_818 : vector<16xi32>
          %select_n3A_828 = arith.select %gt3A_826, %min3A_582, %select_n3A_819 : vector<16xi1>, vector<16xf32>
          %eq3A_829 = arith.cmpf oeq, %max3A_583, %min3A_582 : vector<16xf32>
          %convert_element_type3A_830 = arith.extui %eq3A_829 : vector<16xi1> to vector<16xi32>
          %mul3A_831 = arith.muli %add3A_825, %convert_element_type3A_830 : vector<16xi32>
          %add3A_832 = arith.constant 1 : i32
          %add3A_833 = vector.broadcast %add3A_832 : i32 to vector<16xi32>
          %add3A_834 = arith.addi %mul3A_831, %add3A_833 : vector<16xi32>
          %gt3A_835 = arith.cmpi sgt, %add3A_834, %max3A_827 : vector<16xi32>
          %max3A_836 = arith.maxsi %add3A_834, %max3A_827 : vector<16xi32>
          %select_n3A_837 = arith.select %gt3A_835, %max3A_583, %select_n3A_828 : vector<16xi1>, vector<16xf32>
          %eq3A_838 = arith.cmpf oeq, %min3A_584, %max3A_583 : vector<16xf32>
          %convert_element_type3A_839 = arith.extui %eq3A_838 : vector<16xi1> to vector<16xi32>
          %mul3A_840 = arith.muli %add3A_834, %convert_element_type3A_839 : vector<16xi32>
          %add3A_841 = arith.constant 1 : i32
          %add3A_842 = vector.broadcast %add3A_841 : i32 to vector<16xi32>
          %add3A_843 = arith.addi %mul3A_840, %add3A_842 : vector<16xi32>
          %gt3A_844 = arith.cmpi sgt, %add3A_843, %max3A_836 : vector<16xi32>
          %max3A_845 = arith.maxsi %add3A_843, %max3A_836 : vector<16xi32>
          %select_n3A_846 = arith.select %gt3A_844, %min3A_584, %select_n3A_837 : vector<16xi1>, vector<16xf32>
          %eq3A_847 = arith.cmpf oeq, %max3A_585, %min3A_584 : vector<16xf32>
          %convert_element_type3A_848 = arith.extui %eq3A_847 : vector<16xi1> to vector<16xi32>
          %mul3A_849 = arith.muli %add3A_843, %convert_element_type3A_848 : vector<16xi32>
          %add3A_850 = arith.constant 1 : i32
          %add3A_851 = vector.broadcast %add3A_850 : i32 to vector<16xi32>
          %add3A_852 = arith.addi %mul3A_849, %add3A_851 : vector<16xi32>
          %gt3A_853 = arith.cmpi sgt, %add3A_852, %max3A_845 : vector<16xi32>
          %max3A_854 = arith.maxsi %add3A_852, %max3A_845 : vector<16xi32>
          %select_n3A_855 = arith.select %gt3A_853, %max3A_585, %select_n3A_846 : vector<16xi1>, vector<16xf32>
          %eq3A_856 = arith.cmpf oeq, %min3A_586, %max3A_585 : vector<16xf32>
          %convert_element_type3A_857 = arith.extui %eq3A_856 : vector<16xi1> to vector<16xi32>
          %mul3A_858 = arith.muli %add3A_852, %convert_element_type3A_857 : vector<16xi32>
          %add3A_859 = arith.constant 1 : i32
          %add3A_860 = vector.broadcast %add3A_859 : i32 to vector<16xi32>
          %add3A_861 = arith.addi %mul3A_858, %add3A_860 : vector<16xi32>
          %gt3A_862 = arith.cmpi sgt, %add3A_861, %max3A_854 : vector<16xi32>
          %max3A_863 = arith.maxsi %add3A_861, %max3A_854 : vector<16xi32>
          %select_n3A_864 = arith.select %gt3A_862, %min3A_586, %select_n3A_855 : vector<16xi1>, vector<16xf32>
          %eq3A_865 = arith.cmpf oeq, %max3A_587, %min3A_586 : vector<16xf32>
          %convert_element_type3A_866 = arith.extui %eq3A_865 : vector<16xi1> to vector<16xi32>
          %mul3A_867 = arith.muli %add3A_861, %convert_element_type3A_866 : vector<16xi32>
          %add3A_868 = arith.constant 1 : i32
          %add3A_869 = vector.broadcast %add3A_868 : i32 to vector<16xi32>
          %add3A_870 = arith.addi %mul3A_867, %add3A_869 : vector<16xi32>
          %gt3A_871 = arith.cmpi sgt, %add3A_870, %max3A_863 : vector<16xi32>
          %max3A_872 = arith.maxsi %add3A_870, %max3A_863 : vector<16xi32>
          %select_n3A_873 = arith.select %gt3A_871, %max3A_587, %select_n3A_864 : vector<16xi1>, vector<16xf32>
          %eq3A_874 = arith.cmpf oeq, %min3A_588, %max3A_587 : vector<16xf32>
          %convert_element_type3A_875 = arith.extui %eq3A_874 : vector<16xi1> to vector<16xi32>
          %mul3A_876 = arith.muli %add3A_870, %convert_element_type3A_875 : vector<16xi32>
          %add3A_877 = arith.constant 1 : i32
          %add3A_878 = vector.broadcast %add3A_877 : i32 to vector<16xi32>
          %add3A_879 = arith.addi %mul3A_876, %add3A_878 : vector<16xi32>
          %gt3A_880 = arith.cmpi sgt, %add3A_879, %max3A_872 : vector<16xi32>
          %max3A_881 = arith.maxsi %add3A_879, %max3A_872 : vector<16xi32>
          %select_n3A_882 = arith.select %gt3A_880, %min3A_588, %select_n3A_873 : vector<16xi1>, vector<16xf32>
          %eq3A_883 = arith.cmpf oeq, %max3A_589, %min3A_588 : vector<16xf32>
          %convert_element_type3A_884 = arith.extui %eq3A_883 : vector<16xi1> to vector<16xi32>
          %mul3A_885 = arith.muli %add3A_879, %convert_element_type3A_884 : vector<16xi32>
          %add3A_886 = arith.constant 1 : i32
          %add3A_887 = vector.broadcast %add3A_886 : i32 to vector<16xi32>
          %add3A_888 = arith.addi %mul3A_885, %add3A_887 : vector<16xi32>
          %gt3A_889 = arith.cmpi sgt, %add3A_888, %max3A_881 : vector<16xi32>
          %max3A_890 = arith.maxsi %add3A_888, %max3A_881 : vector<16xi32>
          %select_n3A_891 = arith.select %gt3A_889, %max3A_589, %select_n3A_882 : vector<16xi1>, vector<16xf32>
          %eq3A_892 = arith.cmpf oeq, %min3A_590, %max3A_589 : vector<16xf32>
          %convert_element_type3A_893 = arith.extui %eq3A_892 : vector<16xi1> to vector<16xi32>
          %mul3A_894 = arith.muli %add3A_888, %convert_element_type3A_893 : vector<16xi32>
          %add3A_895 = arith.constant 1 : i32
          %add3A_896 = vector.broadcast %add3A_895 : i32 to vector<16xi32>
          %add3A_897 = arith.addi %mul3A_894, %add3A_896 : vector<16xi32>
          %gt3A_898 = arith.cmpi sgt, %add3A_897, %max3A_890 : vector<16xi32>
          %max3A_899 = arith.maxsi %add3A_897, %max3A_890 : vector<16xi32>
          %select_n3A_900 = arith.select %gt3A_898, %min3A_590, %select_n3A_891 : vector<16xi1>, vector<16xf32>
          %eq3A_901 = arith.cmpf oeq, %max3A_591, %min3A_590 : vector<16xf32>
          %convert_element_type3A_902 = arith.extui %eq3A_901 : vector<16xi1> to vector<16xi32>
          %mul3A_903 = arith.muli %add3A_897, %convert_element_type3A_902 : vector<16xi32>
          %add3A_904 = arith.constant 1 : i32
          %add3A_905 = vector.broadcast %add3A_904 : i32 to vector<16xi32>
          %add3A_906 = arith.addi %mul3A_903, %add3A_905 : vector<16xi32>
          %gt3A_907 = arith.cmpi sgt, %add3A_906, %max3A_899 : vector<16xi32>
          %max3A_908 = arith.maxsi %add3A_906, %max3A_899 : vector<16xi32>
          %select_n3A_909 = arith.select %gt3A_907, %max3A_591, %select_n3A_900 : vector<16xi1>, vector<16xf32>
          %eq3A_910 = arith.cmpf oeq, %min3A_592, %max3A_591 : vector<16xf32>
          %convert_element_type3A_911 = arith.extui %eq3A_910 : vector<16xi1> to vector<16xi32>
          %mul3A_912 = arith.muli %add3A_906, %convert_element_type3A_911 : vector<16xi32>
          %add3A_913 = arith.constant 1 : i32
          %add3A_914 = vector.broadcast %add3A_913 : i32 to vector<16xi32>
          %add3A_915 = arith.addi %mul3A_912, %add3A_914 : vector<16xi32>
          %gt3A_916 = arith.cmpi sgt, %add3A_915, %max3A_908 : vector<16xi32>
          %max3A_917 = arith.maxsi %add3A_915, %max3A_908 : vector<16xi32>
          %select_n3A_918 = arith.select %gt3A_916, %min3A_592, %select_n3A_909 : vector<16xi1>, vector<16xf32>
          %eq3A_919 = arith.cmpf oeq, %max3A_593, %min3A_592 : vector<16xf32>
          %convert_element_type3A_920 = arith.extui %eq3A_919 : vector<16xi1> to vector<16xi32>
          %mul3A_921 = arith.muli %add3A_915, %convert_element_type3A_920 : vector<16xi32>
          %add3A_922 = arith.constant 1 : i32
          %add3A_923 = vector.broadcast %add3A_922 : i32 to vector<16xi32>
          %add3A_924 = arith.addi %mul3A_921, %add3A_923 : vector<16xi32>
          %gt3A_925 = arith.cmpi sgt, %add3A_924, %max3A_917 : vector<16xi32>
          %max3A_926 = arith.maxsi %add3A_924, %max3A_917 : vector<16xi32>
          %select_n3A_927 = arith.select %gt3A_925, %max3A_593, %select_n3A_918 : vector<16xi1>, vector<16xf32>
          %eq3A_928 = arith.cmpf oeq, %min3A_594, %max3A_593 : vector<16xf32>
          %convert_element_type3A_929 = arith.extui %eq3A_928 : vector<16xi1> to vector<16xi32>
          %mul3A_930 = arith.muli %add3A_924, %convert_element_type3A_929 : vector<16xi32>
          %add3A_931 = arith.constant 1 : i32
          %add3A_932 = vector.broadcast %add3A_931 : i32 to vector<16xi32>
          %add3A_933 = arith.addi %mul3A_930, %add3A_932 : vector<16xi32>
          %gt3A_934 = arith.cmpi sgt, %add3A_933, %max3A_926 : vector<16xi32>
          %max3A_935 = arith.maxsi %add3A_933, %max3A_926 : vector<16xi32>
          %select_n3A_936 = arith.select %gt3A_934, %min3A_594, %select_n3A_927 : vector<16xi1>, vector<16xf32>
          %eq3A_937 = arith.cmpf oeq, %max3A_595, %min3A_594 : vector<16xf32>
          %convert_element_type3A_938 = arith.extui %eq3A_937 : vector<16xi1> to vector<16xi32>
          %mul3A_939 = arith.muli %add3A_933, %convert_element_type3A_938 : vector<16xi32>
          %add3A_940 = arith.constant 1 : i32
          %add3A_941 = vector.broadcast %add3A_940 : i32 to vector<16xi32>
          %add3A_942 = arith.addi %mul3A_939, %add3A_941 : vector<16xi32>
          %gt3A_943 = arith.cmpi sgt, %add3A_942, %max3A_935 : vector<16xi32>
          %max3A_944 = arith.maxsi %add3A_942, %max3A_935 : vector<16xi32>
          %select_n3A_945 = arith.select %gt3A_943, %max3A_595, %select_n3A_936 : vector<16xi1>, vector<16xf32>
          %eq3A_946 = arith.cmpf oeq, %max3A_543, %max3A_595 : vector<16xf32>
          %convert_element_type3A_947 = arith.extui %eq3A_946 : vector<16xi1> to vector<16xi32>
          %mul3A_948 = arith.muli %add3A_942, %convert_element_type3A_947 : vector<16xi32>
          %add3A_949 = arith.constant 1 : i32
          %add3A_950 = vector.broadcast %add3A_949 : i32 to vector<16xi32>
          %add3A_951 = arith.addi %mul3A_948, %add3A_950 : vector<16xi32>
          %gt3A_952 = arith.cmpi sgt, %add3A_951, %max3A_944 : vector<16xi32>
          %max3A_953 = arith.maxsi %add3A_951, %max3A_944 : vector<16xi32>
          %select_n3A_954 = arith.select %gt3A_952, %max3A_543, %select_n3A_945 : vector<16xi1>, vector<16xf32>
          scf.yield %select_n3A_954 : vector<16xf32>
        } else {
          scf.yield %min3A_466 : vector<16xf32>
        }
        %mul3A_670 = arith.constant 16 : i32
        %mul3A_671 = arith.muli %scan3A_116, %mul3A_670 : i32
        %add3A_672 = arith.addi %mul3A_40, %mul3A_671 : i32
        %swap3A = arith.index_cast %add3A_672 : i32 to index
        %swap3A_673 = tpu.vector_load %arg6[%swap3A] {strides = array<i32>} : memref<2048xf32, #tpu.memory_space<vmem>>, vector<16xf32>,
        tpu.vector_store %arg6[%swap3A], %cond3A_669 {strides = array<i32>} : memref<2048xf32, #tpu.memory_space<vmem>>, vector<16xf32>,
        %scan3A_674 = arith.constant 0 : i32
        scf.yield %scan3A_674 : i32
      }
      %scan3A_47 = arith.constant 16 : i32
      %lt3A_48 = arith.constant 63 : i32
      %lt3A_49 = arith.cmpi slt, %scan3A_20, %lt3A_48 : i32
      %convert_element_type3A = arith.extui %lt3A_49 : i1 to i32
      %cond3A = arith.constant 0 : i32
      %cond3A_50 = arith.cmpi ne, %convert_element_type3A, %cond3A : i32
      scf.if %cond3A_50 {
        %add3A_116 = arith.constant 2 : i32
        %add3A_117 = arith.addi %mul3A_23, %add3A_116 : i32
        %mul3A_118 = arith.constant 256 : i32
        %mul3A_119 = arith.muli %add3A_117, %mul3A_118 : i32
        %add3A_120 = arith.addi %mul3A_2, %mul3A_119 : i32
        %dma_start3A_121 = arith.constant 0 : i32
        %dma_start3A_122 = tpu.memref_slice %arg2[%add3A_120, %dma_start3A_121] : memref<1048576x32xf32, #tpu.memory_space<hbm>> -> memref<256x32xf32, #tpu.memory_space<hbm>>
        %dma_start3A_123 = arith.constant 0 : i32
        %dma_start3A_124 = tpu.memref_slice %arg2[%add3A_120, %dma_start3A_123] : memref<1048576x32xf32, #tpu.memory_space<hbm>> -> memref<256x32xf32, #tpu.memory_space<hbm>>
        tpu.enqueue_dma source(%dma_start3A_124 : memref<256x32xf32, #tpu.memory_space<hbm>>) target(%arg4 : memref<256x32xf32, #tpu.memory_space<vmem>>) target_semaphore(%arg7 : memref<!tpu.dma_semaphore, #tpu.memory_space<semaphore_mem>>)
      } else {
      }
      %add3A_51 = arith.constant 1 : i32
      %add3A_52 = arith.addi %mul3A_23, %add3A_51 : i32
      %mul3A_53 = arith.constant 256 : i32
      %mul3A_54 = arith.muli %add3A_52, %mul3A_53 : i32
      %add3A_55 = arith.addi %mul3A_2, %mul3A_54 : i32
      %dma_wait3A_56 = arith.constant 0 : i32
      %dma_wait3A_57 = tpu.memref_slice %arg2[%add3A_55, %dma_wait3A_56] : memref<1048576x32xf32, #tpu.memory_space<hbm>> -> memref<256x32xf32, #tpu.memory_space<hbm>>
      %dma_wait3A_58 = arith.constant 0 : i32
      %dma_wait3A_59 = tpu.memref_slice %arg2[%add3A_55, %dma_wait3A_58] : memref<1048576x32xf32, #tpu.memory_space<hbm>> -> memref<256x32xf32, #tpu.memory_space<hbm>>
      tpu.wait_dma2 semaphore(%arg8 : memref<!tpu.dma_semaphore, #tpu.memory_space<semaphore_mem>>) src(%dma_wait3A_59 : memref<256x32xf32, #tpu.memory_space<hbm>>) dst(%arg5 : memref<256x32xf32, #tpu.memory_space<vmem>>)
      %add3A_60 = arith.constant 1 : i32
      %add3A_61 = arith.addi %mul3A_23, %add3A_60 : i32
      %jit3A_62 = arith.constant 8 : i32
      %eq3A_63 = arith.constant 0 : i32
      %eq3A_64 = arith.cmpi eq, %jit3A_62, %eq3A_63 : i32
      %jit3A_65 = arith.constant 1 : i32
      %select_n3A_66 = arith.select %eq3A_64, %jit3A_65, %jit3A_62 : i32
      %rem3A_67 = arith.remsi %add3A_61, %select_n3A_66 : i32
      %ne3A_68 = arith.constant 0 : i32
      %ne3A_69 = arith.cmpi ne, %rem3A_67, %ne3A_68 : i32
      %lt3A_70 = arith.constant 0 : i32
      %lt3A_71 = arith.cmpi slt, %rem3A_67, %lt3A_70 : i32
      %lt3A_72 = arith.constant 0 : i32
      %lt3A_73 = arith.cmpi slt, %select_n3A_66, %lt3A_72 : i32
      %ne3A_74 = arith.xori %lt3A_71, %lt3A_73 : i1
      %and3A_75 = arith.andi %ne3A_74, %ne3A_69 : i1
      %add3A_76 = arith.addi %rem3A_67, %select_n3A_66 : i32
      %select_n3A_77 = arith.select %and3A_75, %add3A_76, %rem3A_67 : i32
      %mul3A_78 = arith.constant 256 : i32
      %mul3A_79 = arith.muli %select_n3A_77, %mul3A_78 : i32
      %scan3A_80 = arith.constant 0 : i32
      %scan3A_81 = arith.constant 0 : i32
      %scan3A_82 = arith.constant 16 : i32
      %scan3A_83 = arith.addi %scan3A_81, %scan3A_82 : i32
      %scan3A_84 = arith.constant 1 : i32
      %scan3A_85 = scf.for %scan3A_116 = %scan3A_81 to %scan3A_83 step %scan3A_84 iter_args(%scan3A_117 = %scan3A_80) -> (i32)  : i32 {
        %mul3A_118 = arith.constant 16 : i32
        %mul3A_119 = arith.muli %scan3A_116, %mul3A_118 : i32
        %add3A_120 = vector.broadcast %mul3A_119 : i32 to vector<16xi32>
        %add3A_121 = arith.addi %iota3A, %add3A_120 : vector<16xi32>
        %broadcast_in_dim3A = arith.constant 0 : i32
        %broadcast_in_dim3A_122 = vector.broadcast %broadcast_in_dim3A : i32 to vector<16xi32>
        %gather3A = tpu.vector_load_idx %arg5[%add3A_121, %broadcast_in_dim3A_122] : memref<256x32xf32, #tpu.memory_space<vmem>>[vector<16xi32>, vector<16xi32>], vector<16xf32>,
        %broadcast_in_dim3A_123 = arith.constant 1 : i32
        %broadcast_in_dim3A_124 = vector.broadcast %broadcast_in_dim3A_123 : i32 to vector<16xi32>
        %gather3A_125 = tpu.vector_load_idx %arg5[%add3A_121, %broadcast_in_dim3A_124] : memref<256x32xf32, #tpu.memory_space<vmem>>[vector<16xi32>, vector<16xi32>], vector<16xf32>,
        %broadcast_in_dim3A_126 = arith.constant 2 : i32
        %broadcast_in_dim3A_127 = vector.broadcast %broadcast_in_dim3A_126 : i32 to vector<16xi32>
        %gather3A_128 = tpu.vector_load_idx %arg5[%add3A_121, %broadcast_in_dim3A_127] : memref<256x32xf32, #tpu.memory_space<vmem>>[vector<16xi32>, vector<16xi32>], vector<16xf32>,
        %broadcast_in_dim3A_129 = arith.constant 3 : i32
        %broadcast_in_dim3A_130 = vector.broadcast %broadcast_in_dim3A_129 : i32 to vector<16xi32>
        %gather3A_131 = tpu.vector_load_idx %arg5[%add3A_121, %broadcast_in_dim3A_130] : memref<256x32xf32, #tpu.memory_space<vmem>>[vector<16xi32>, vector<16xi32>], vector<16xf32>,
        %broadcast_in_dim3A_132 = arith.constant 4 : i32
        %broadcast_in_dim3A_133 = vector.broadcast %broadcast_in_dim3A_132 : i32 to vector<16xi32>
        %gather3A_134 = tpu.vector_load_idx %arg5[%add3A_121, %broadcast_in_dim3A_133] : memref<256x32xf32, #tpu.memory_space<vmem>>[vector<16xi32>, vector<16xi32>], vector<16xf32>,
        %broadcast_in_dim3A_135 = arith.constant 5 : i32
        %broadcast_in_dim3A_136 = vector.broadcast %broadcast_in_dim3A_135 : i32 to vector<16xi32>
        %gather3A_137 = tpu.vector_load_idx %arg5[%add3A_121, %broadcast_in_dim3A_136] : memref<256x32xf32, #tpu.memory_space<vmem>>[vector<16xi32>, vector<16xi32>], vector<16xf32>,
        %broadcast_in_dim3A_138 = arith.constant 6 : i32
        %broadcast_in_dim3A_139 = vector.broadcast %broadcast_in_dim3A_138 : i32 to vector<16xi32>
        %gather3A_140 = tpu.vector_load_idx %arg5[%add3A_121, %broadcast_in_dim3A_139] : memref<256x32xf32, #tpu.memory_space<vmem>>[vector<16xi32>, vector<16xi32>], vector<16xf32>,
        %broadcast_in_dim3A_141 = arith.constant 7 : i32
        %broadcast_in_dim3A_142 = vector.broadcast %broadcast_in_dim3A_141 : i32 to vector<16xi32>
        %gather3A_143 = tpu.vector_load_idx %arg5[%add3A_121, %broadcast_in_dim3A_142] : memref<256x32xf32, #tpu.memory_space<vmem>>[vector<16xi32>, vector<16xi32>], vector<16xf32>,
        %broadcast_in_dim3A_144 = arith.constant 8 : i32
        %broadcast_in_dim3A_145 = vector.broadcast %broadcast_in_dim3A_144 : i32 to vector<16xi32>
        %gather3A_146 = tpu.vector_load_idx %arg5[%add3A_121, %broadcast_in_dim3A_145] : memref<256x32xf32, #tpu.memory_space<vmem>>[vector<16xi32>, vector<16xi32>], vector<16xf32>,
        %broadcast_in_dim3A_147 = arith.constant 9 : i32
        %broadcast_in_dim3A_148 = vector.broadcast %broadcast_in_dim3A_147 : i32 to vector<16xi32>
        %gather3A_149 = tpu.vector_load_idx %arg5[%add3A_121, %broadcast_in_dim3A_148] : memref<256x32xf32, #tpu.memory_space<vmem>>[vector<16xi32>, vector<16xi32>], vector<16xf32>,
        %broadcast_in_dim3A_150 = arith.constant 10 : i32
        %broadcast_in_dim3A_151 = vector.broadcast %broadcast_in_dim3A_150 : i32 to vector<16xi32>
        %gather3A_152 = tpu.vector_load_idx %arg5[%add3A_121, %broadcast_in_dim3A_151] : memref<256x32xf32, #tpu.memory_space<vmem>>[vector<16xi32>, vector<16xi32>], vector<16xf32>,
        %broadcast_in_dim3A_153 = arith.constant 11 : i32
        %broadcast_in_dim3A_154 = vector.broadcast %broadcast_in_dim3A_153 : i32 to vector<16xi32>
        %gather3A_155 = tpu.vector_load_idx %arg5[%add3A_121, %broadcast_in_dim3A_154] : memref<256x32xf32, #tpu.memory_space<vmem>>[vector<16xi32>, vector<16xi32>], vector<16xf32>,
        %broadcast_in_dim3A_156 = arith.constant 12 : i32
        %broadcast_in_dim3A_157 = vector.broadcast %broadcast_in_dim3A_156 : i32 to vector<16xi32>
        %gather3A_158 = tpu.vector_load_idx %arg5[%add3A_121, %broadcast_in_dim3A_157] : memref<256x32xf32, #tpu.memory_space<vmem>>[vector<16xi32>, vector<16xi32>], vector<16xf32>,
        %broadcast_in_dim3A_159 = arith.constant 13 : i32
        %broadcast_in_dim3A_160 = vector.broadcast %broadcast_in_dim3A_159 : i32 to vector<16xi32>
        %gather3A_161 = tpu.vector_load_idx %arg5[%add3A_121, %broadcast_in_dim3A_160] : memref<256x32xf32, #tpu.memory_space<vmem>>[vector<16xi32>, vector<16xi32>], vector<16xf32>,
        %broadcast_in_dim3A_162 = arith.constant 14 : i32
        %broadcast_in_dim3A_163 = vector.broadcast %broadcast_in_dim3A_162 : i32 to vector<16xi32>
        %gather3A_164 = tpu.vector_load_idx %arg5[%add3A_121, %broadcast_in_dim3A_163] : memref<256x32xf32, #tpu.memory_space<vmem>>[vector<16xi32>, vector<16xi32>], vector<16xf32>,
        %broadcast_in_dim3A_165 = arith.constant 15 : i32
        %broadcast_in_dim3A_166 = vector.broadcast %broadcast_in_dim3A_165 : i32 to vector<16xi32>
        %gather3A_167 = tpu.vector_load_idx %arg5[%add3A_121, %broadcast_in_dim3A_166] : memref<256x32xf32, #tpu.memory_space<vmem>>[vector<16xi32>, vector<16xi32>], vector<16xf32>,
        %broadcast_in_dim3A_168 = arith.constant 16 : i32
        %broadcast_in_dim3A_169 = vector.broadcast %broadcast_in_dim3A_168 : i32 to vector<16xi32>
        %gather3A_170 = tpu.vector_load_idx %arg5[%add3A_121, %broadcast_in_dim3A_169] : memref<256x32xf32, #tpu.memory_space<vmem>>[vector<16xi32>, vector<16xi32>], vector<16xf32>,
        %broadcast_in_dim3A_171 = arith.constant 17 : i32
        %broadcast_in_dim3A_172 = vector.broadcast %broadcast_in_dim3A_171 : i32 to vector<16xi32>
        %gather3A_173 = tpu.vector_load_idx %arg5[%add3A_121, %broadcast_in_dim3A_172] : memref<256x32xf32, #tpu.memory_space<vmem>>[vector<16xi32>, vector<16xi32>], vector<16xf32>,
        %broadcast_in_dim3A_174 = arith.constant 18 : i32
        %broadcast_in_dim3A_175 = vector.broadcast %broadcast_in_dim3A_174 : i32 to vector<16xi32>
        %gather3A_176 = tpu.vector_load_idx %arg5[%add3A_121, %broadcast_in_dim3A_175] : memref<256x32xf32, #tpu.memory_space<vmem>>[vector<16xi32>, vector<16xi32>], vector<16xf32>,
        %broadcast_in_dim3A_177 = arith.constant 19 : i32
        %broadcast_in_dim3A_178 = vector.broadcast %broadcast_in_dim3A_177 : i32 to vector<16xi32>
        %gather3A_179 = tpu.vector_load_idx %arg5[%add3A_121, %broadcast_in_dim3A_178] : memref<256x32xf32, #tpu.memory_space<vmem>>[vector<16xi32>, vector<16xi32>], vector<16xf32>,
        %broadcast_in_dim3A_180 = arith.constant 20 : i32
        %broadcast_in_dim3A_181 = vector.broadcast %broadcast_in_dim3A_180 : i32 to vector<16xi32>
        %gather3A_182 = tpu.vector_load_idx %arg5[%add3A_121, %broadcast_in_dim3A_181] : memref<256x32xf32, #tpu.memory_space<vmem>>[vector<16xi32>, vector<16xi32>], vector<16xf32>,
        %broadcast_in_dim3A_183 = arith.constant 21 : i32
        %broadcast_in_dim3A_184 = vector.broadcast %broadcast_in_dim3A_183 : i32 to vector<16xi32>
        %gather3A_185 = tpu.vector_load_idx %arg5[%add3A_121, %broadcast_in_dim3A_184] : memref<256x32xf32, #tpu.memory_space<vmem>>[vector<16xi32>, vector<16xi32>], vector<16xf32>,
        %broadcast_in_dim3A_186 = arith.constant 22 : i32
        %broadcast_in_dim3A_187 = vector.broadcast %broadcast_in_dim3A_186 : i32 to vector<16xi32>
        %gather3A_188 = tpu.vector_load_idx %arg5[%add3A_121, %broadcast_in_dim3A_187] : memref<256x32xf32, #tpu.memory_space<vmem>>[vector<16xi32>, vector<16xi32>], vector<16xf32>,
        %broadcast_in_dim3A_189 = arith.constant 23 : i32
        %broadcast_in_dim3A_190 = vector.broadcast %broadcast_in_dim3A_189 : i32 to vector<16xi32>
        %gather3A_191 = tpu.vector_load_idx %arg5[%add3A_121, %broadcast_in_dim3A_190] : memref<256x32xf32, #tpu.memory_space<vmem>>[vector<16xi32>, vector<16xi32>], vector<16xf32>,
        %broadcast_in_dim3A_192 = arith.constant 24 : i32
        %broadcast_in_dim3A_193 = vector.broadcast %broadcast_in_dim3A_192 : i32 to vector<16xi32>
        %gather3A_194 = tpu.vector_load_idx %arg5[%add3A_121, %broadcast_in_dim3A_193] : memref<256x32xf32, #tpu.memory_space<vmem>>[vector<16xi32>, vector<16xi32>], vector<16xf32>,
        %broadcast_in_dim3A_195 = arith.constant 25 : i32
        %broadcast_in_dim3A_196 = vector.broadcast %broadcast_in_dim3A_195 : i32 to vector<16xi32>
        %gather3A_197 = tpu.vector_load_idx %arg5[%add3A_121, %broadcast_in_dim3A_196] : memref<256x32xf32, #tpu.memory_space<vmem>>[vector<16xi32>, vector<16xi32>], vector<16xf32>,
        %broadcast_in_dim3A_198 = arith.constant 26 : i32
        %broadcast_in_dim3A_199 = vector.broadcast %broadcast_in_dim3A_198 : i32 to vector<16xi32>
        %gather3A_200 = tpu.vector_load_idx %arg5[%add3A_121, %broadcast_in_dim3A_199] : memref<256x32xf32, #tpu.memory_space<vmem>>[vector<16xi32>, vector<16xi32>], vector<16xf32>,
        %broadcast_in_dim3A_201 = arith.constant 27 : i32
        %broadcast_in_dim3A_202 = vector.broadcast %broadcast_in_dim3A_201 : i32 to vector<16xi32>
        %gather3A_203 = tpu.vector_load_idx %arg5[%add3A_121, %broadcast_in_dim3A_202] : memref<256x32xf32, #tpu.memory_space<vmem>>[vector<16xi32>, vector<16xi32>], vector<16xf32>,
        %broadcast_in_dim3A_204 = arith.constant 28 : i32
        %broadcast_in_dim3A_205 = vector.broadcast %broadcast_in_dim3A_204 : i32 to vector<16xi32>
        %gather3A_206 = tpu.vector_load_idx %arg5[%add3A_121, %broadcast_in_dim3A_205] : memref<256x32xf32, #tpu.memory_space<vmem>>[vector<16xi32>, vector<16xi32>], vector<16xf32>,
        %broadcast_in_dim3A_207 = arith.constant 29 : i32
        %broadcast_in_dim3A_208 = vector.broadcast %broadcast_in_dim3A_207 : i32 to vector<16xi32>
        %gather3A_209 = tpu.vector_load_idx %arg5[%add3A_121, %broadcast_in_dim3A_208] : memref<256x32xf32, #tpu.memory_space<vmem>>[vector<16xi32>, vector<16xi32>], vector<16xf32>,
        %broadcast_in_dim3A_210 = arith.constant 30 : i32
        %broadcast_in_dim3A_211 = vector.broadcast %broadcast_in_dim3A_210 : i32 to vector<16xi32>
        %gather3A_212 = tpu.vector_load_idx %arg5[%add3A_121, %broadcast_in_dim3A_211] : memref<256x32xf32, #tpu.memory_space<vmem>>[vector<16xi32>, vector<16xi32>], vector<16xf32>,
        %broadcast_in_dim3A_213 = arith.constant 31 : i32
        %broadcast_in_dim3A_214 = vector.broadcast %broadcast_in_dim3A_213 : i32 to vector<16xi32>
        %gather3A_215 = tpu.vector_load_idx %arg5[%add3A_121, %broadcast_in_dim3A_214] : memref<256x32xf32, #tpu.memory_space<vmem>>[vector<16xi32>, vector<16xi32>], vector<16xf32>,
        %min3A = arith.minimumf %gather3A, %gather3A_125 : vector<16xf32>
        %max3A = arith.maximumf %gather3A, %gather3A_125 : vector<16xf32>
        %min3A_216 = arith.minimumf %gather3A_128, %gather3A_131 : vector<16xf32>
        %max3A_217 = arith.maximumf %gather3A_128, %gather3A_131 : vector<16xf32>
        %min3A_218 = arith.minimumf %min3A, %min3A_216 : vector<16xf32>
        %max3A_219 = arith.maximumf %min3A, %min3A_216 : vector<16xf32>
        %min3A_220 = arith.minimumf %max3A, %max3A_217 : vector<16xf32>
        %max3A_221 = arith.maximumf %max3A, %max3A_217 : vector<16xf32>
        %min3A_222 = arith.minimumf %min3A_220, %max3A_219 : vector<16xf32>
        %max3A_223 = arith.maximumf %min3A_220, %max3A_219 : vector<16xf32>
        %min3A_224 = arith.minimumf %gather3A_134, %gather3A_137 : vector<16xf32>
        %max3A_225 = arith.maximumf %gather3A_134, %gather3A_137 : vector<16xf32>
        %min3A_226 = arith.minimumf %gather3A_140, %gather3A_143 : vector<16xf32>
        %max3A_227 = arith.maximumf %gather3A_140, %gather3A_143 : vector<16xf32>
        %min3A_228 = arith.minimumf %min3A_224, %min3A_226 : vector<16xf32>
        %max3A_229 = arith.maximumf %min3A_224, %min3A_226 : vector<16xf32>
        %min3A_230 = arith.minimumf %max3A_225, %max3A_227 : vector<16xf32>
        %max3A_231 = arith.maximumf %max3A_225, %max3A_227 : vector<16xf32>
        %min3A_232 = arith.minimumf %min3A_230, %max3A_229 : vector<16xf32>
        %max3A_233 = arith.maximumf %min3A_230, %max3A_229 : vector<16xf32>
        %min3A_234 = arith.minimumf %min3A_218, %min3A_228 : vector<16xf32>
        %max3A_235 = arith.maximumf %min3A_218, %min3A_228 : vector<16xf32>
        %min3A_236 = arith.minimumf %max3A_223, %max3A_233 : vector<16xf32>
        %max3A_237 = arith.maximumf %max3A_223, %max3A_233 : vector<16xf32>
        %min3A_238 = arith.minimumf %min3A_236, %max3A_235 : vector<16xf32>
        %max3A_239 = arith.maximumf %min3A_236, %max3A_235 : vector<16xf32>
        %min3A_240 = arith.minimumf %min3A_222, %min3A_232 : vector<16xf32>
        %max3A_241 = arith.maximumf %min3A_222, %min3A_232 : vector<16xf32>
        %min3A_242 = arith.minimumf %max3A_221, %max3A_231 : vector<16xf32>
        %max3A_243 = arith.maximumf %max3A_221, %max3A_231 : vector<16xf32>
        %min3A_244 = arith.minimumf %min3A_242, %max3A_241 : vector<16xf32>
        %max3A_245 = arith.maximumf %min3A_242, %max3A_241 : vector<16xf32>
        %min3A_246 = arith.minimumf %min3A_240, %min3A_238 : vector<16xf32>
        %max3A_247 = arith.maximumf %min3A_240, %min3A_238 : vector<16xf32>
        %min3A_248 = arith.minimumf %min3A_244, %max3A_239 : vector<16xf32>
        %max3A_249 = arith.maximumf %min3A_244, %max3A_239 : vector<16xf32>
        %min3A_250 = arith.minimumf %max3A_245, %max3A_237 : vector<16xf32>
        %max3A_251 = arith.maximumf %max3A_245, %max3A_237 : vector<16xf32>
        %min3A_252 = arith.minimumf %gather3A_146, %gather3A_149 : vector<16xf32>
        %max3A_253 = arith.maximumf %gather3A_146, %gather3A_149 : vector<16xf32>
        %min3A_254 = arith.minimumf %gather3A_152, %gather3A_155 : vector<16xf32>
        %max3A_255 = arith.maximumf %gather3A_152, %gather3A_155 : vector<16xf32>
        %min3A_256 = arith.minimumf %min3A_252, %min3A_254 : vector<16xf32>
        %max3A_257 = arith.maximumf %min3A_252, %min3A_254 : vector<16xf32>
        %min3A_258 = arith.minimumf %max3A_253, %max3A_255 : vector<16xf32>
        %max3A_259 = arith.maximumf %max3A_253, %max3A_255 : vector<16xf32>
        %min3A_260 = arith.minimumf %min3A_258, %max3A_257 : vector<16xf32>
        %max3A_261 = arith.maximumf %min3A_258, %max3A_257 : vector<16xf32>
        %min3A_262 = arith.minimumf %gather3A_158, %gather3A_161 : vector<16xf32>
        %max3A_263 = arith.maximumf %gather3A_158, %gather3A_161 : vector<16xf32>
        %min3A_264 = arith.minimumf %gather3A_164, %gather3A_167 : vector<16xf32>
        %max3A_265 = arith.maximumf %gather3A_164, %gather3A_167 : vector<16xf32>
        %min3A_266 = arith.minimumf %min3A_262, %min3A_264 : vector<16xf32>
        %max3A_267 = arith.maximumf %min3A_262, %min3A_264 : vector<16xf32>
        %min3A_268 = arith.minimumf %max3A_263, %max3A_265 : vector<16xf32>
        %max3A_269 = arith.maximumf %max3A_263, %max3A_265 : vector<16xf32>
        %min3A_270 = arith.minimumf %min3A_268, %max3A_267 : vector<16xf32>
        %max3A_271 = arith.maximumf %min3A_268, %max3A_267 : vector<16xf32>
        %min3A_272 = arith.minimumf %min3A_256, %min3A_266 : vector<16xf32>
        %max3A_273 = arith.maximumf %min3A_256, %min3A_266 : vector<16xf32>
        %min3A_274 = arith.minimumf %max3A_261, %max3A_271 : vector<16xf32>
        %max3A_275 = arith.maximumf %max3A_261, %max3A_271 : vector<16xf32>
        %min3A_276 = arith.minimumf %min3A_274, %max3A_273 : vector<16xf32>
        %max3A_277 = arith.maximumf %min3A_274, %max3A_273 : vector<16xf32>
        %min3A_278 = arith.minimumf %min3A_260, %min3A_270 : vector<16xf32>
        %max3A_279 = arith.maximumf %min3A_260, %min3A_270 : vector<16xf32>
        %min3A_280 = arith.minimumf %max3A_259, %max3A_269 : vector<16xf32>
        %max3A_281 = arith.maximumf %max3A_259, %max3A_269 : vector<16xf32>
        %min3A_282 = arith.minimumf %min3A_280, %max3A_279 : vector<16xf32>
        %max3A_283 = arith.maximumf %min3A_280, %max3A_279 : vector<16xf32>
        %min3A_284 = arith.minimumf %min3A_278, %min3A_276 : vector<16xf32>
        %max3A_285 = arith.maximumf %min3A_278, %min3A_276 : vector<16xf32>
        %min3A_286 = arith.minimumf %min3A_282, %max3A_277 : vector<16xf32>
        %max3A_287 = arith.maximumf %min3A_282, %max3A_277 : vector<16xf32>
        %min3A_288 = arith.minimumf %max3A_283, %max3A_275 : vector<16xf32>
        %max3A_289 = arith.maximumf %max3A_283, %max3A_275 : vector<16xf32>
        %min3A_290 = arith.minimumf %min3A_234, %min3A_272 : vector<16xf32>
        %max3A_291 = arith.maximumf %min3A_234, %min3A_272 : vector<16xf32>
        %min3A_292 = arith.minimumf %max3A_249, %max3A_287 : vector<16xf32>
        %max3A_293 = arith.maximumf %max3A_249, %max3A_287 : vector<16xf32>
        %min3A_294 = arith.minimumf %min3A_292, %max3A_291 : vector<16xf32>
        %max3A_295 = arith.maximumf %min3A_292, %max3A_291 : vector<16xf32>
        %min3A_296 = arith.minimumf %max3A_247, %max3A_285 : vector<16xf32>
        %max3A_297 = arith.maximumf %max3A_247, %max3A_285 : vector<16xf32>
        %min3A_298 = arith.minimumf %max3A_251, %max3A_289 : vector<16xf32>
        %max3A_299 = arith.maximumf %max3A_251, %max3A_289 : vector<16xf32>
        %min3A_300 = arith.minimumf %min3A_298, %max3A_297 : vector<16xf32>
        %max3A_301 = arith.maximumf %min3A_298, %max3A_297 : vector<16xf32>
        %min3A_302 = arith.minimumf %min3A_296, %min3A_294 : vector<16xf32>
        %max3A_303 = arith.maximumf %min3A_296, %min3A_294 : vector<16xf32>
        %min3A_304 = arith.minimumf %min3A_300, %max3A_295 : vector<16xf32>
        %max3A_305 = arith.maximumf %min3A_300, %max3A_295 : vector<16xf32>
        %min3A_306 = arith.minimumf %max3A_301, %max3A_293 : vector<16xf32>
        %max3A_307 = arith.maximumf %max3A_301, %max3A_293 : vector<16xf32>
        %min3A_308 = arith.minimumf %min3A_246, %min3A_284 : vector<16xf32>
        %max3A_309 = arith.maximumf %min3A_246, %min3A_284 : vector<16xf32>
        %min3A_310 = arith.minimumf %min3A_250, %min3A_288 : vector<16xf32>
        %max3A_311 = arith.maximumf %min3A_250, %min3A_288 : vector<16xf32>
        %min3A_312 = arith.minimumf %min3A_310, %max3A_309 : vector<16xf32>
        %max3A_313 = arith.maximumf %min3A_310, %max3A_309 : vector<16xf32>
        %min3A_314 = arith.minimumf %min3A_248, %min3A_286 : vector<16xf32>
        %max3A_315 = arith.maximumf %min3A_248, %min3A_286 : vector<16xf32>
        %min3A_316 = arith.minimumf %max3A_243, %max3A_281 : vector<16xf32>
        %max3A_317 = arith.maximumf %max3A_243, %max3A_281 : vector<16xf32>
        %min3A_318 = arith.minimumf %min3A_316, %max3A_315 : vector<16xf32>
        %max3A_319 = arith.maximumf %min3A_316, %max3A_315 : vector<16xf32>
        %min3A_320 = arith.minimumf %min3A_314, %min3A_312 : vector<16xf32>
        %max3A_321 = arith.maximumf %min3A_314, %min3A_312 : vector<16xf32>
        %min3A_322 = arith.minimumf %min3A_318, %max3A_313 : vector<16xf32>
        %max3A_323 = arith.maximumf %min3A_318, %max3A_313 : vector<16xf32>
        %min3A_324 = arith.minimumf %max3A_319, %max3A_311 : vector<16xf32>
        %max3A_325 = arith.maximumf %max3A_319, %max3A_311 : vector<16xf32>
        %min3A_326 = arith.minimumf %min3A_308, %min3A_302 : vector<16xf32>
        %max3A_327 = arith.maximumf %min3A_308, %min3A_302 : vector<16xf32>
        %min3A_328 = arith.minimumf %min3A_320, %max3A_303 : vector<16xf32>
        %max3A_329 = arith.maximumf %min3A_320, %max3A_303 : vector<16xf32>
        %min3A_330 = arith.minimumf %max3A_321, %min3A_304 : vector<16xf32>
        %max3A_331 = arith.maximumf %max3A_321, %min3A_304 : vector<16xf32>
        %min3A_332 = arith.minimumf %min3A_322, %max3A_305 : vector<16xf32>
        %max3A_333 = arith.maximumf %min3A_322, %max3A_305 : vector<16xf32>
        %min3A_334 = arith.minimumf %max3A_323, %min3A_306 : vector<16xf32>
        %max3A_335 = arith.maximumf %max3A_323, %min3A_306 : vector<16xf32>
        %min3A_336 = arith.minimumf %min3A_324, %max3A_307 : vector<16xf32>
        %max3A_337 = arith.maximumf %min3A_324, %max3A_307 : vector<16xf32>
        %min3A_338 = arith.minimumf %max3A_325, %max3A_299 : vector<16xf32>
        %max3A_339 = arith.maximumf %max3A_325, %max3A_299 : vector<16xf32>
        %min3A_340 = arith.minimumf %gather3A_170, %gather3A_173 : vector<16xf32>
        %max3A_341 = arith.maximumf %gather3A_170, %gather3A_173 : vector<16xf32>
        %min3A_342 = arith.minimumf %gather3A_176, %gather3A_179 : vector<16xf32>
        %max3A_343 = arith.maximumf %gather3A_176, %gather3A_179 : vector<16xf32>
        %min3A_344 = arith.minimumf %min3A_340, %min3A_342 : vector<16xf32>
        %max3A_345 = arith.maximumf %min3A_340, %min3A_342 : vector<16xf32>
        %min3A_346 = arith.minimumf %max3A_341, %max3A_343 : vector<16xf32>
        %max3A_347 = arith.maximumf %max3A_341, %max3A_343 : vector<16xf32>
        %min3A_348 = arith.minimumf %min3A_346, %max3A_345 : vector<16xf32>
        %max3A_349 = arith.maximumf %min3A_346, %max3A_345 : vector<16xf32>
        %min3A_350 = arith.minimumf %gather3A_182, %gather3A_185 : vector<16xf32>
        %max3A_351 = arith.maximumf %gather3A_182, %gather3A_185 : vector<16xf32>
        %min3A_352 = arith.minimumf %gather3A_188, %gather3A_191 : vector<16xf32>
        %max3A_353 = arith.maximumf %gather3A_188, %gather3A_191 : vector<16xf32>
        %min3A_354 = arith.minimumf %min3A_350, %min3A_352 : vector<16xf32>
        %max3A_355 = arith.maximumf %min3A_350, %min3A_352 : vector<16xf32>
        %min3A_356 = arith.minimumf %max3A_351, %max3A_353 : vector<16xf32>
        %max3A_357 = arith.maximumf %max3A_351, %max3A_353 : vector<16xf32>
        %min3A_358 = arith.minimumf %min3A_356, %max3A_355 : vector<16xf32>
        %max3A_359 = arith.maximumf %min3A_356, %max3A_355 : vector<16xf32>
        %min3A_360 = arith.minimumf %min3A_344, %min3A_354 : vector<16xf32>
        %max3A_361 = arith.maximumf %min3A_344, %min3A_354 : vector<16xf32>
        %min3A_362 = arith.minimumf %max3A_349, %max3A_359 : vector<16xf32>
        %max3A_363 = arith.maximumf %max3A_349, %max3A_359 : vector<16xf32>
        %min3A_364 = arith.minimumf %min3A_362, %max3A_361 : vector<16xf32>
        %max3A_365 = arith.maximumf %min3A_362, %max3A_361 : vector<16xf32>
        %min3A_366 = arith.minimumf %min3A_348, %min3A_358 : vector<16xf32>
        %max3A_367 = arith.maximumf %min3A_348, %min3A_358 : vector<16xf32>
        %min3A_368 = arith.minimumf %max3A_347, %max3A_357 : vector<16xf32>
        %max3A_369 = arith.maximumf %max3A_347, %max3A_357 : vector<16xf32>
        %min3A_370 = arith.minimumf %min3A_368, %max3A_367 : vector<16xf32>
        %max3A_371 = arith.maximumf %min3A_368, %max3A_367 : vector<16xf32>
        %min3A_372 = arith.minimumf %min3A_366, %min3A_364 : vector<16xf32>
        %max3A_373 = arith.maximumf %min3A_366, %min3A_364 : vector<16xf32>
        %min3A_374 = arith.minimumf %min3A_370, %max3A_365 : vector<16xf32>
        %max3A_375 = arith.maximumf %min3A_370, %max3A_365 : vector<16xf32>
        %min3A_376 = arith.minimumf %max3A_371, %max3A_363 : vector<16xf32>
        %max3A_377 = arith.maximumf %max3A_371, %max3A_363 : vector<16xf32>
        %min3A_378 = arith.minimumf %gather3A_194, %gather3A_197 : vector<16xf32>
        %max3A_379 = arith.maximumf %gather3A_194, %gather3A_197 : vector<16xf32>
        %min3A_380 = arith.minimumf %gather3A_200, %gather3A_203 : vector<16xf32>
        %max3A_381 = arith.maximumf %gather3A_200, %gather3A_203 : vector<16xf32>
        %min3A_382 = arith.minimumf %min3A_378, %min3A_380 : vector<16xf32>
        %max3A_383 = arith.maximumf %min3A_378, %min3A_380 : vector<16xf32>
        %min3A_384 = arith.minimumf %max3A_379, %max3A_381 : vector<16xf32>
        %max3A_385 = arith.maximumf %max3A_379, %max3A_381 : vector<16xf32>
        %min3A_386 = arith.minimumf %min3A_384, %max3A_383 : vector<16xf32>
        %max3A_387 = arith.maximumf %min3A_384, %max3A_383 : vector<16xf32>
        %min3A_388 = arith.minimumf %gather3A_206, %gather3A_209 : vector<16xf32>
        %max3A_389 = arith.maximumf %gather3A_206, %gather3A_209 : vector<16xf32>
        %min3A_390 = arith.minimumf %gather3A_212, %gather3A_215 : vector<16xf32>
        %max3A_391 = arith.maximumf %gather3A_212, %gather3A_215 : vector<16xf32>
        %min3A_392 = arith.minimumf %min3A_388, %min3A_390 : vector<16xf32>
        %max3A_393 = arith.maximumf %min3A_388, %min3A_390 : vector<16xf32>
        %min3A_394 = arith.minimumf %max3A_389, %max3A_391 : vector<16xf32>
        %max3A_395 = arith.maximumf %max3A_389, %max3A_391 : vector<16xf32>
        %min3A_396 = arith.minimumf %min3A_394, %max3A_393 : vector<16xf32>
        %max3A_397 = arith.maximumf %min3A_394, %max3A_393 : vector<16xf32>
        %min3A_398 = arith.minimumf %min3A_382, %min3A_392 : vector<16xf32>
        %max3A_399 = arith.maximumf %min3A_382, %min3A_392 : vector<16xf32>
        %min3A_400 = arith.minimumf %max3A_387, %max3A_397 : vector<16xf32>
        %max3A_401 = arith.maximumf %max3A_387, %max3A_397 : vector<16xf32>
        %min3A_402 = arith.minimumf %min3A_400, %max3A_399 : vector<16xf32>
        %max3A_403 = arith.maximumf %min3A_400, %max3A_399 : vector<16xf32>
        %min3A_404 = arith.minimumf %min3A_386, %min3A_396 : vector<16xf32>
        %max3A_405 = arith.maximumf %min3A_386, %min3A_396 : vector<16xf32>
        %min3A_406 = arith.minimumf %max3A_385, %max3A_395 : vector<16xf32>
        %max3A_407 = arith.maximumf %max3A_385, %max3A_395 : vector<16xf32>
        %min3A_408 = arith.minimumf %min3A_406, %max3A_405 : vector<16xf32>
        %max3A_409 = arith.maximumf %min3A_406, %max3A_405 : vector<16xf32>
        %min3A_410 = arith.minimumf %min3A_404, %min3A_402 : vector<16xf32>
        %max3A_411 = arith.maximumf %min3A_404, %min3A_402 : vector<16xf32>
        %min3A_412 = arith.minimumf %min3A_408, %max3A_403 : vector<16xf32>
        %max3A_413 = arith.maximumf %min3A_408, %max3A_403 : vector<16xf32>
        %min3A_414 = arith.minimumf %max3A_409, %max3A_401 : vector<16xf32>
        %max3A_415 = arith.maximumf %max3A_409, %max3A_401 : vector<16xf32>
        %min3A_416 = arith.minimumf %min3A_360, %min3A_398 : vector<16xf32>
        %max3A_417 = arith.maximumf %min3A_360, %min3A_398 : vector<16xf32>
        %min3A_418 = arith.minimumf %max3A_375, %max3A_413 : vector<16xf32>
        %max3A_419 = arith.maximumf %max3A_375, %max3A_413 : vector<16xf32>
        %min3A_420 = arith.minimumf %min3A_418, %max3A_417 : vector<16xf32>
        %max3A_421 = arith.maximumf %min3A_418, %max3A_417 : vector<16xf32>
        %min3A_422 = arith.minimumf %max3A_373, %max3A_411 : vector<16xf32>
        %max3A_423 = arith.maximumf %max3A_373, %max3A_411 : vector<16xf32>
        %min3A_424 = arith.minimumf %max3A_377, %max3A_415 : vector<16xf32>
        %max3A_425 = arith.maximumf %max3A_377, %max3A_415 : vector<16xf32>
        %min3A_426 = arith.minimumf %min3A_424, %max3A_423 : vector<16xf32>
        %max3A_427 = arith.maximumf %min3A_424, %max3A_423 : vector<16xf32>
        %min3A_428 = arith.minimumf %min3A_422, %min3A_420 : vector<16xf32>
        %max3A_429 = arith.maximumf %min3A_422, %min3A_420 : vector<16xf32>
        %min3A_430 = arith.minimumf %min3A_426, %max3A_421 : vector<16xf32>
        %max3A_431 = arith.maximumf %min3A_426, %max3A_421 : vector<16xf32>
        %min3A_432 = arith.minimumf %max3A_427, %max3A_419 : vector<16xf32>
        %max3A_433 = arith.maximumf %max3A_427, %max3A_419 : vector<16xf32>
        %min3A_434 = arith.minimumf %min3A_372, %min3A_410 : vector<16xf32>
        %max3A_435 = arith.maximumf %min3A_372, %min3A_410 : vector<16xf32>
        %min3A_436 = arith.minimumf %min3A_376, %min3A_414 : vector<16xf32>
        %max3A_437 = arith.maximumf %min3A_376, %min3A_414 : vector<16xf32>
        %min3A_438 = arith.minimumf %min3A_436, %max3A_435 : vector<16xf32>
        %max3A_439 = arith.maximumf %min3A_436, %max3A_435 : vector<16xf32>
        %min3A_440 = arith.minimumf %min3A_374, %min3A_412 : vector<16xf32>
        %max3A_441 = arith.maximumf %min3A_374, %min3A_412 : vector<16xf32>
        %min3A_442 = arith.minimumf %max3A_369, %max3A_407 : vector<16xf32>
        %max3A_443 = arith.maximumf %max3A_369, %max3A_407 : vector<16xf32>
        %min3A_444 = arith.minimumf %min3A_442, %max3A_441 : vector<16xf32>
        %max3A_445 = arith.maximumf %min3A_442, %max3A_441 : vector<16xf32>
        %min3A_446 = arith.minimumf %min3A_440, %min3A_438 : vector<16xf32>
        %max3A_447 = arith.maximumf %min3A_440, %min3A_438 : vector<16xf32>
        %min3A_448 = arith.minimumf %min3A_444, %max3A_439 : vector<16xf32>
        %max3A_449 = arith.maximumf %min3A_444, %max3A_439 : vector<16xf32>
        %min3A_450 = arith.minimumf %max3A_445, %max3A_437 : vector<16xf32>
        %max3A_451 = arith.maximumf %max3A_445, %max3A_437 : vector<16xf32>
        %min3A_452 = arith.minimumf %min3A_434, %min3A_428 : vector<16xf32>
        %max3A_453 = arith.maximumf %min3A_434, %min3A_428 : vector<16xf32>
        %min3A_454 = arith.minimumf %min3A_446, %max3A_429 : vector<16xf32>
        %max3A_455 = arith.maximumf %min3A_446, %max3A_429 : vector<16xf32>
        %min3A_456 = arith.minimumf %max3A_447, %min3A_430 : vector<16xf32>
        %max3A_457 = arith.maximumf %max3A_447, %min3A_430 : vector<16xf32>
        %min3A_458 = arith.minimumf %min3A_448, %max3A_431 : vector<16xf32>
        %max3A_459 = arith.maximumf %min3A_448, %max3A_431 : vector<16xf32>
        %min3A_460 = arith.minimumf %max3A_449, %min3A_432 : vector<16xf32>
        %max3A_461 = arith.maximumf %max3A_449, %min3A_432 : vector<16xf32>
        %min3A_462 = arith.minimumf %min3A_450, %max3A_433 : vector<16xf32>
        %max3A_463 = arith.maximumf %min3A_450, %max3A_433 : vector<16xf32>
        %min3A_464 = arith.minimumf %max3A_451, %max3A_425 : vector<16xf32>
        %max3A_465 = arith.maximumf %max3A_451, %max3A_425 : vector<16xf32>
        %min3A_466 = arith.minimumf %min3A_290, %min3A_416 : vector<16xf32>
        %max3A_467 = arith.maximumf %min3A_290, %min3A_416 : vector<16xf32>
        %min3A_468 = arith.minimumf %max3A_333, %max3A_459 : vector<16xf32>
        %max3A_469 = arith.maximumf %max3A_333, %max3A_459 : vector<16xf32>
        %min3A_470 = arith.minimumf %min3A_468, %max3A_467 : vector<16xf32>
        %max3A_471 = arith.maximumf %min3A_468, %max3A_467 : vector<16xf32>
        %min3A_472 = arith.minimumf %max3A_329, %max3A_455 : vector<16xf32>
        %max3A_473 = arith.maximumf %max3A_329, %max3A_455 : vector<16xf32>
        %min3A_474 = arith.minimumf %max3A_337, %max3A_463 : vector<16xf32>
        %max3A_475 = arith.maximumf %max3A_337, %max3A_463 : vector<16xf32>
        %min3A_476 = arith.minimumf %min3A_474, %max3A_473 : vector<16xf32>
        %max3A_477 = arith.maximumf %min3A_474, %max3A_473 : vector<16xf32>
        %min3A_478 = arith.minimumf %min3A_472, %min3A_470 : vector<16xf32>
        %max3A_479 = arith.maximumf %min3A_472, %min3A_470 : vector<16xf32>
        %min3A_480 = arith.minimumf %min3A_476, %max3A_471 : vector<16xf32>
        %max3A_481 = arith.maximumf %min3A_476, %max3A_471 : vector<16xf32>
        %min3A_482 = arith.minimumf %max3A_477, %max3A_469 : vector<16xf32>
        %max3A_483 = arith.maximumf %max3A_477, %max3A_469 : vector<16xf32>
        %min3A_484 = arith.minimumf %max3A_327, %max3A_453 : vector<16xf32>
        %max3A_485 = arith.maximumf %max3A_327, %max3A_453 : vector<16xf32>
        %min3A_486 = arith.minimumf %max3A_335, %max3A_461 : vector<16xf32>
        %max3A_487 = arith.maximumf %max3A_335, %max3A_461 : vector<16xf32>
        %min3A_488 = arith.minimumf %min3A_486, %max3A_485 : vector<16xf32>
        %max3A_489 = arith.maximumf %min3A_486, %max3A_485 : vector<16xf32>
        %min3A_490 = arith.minimumf %max3A_331, %max3A_457 : vector<16xf32>
        %max3A_491 = arith.maximumf %max3A_331, %max3A_457 : vector<16xf32>
        %min3A_492 = arith.minimumf %max3A_339, %max3A_465 : vector<16xf32>
        %max3A_493 = arith.maximumf %max3A_339, %max3A_465 : vector<16xf32>
        %min3A_494 = arith.minimumf %min3A_492, %max3A_491 : vector<16xf32>
        %max3A_495 = arith.maximumf %min3A_492, %max3A_491 : vector<16xf32>
        %min3A_496 = arith.minimumf %min3A_490, %min3A_488 : vector<16xf32>
        %max3A_497 = arith.maximumf %min3A_490, %min3A_488 : vector<16xf32>
        %min3A_498 = arith.minimumf %min3A_494, %max3A_489 : vector<16xf32>
        %max3A_499 = arith.maximumf %min3A_494, %max3A_489 : vector<16xf32>
        %min3A_500 = arith.minimumf %max3A_495, %max3A_487 : vector<16xf32>
        %max3A_501 = arith.maximumf %max3A_495, %max3A_487 : vector<16xf32>
        %min3A_502 = arith.minimumf %min3A_484, %min3A_478 : vector<16xf32>
        %max3A_503 = arith.maximumf %min3A_484, %min3A_478 : vector<16xf32>
        %min3A_504 = arith.minimumf %min3A_496, %max3A_479 : vector<16xf32>
        %max3A_505 = arith.maximumf %min3A_496, %max3A_479 : vector<16xf32>
        %min3A_506 = arith.minimumf %max3A_497, %min3A_480 : vector<16xf32>
        %max3A_507 = arith.maximumf %max3A_497, %min3A_480 : vector<16xf32>
        %min3A_508 = arith.minimumf %min3A_498, %max3A_481 : vector<16xf32>
        %max3A_509 = arith.maximumf %min3A_498, %max3A_481 : vector<16xf32>
        %min3A_510 = arith.minimumf %max3A_499, %min3A_482 : vector<16xf32>
        %max3A_511 = arith.maximumf %max3A_499, %min3A_482 : vector<16xf32>
        %min3A_512 = arith.minimumf %min3A_500, %max3A_483 : vector<16xf32>
        %max3A_513 = arith.maximumf %min3A_500, %max3A_483 : vector<16xf32>
        %min3A_514 = arith.minimumf %max3A_501, %max3A_475 : vector<16xf32>
        %max3A_515 = arith.maximumf %max3A_501, %max3A_475 : vector<16xf32>
        %min3A_516 = arith.minimumf %min3A_326, %min3A_452 : vector<16xf32>
        %max3A_517 = arith.maximumf %min3A_326, %min3A_452 : vector<16xf32>
        %min3A_518 = arith.minimumf %min3A_334, %min3A_460 : vector<16xf32>
        %max3A_519 = arith.maximumf %min3A_334, %min3A_460 : vector<16xf32>
        %min3A_520 = arith.minimumf %min3A_518, %max3A_517 : vector<16xf32>
        %max3A_521 = arith.maximumf %min3A_518, %max3A_517 : vector<16xf32>
        %min3A_522 = arith.minimumf %min3A_330, %min3A_456 : vector<16xf32>
        %max3A_523 = arith.maximumf %min3A_330, %min3A_456 : vector<16xf32>
        %min3A_524 = arith.minimumf %min3A_338, %min3A_464 : vector<16xf32>
        %max3A_525 = arith.maximumf %min3A_338, %min3A_464 : vector<16xf32>
        %min3A_526 = arith.minimumf %min3A_524, %max3A_523 : vector<16xf32>
        %max3A_527 = arith.maximumf %min3A_524, %max3A_523 : vector<16xf32>
        %min3A_528 = arith.minimumf %min3A_522, %min3A_520 : vector<16xf32>
        %max3A_529 = arith.maximumf %min3A_522, %min3A_520 : vector<16xf32>
        %min3A_530 = arith.minimumf %min3A_526, %max3A_521 : vector<16xf32>
        %max3A_531 = arith.maximumf %min3A_526, %max3A_521 : vector<16xf32>
        %min3A_532 = arith.minimumf %max3A_527, %max3A_519 : vector<16xf32>
        %max3A_533 = arith.maximumf %max3A_527, %max3A_519 : vector<16xf32>
        %min3A_534 = arith.minimumf %min3A_328, %min3A_454 : vector<16xf32>
        %max3A_535 = arith.maximumf %min3A_328, %min3A_454 : vector<16xf32>
        %min3A_536 = arith.minimumf %min3A_336, %min3A_462 : vector<16xf32>
        %max3A_537 = arith.maximumf %min3A_336, %min3A_462 : vector<16xf32>
        %min3A_538 = arith.minimumf %min3A_536, %max3A_535 : vector<16xf32>
        %max3A_539 = arith.maximumf %min3A_536, %max3A_535 : vector<16xf32>
        %min3A_540 = arith.minimumf %min3A_332, %min3A_458 : vector<16xf32>
        %max3A_541 = arith.maximumf %min3A_332, %min3A_458 : vector<16xf32>
        %min3A_542 = arith.minimumf %max3A_317, %max3A_443 : vector<16xf32>
        %max3A_543 = arith.maximumf %max3A_317, %max3A_443 : vector<16xf32>
        %min3A_544 = arith.minimumf %min3A_542, %max3A_541 : vector<16xf32>
        %max3A_545 = arith.maximumf %min3A_542, %max3A_541 : vector<16xf32>
        %min3A_546 = arith.minimumf %min3A_540, %min3A_538 : vector<16xf32>
        %max3A_547 = arith.maximumf %min3A_540, %min3A_538 : vector<16xf32>
        %min3A_548 = arith.minimumf %min3A_544, %max3A_539 : vector<16xf32>
        %max3A_549 = arith.maximumf %min3A_544, %max3A_539 : vector<16xf32>
        %min3A_550 = arith.minimumf %max3A_545, %max3A_537 : vector<16xf32>
        %max3A_551 = arith.maximumf %max3A_545, %max3A_537 : vector<16xf32>
        %min3A_552 = arith.minimumf %min3A_534, %min3A_528 : vector<16xf32>
        %max3A_553 = arith.maximumf %min3A_534, %min3A_528 : vector<16xf32>
        %min3A_554 = arith.minimumf %min3A_546, %max3A_529 : vector<16xf32>
        %max3A_555 = arith.maximumf %min3A_546, %max3A_529 : vector<16xf32>
        %min3A_556 = arith.minimumf %max3A_547, %min3A_530 : vector<16xf32>
        %max3A_557 = arith.maximumf %max3A_547, %min3A_530 : vector<16xf32>
        %min3A_558 = arith.minimumf %min3A_548, %max3A_531 : vector<16xf32>
        %max3A_559 = arith.maximumf %min3A_548, %max3A_531 : vector<16xf32>
        %min3A_560 = arith.minimumf %max3A_549, %min3A_532 : vector<16xf32>
        %max3A_561 = arith.maximumf %max3A_549, %min3A_532 : vector<16xf32>
        %min3A_562 = arith.minimumf %min3A_550, %max3A_533 : vector<16xf32>
        %max3A_563 = arith.maximumf %min3A_550, %max3A_533 : vector<16xf32>
        %min3A_564 = arith.minimumf %max3A_551, %max3A_525 : vector<16xf32>
        %max3A_565 = arith.maximumf %max3A_551, %max3A_525 : vector<16xf32>
        %min3A_566 = arith.minimumf %min3A_516, %min3A_502 : vector<16xf32>
        %max3A_567 = arith.maximumf %min3A_516, %min3A_502 : vector<16xf32>
        %min3A_568 = arith.minimumf %min3A_552, %max3A_503 : vector<16xf32>
        %max3A_569 = arith.maximumf %min3A_552, %max3A_503 : vector<16xf32>
        %min3A_570 = arith.minimumf %max3A_553, %min3A_504 : vector<16xf32>
        %max3A_571 = arith.maximumf %max3A_553, %min3A_504 : vector<16xf32>
        %min3A_572 = arith.minimumf %min3A_554, %max3A_505 : vector<16xf32>
        %max3A_573 = arith.maximumf %min3A_554, %max3A_505 : vector<16xf32>
        %min3A_574 = arith.minimumf %max3A_555, %min3A_506 : vector<16xf32>
        %max3A_575 = arith.maximumf %max3A_555, %min3A_506 : vector<16xf32>
        %min3A_576 = arith.minimumf %min3A_556, %max3A_507 : vector<16xf32>
        %max3A_577 = arith.maximumf %min3A_556, %max3A_507 : vector<16xf32>
        %min3A_578 = arith.minimumf %max3A_557, %min3A_508 : vector<16xf32>
        %max3A_579 = arith.maximumf %max3A_557, %min3A_508 : vector<16xf32>
        %min3A_580 = arith.minimumf %min3A_558, %max3A_509 : vector<16xf32>
        %max3A_581 = arith.maximumf %min3A_558, %max3A_509 : vector<16xf32>
        %min3A_582 = arith.minimumf %max3A_559, %min3A_510 : vector<16xf32>
        %max3A_583 = arith.maximumf %max3A_559, %min3A_510 : vector<16xf32>
        %min3A_584 = arith.minimumf %min3A_560, %max3A_511 : vector<16xf32>
        %max3A_585 = arith.maximumf %min3A_560, %max3A_511 : vector<16xf32>
        %min3A_586 = arith.minimumf %max3A_561, %min3A_512 : vector<16xf32>
        %max3A_587 = arith.maximumf %max3A_561, %min3A_512 : vector<16xf32>
        %min3A_588 = arith.minimumf %min3A_562, %max3A_513 : vector<16xf32>
        %max3A_589 = arith.maximumf %min3A_562, %max3A_513 : vector<16xf32>
        %min3A_590 = arith.minimumf %max3A_563, %min3A_514 : vector<16xf32>
        %max3A_591 = arith.maximumf %max3A_563, %min3A_514 : vector<16xf32>
        %min3A_592 = arith.minimumf %min3A_564, %max3A_515 : vector<16xf32>
        %max3A_593 = arith.maximumf %min3A_564, %max3A_515 : vector<16xf32>
        %min3A_594 = arith.minimumf %max3A_565, %max3A_493 : vector<16xf32>
        %max3A_595 = arith.maximumf %max3A_565, %max3A_493 : vector<16xf32>
        %eq3A_596 = arith.cmpf oeq, %min3A_566, %min3A_466 : vector<16xf32>
        %eq3A_597 = arith.cmpf oeq, %max3A_567, %min3A_566 : vector<16xf32>
        %or3A = arith.ori %eq3A_596, %eq3A_597 : vector<16xi1>
        %eq3A_598 = arith.cmpf oeq, %min3A_568, %max3A_567 : vector<16xf32>
        %or3A_599 = arith.ori %or3A, %eq3A_598 : vector<16xi1>
        %eq3A_600 = arith.cmpf oeq, %max3A_569, %min3A_568 : vector<16xf32>
        %or3A_601 = arith.ori %or3A_599, %eq3A_600 : vector<16xi1>
        %eq3A_602 = arith.cmpf oeq, %min3A_570, %max3A_569 : vector<16xf32>
        %or3A_603 = arith.ori %or3A_601, %eq3A_602 : vector<16xi1>
        %eq3A_604 = arith.cmpf oeq, %max3A_571, %min3A_570 : vector<16xf32>
        %or3A_605 = arith.ori %or3A_603, %eq3A_604 : vector<16xi1>
        %eq3A_606 = arith.cmpf oeq, %min3A_572, %max3A_571 : vector<16xf32>
        %or3A_607 = arith.ori %or3A_605, %eq3A_606 : vector<16xi1>
        %eq3A_608 = arith.cmpf oeq, %max3A_573, %min3A_572 : vector<16xf32>
        %or3A_609 = arith.ori %or3A_607, %eq3A_608 : vector<16xi1>
        %eq3A_610 = arith.cmpf oeq, %min3A_574, %max3A_573 : vector<16xf32>
        %or3A_611 = arith.ori %or3A_609, %eq3A_610 : vector<16xi1>
        %eq3A_612 = arith.cmpf oeq, %max3A_575, %min3A_574 : vector<16xf32>
        %or3A_613 = arith.ori %or3A_611, %eq3A_612 : vector<16xi1>
        %eq3A_614 = arith.cmpf oeq, %min3A_576, %max3A_575 : vector<16xf32>
        %or3A_615 = arith.ori %or3A_613, %eq3A_614 : vector<16xi1>
        %eq3A_616 = arith.cmpf oeq, %max3A_577, %min3A_576 : vector<16xf32>
        %or3A_617 = arith.ori %or3A_615, %eq3A_616 : vector<16xi1>
        %eq3A_618 = arith.cmpf oeq, %min3A_578, %max3A_577 : vector<16xf32>
        %or3A_619 = arith.ori %or3A_617, %eq3A_618 : vector<16xi1>
        %eq3A_620 = arith.cmpf oeq, %max3A_579, %min3A_578 : vector<16xf32>
        %or3A_621 = arith.ori %or3A_619, %eq3A_620 : vector<16xi1>
        %eq3A_622 = arith.cmpf oeq, %min3A_580, %max3A_579 : vector<16xf32>
        %or3A_623 = arith.ori %or3A_621, %eq3A_622 : vector<16xi1>
        %eq3A_624 = arith.cmpf oeq, %max3A_581, %min3A_580 : vector<16xf32>
        %or3A_625 = arith.ori %or3A_623, %eq3A_624 : vector<16xi1>
        %eq3A_626 = arith.cmpf oeq, %min3A_582, %max3A_581 : vector<16xf32>
        %or3A_627 = arith.ori %or3A_625, %eq3A_626 : vector<16xi1>
        %eq3A_628 = arith.cmpf oeq, %max3A_583, %min3A_582 : vector<16xf32>
        %or3A_629 = arith.ori %or3A_627, %eq3A_628 : vector<16xi1>
        %eq3A_630 = arith.cmpf oeq, %min3A_584, %max3A_583 : vector<16xf32>
        %or3A_631 = arith.ori %or3A_629, %eq3A_630 : vector<16xi1>
        %eq3A_632 = arith.cmpf oeq, %max3A_585, %min3A_584 : vector<16xf32>
        %or3A_633 = arith.ori %or3A_631, %eq3A_632 : vector<16xi1>
        %eq3A_634 = arith.cmpf oeq, %min3A_586, %max3A_585 : vector<16xf32>
        %or3A_635 = arith.ori %or3A_633, %eq3A_634 : vector<16xi1>
        %eq3A_636 = arith.cmpf oeq, %max3A_587, %min3A_586 : vector<16xf32>
        %or3A_637 = arith.ori %or3A_635, %eq3A_636 : vector<16xi1>
        %eq3A_638 = arith.cmpf oeq, %min3A_588, %max3A_587 : vector<16xf32>
        %or3A_639 = arith.ori %or3A_637, %eq3A_638 : vector<16xi1>
        %eq3A_640 = arith.cmpf oeq, %max3A_589, %min3A_588 : vector<16xf32>
        %or3A_641 = arith.ori %or3A_639, %eq3A_640 : vector<16xi1>
        %eq3A_642 = arith.cmpf oeq, %min3A_590, %max3A_589 : vector<16xf32>
        %or3A_643 = arith.ori %or3A_641, %eq3A_642 : vector<16xi1>
        %eq3A_644 = arith.cmpf oeq, %max3A_591, %min3A_590 : vector<16xf32>
        %or3A_645 = arith.ori %or3A_643, %eq3A_644 : vector<16xi1>
        %eq3A_646 = arith.cmpf oeq, %min3A_592, %max3A_591 : vector<16xf32>
        %or3A_647 = arith.ori %or3A_645, %eq3A_646 : vector<16xi1>
        %eq3A_648 = arith.cmpf oeq, %max3A_593, %min3A_592 : vector<16xf32>
        %or3A_649 = arith.ori %or3A_647, %eq3A_648 : vector<16xi1>
        %eq3A_650 = arith.cmpf oeq, %min3A_594, %max3A_593 : vector<16xf32>
        %or3A_651 = arith.ori %or3A_649, %eq3A_650 : vector<16xi1>
        %eq3A_652 = arith.cmpf oeq, %max3A_595, %min3A_594 : vector<16xf32>
        %or3A_653 = arith.ori %or3A_651, %eq3A_652 : vector<16xi1>
        %eq3A_654 = arith.cmpf oeq, %max3A_543, %max3A_595 : vector<16xf32>
        %or3A_655 = arith.ori %or3A_653, %eq3A_654 : vector<16xi1>
        %reduce_or3A = arith.constant 1.000000e+00 : f32
        %reduce_or3A_656 = arith.constant 0.000000e+00 : f32
        %reduce_or3A_657 = vector.broadcast %reduce_or3A : f32 to vector<16xf32>
        %reduce_or3A_658 = vector.broadcast %reduce_or3A_656 : f32 to vector<16xf32>
        %reduce_or3A_659 = arith.select %or3A_655, %reduce_or3A_657, %reduce_or3A_658 : vector<16xi1>, vector<16xf32>
        %reduce_or3A_660 = arith.constant true
        %reduce_or3A_661 = vector.broadcast %reduce_or3A_660 : i1 to vector<16xi1>
        %reduce_or3A_662 = tpu.scan <max>, %reduce_or3A_659 masked %reduce_or3A_661 : vector<16xf32>, vector<16xi1> -> vector<16xf32>
        %reduce_or3A_663 = vector.extract %reduce_or3A_662[15] : f32 from vector<16xf32>
        %reduce_or3A_664 = arith.constant 0.000000e+00 : f32
        %reduce_or3A_665 = arith.cmpf ogt, %reduce_or3A_663, %reduce_or3A_664 : f32
        %convert_element_type3A_666 = arith.extui %reduce_or3A_665 : i1 to i32
        %cond3A_667 = arith.constant 0 : i32
        %cond3A_668 = arith.cmpi ne, %convert_element_type3A_666, %cond3A_667 : i32
        %cond3A_669 = scf.if %cond3A_668 -> (vector<16xf32>) {
          %broadcast_in_dim3A_675 = arith.constant 1 : i32
          %broadcast_in_dim3A_676 = vector.broadcast %broadcast_in_dim3A_675 : i32 to vector<16xi32>
          %eq3A_677 = arith.cmpf oeq, %min3A_566, %min3A_466 : vector<16xf32>
          %convert_element_type3A_678 = arith.extui %eq3A_677 : vector<16xi1> to vector<16xi32>
          %mul3A_679 = arith.muli %broadcast_in_dim3A_676, %convert_element_type3A_678 : vector<16xi32>
          %add3A_680 = arith.constant 1 : i32
          %add3A_681 = vector.broadcast %add3A_680 : i32 to vector<16xi32>
          %add3A_682 = arith.addi %mul3A_679, %add3A_681 : vector<16xi32>
          %gt3A = arith.cmpi sgt, %add3A_682, %broadcast_in_dim3A_676 : vector<16xi32>
          %max3A_683 = arith.maxsi %add3A_682, %broadcast_in_dim3A_676 : vector<16xi32>
          %select_n3A_684 = arith.select %gt3A, %min3A_566, %min3A_466 : vector<16xi1>, vector<16xf32>
          %eq3A_685 = arith.cmpf oeq, %max3A_567, %min3A_566 : vector<16xf32>
          %convert_element_type3A_686 = arith.extui %eq3A_685 : vector<16xi1> to vector<16xi32>
          %mul3A_687 = arith.muli %add3A_682, %convert_element_type3A_686 : vector<16xi32>
          %add3A_688 = arith.constant 1 : i32
          %add3A_689 = vector.broadcast %add3A_688 : i32 to vector<16xi32>
          %add3A_690 = arith.addi %mul3A_687, %add3A_689 : vector<16xi32>
          %gt3A_691 = arith.cmpi sgt, %add3A_690, %max3A_683 : vector<16xi32>
          %max3A_692 = arith.maxsi %add3A_690, %max3A_683 : vector<16xi32>
          %select_n3A_693 = arith.select %gt3A_691, %max3A_567, %select_n3A_684 : vector<16xi1>, vector<16xf32>
          %eq3A_694 = arith.cmpf oeq, %min3A_568, %max3A_567 : vector<16xf32>
          %convert_element_type3A_695 = arith.extui %eq3A_694 : vector<16xi1> to vector<16xi32>
          %mul3A_696 = arith.muli %add3A_690, %convert_element_type3A_695 : vector<16xi32>
          %add3A_697 = arith.constant 1 : i32
          %add3A_698 = vector.broadcast %add3A_697 : i32 to vector<16xi32>
          %add3A_699 = arith.addi %mul3A_696, %add3A_698 : vector<16xi32>
          %gt3A_700 = arith.cmpi sgt, %add3A_699, %max3A_692 : vector<16xi32>
          %max3A_701 = arith.maxsi %add3A_699, %max3A_692 : vector<16xi32>
          %select_n3A_702 = arith.select %gt3A_700, %min3A_568, %select_n3A_693 : vector<16xi1>, vector<16xf32>
          %eq3A_703 = arith.cmpf oeq, %max3A_569, %min3A_568 : vector<16xf32>
          %convert_element_type3A_704 = arith.extui %eq3A_703 : vector<16xi1> to vector<16xi32>
          %mul3A_705 = arith.muli %add3A_699, %convert_element_type3A_704 : vector<16xi32>
          %add3A_706 = arith.constant 1 : i32
          %add3A_707 = vector.broadcast %add3A_706 : i32 to vector<16xi32>
          %add3A_708 = arith.addi %mul3A_705, %add3A_707 : vector<16xi32>
          %gt3A_709 = arith.cmpi sgt, %add3A_708, %max3A_701 : vector<16xi32>
          %max3A_710 = arith.maxsi %add3A_708, %max3A_701 : vector<16xi32>
          %select_n3A_711 = arith.select %gt3A_709, %max3A_569, %select_n3A_702 : vector<16xi1>, vector<16xf32>
          %eq3A_712 = arith.cmpf oeq, %min3A_570, %max3A_569 : vector<16xf32>
          %convert_element_type3A_713 = arith.extui %eq3A_712 : vector<16xi1> to vector<16xi32>
          %mul3A_714 = arith.muli %add3A_708, %convert_element_type3A_713 : vector<16xi32>
          %add3A_715 = arith.constant 1 : i32
          %add3A_716 = vector.broadcast %add3A_715 : i32 to vector<16xi32>
          %add3A_717 = arith.addi %mul3A_714, %add3A_716 : vector<16xi32>
          %gt3A_718 = arith.cmpi sgt, %add3A_717, %max3A_710 : vector<16xi32>
          %max3A_719 = arith.maxsi %add3A_717, %max3A_710 : vector<16xi32>
          %select_n3A_720 = arith.select %gt3A_718, %min3A_570, %select_n3A_711 : vector<16xi1>, vector<16xf32>
          %eq3A_721 = arith.cmpf oeq, %max3A_571, %min3A_570 : vector<16xf32>
          %convert_element_type3A_722 = arith.extui %eq3A_721 : vector<16xi1> to vector<16xi32>
          %mul3A_723 = arith.muli %add3A_717, %convert_element_type3A_722 : vector<16xi32>
          %add3A_724 = arith.constant 1 : i32
          %add3A_725 = vector.broadcast %add3A_724 : i32 to vector<16xi32>
          %add3A_726 = arith.addi %mul3A_723, %add3A_725 : vector<16xi32>
          %gt3A_727 = arith.cmpi sgt, %add3A_726, %max3A_719 : vector<16xi32>
          %max3A_728 = arith.maxsi %add3A_726, %max3A_719 : vector<16xi32>
          %select_n3A_729 = arith.select %gt3A_727, %max3A_571, %select_n3A_720 : vector<16xi1>, vector<16xf32>
          %eq3A_730 = arith.cmpf oeq, %min3A_572, %max3A_571 : vector<16xf32>
          %convert_element_type3A_731 = arith.extui %eq3A_730 : vector<16xi1> to vector<16xi32>
          %mul3A_732 = arith.muli %add3A_726, %convert_element_type3A_731 : vector<16xi32>
          %add3A_733 = arith.constant 1 : i32
          %add3A_734 = vector.broadcast %add3A_733 : i32 to vector<16xi32>
          %add3A_735 = arith.addi %mul3A_732, %add3A_734 : vector<16xi32>
          %gt3A_736 = arith.cmpi sgt, %add3A_735, %max3A_728 : vector<16xi32>
          %max3A_737 = arith.maxsi %add3A_735, %max3A_728 : vector<16xi32>
          %select_n3A_738 = arith.select %gt3A_736, %min3A_572, %select_n3A_729 : vector<16xi1>, vector<16xf32>
          %eq3A_739 = arith.cmpf oeq, %max3A_573, %min3A_572 : vector<16xf32>
          %convert_element_type3A_740 = arith.extui %eq3A_739 : vector<16xi1> to vector<16xi32>
          %mul3A_741 = arith.muli %add3A_735, %convert_element_type3A_740 : vector<16xi32>
          %add3A_742 = arith.constant 1 : i32
          %add3A_743 = vector.broadcast %add3A_742 : i32 to vector<16xi32>
          %add3A_744 = arith.addi %mul3A_741, %add3A_743 : vector<16xi32>
          %gt3A_745 = arith.cmpi sgt, %add3A_744, %max3A_737 : vector<16xi32>
          %max3A_746 = arith.maxsi %add3A_744, %max3A_737 : vector<16xi32>
          %select_n3A_747 = arith.select %gt3A_745, %max3A_573, %select_n3A_738 : vector<16xi1>, vector<16xf32>
          %eq3A_748 = arith.cmpf oeq, %min3A_574, %max3A_573 : vector<16xf32>
          %convert_element_type3A_749 = arith.extui %eq3A_748 : vector<16xi1> to vector<16xi32>
          %mul3A_750 = arith.muli %add3A_744, %convert_element_type3A_749 : vector<16xi32>
          %add3A_751 = arith.constant 1 : i32
          %add3A_752 = vector.broadcast %add3A_751 : i32 to vector<16xi32>
          %add3A_753 = arith.addi %mul3A_750, %add3A_752 : vector<16xi32>
          %gt3A_754 = arith.cmpi sgt, %add3A_753, %max3A_746 : vector<16xi32>
          %max3A_755 = arith.maxsi %add3A_753, %max3A_746 : vector<16xi32>
          %select_n3A_756 = arith.select %gt3A_754, %min3A_574, %select_n3A_747 : vector<16xi1>, vector<16xf32>
          %eq3A_757 = arith.cmpf oeq, %max3A_575, %min3A_574 : vector<16xf32>
          %convert_element_type3A_758 = arith.extui %eq3A_757 : vector<16xi1> to vector<16xi32>
          %mul3A_759 = arith.muli %add3A_753, %convert_element_type3A_758 : vector<16xi32>
          %add3A_760 = arith.constant 1 : i32
          %add3A_761 = vector.broadcast %add3A_760 : i32 to vector<16xi32>
          %add3A_762 = arith.addi %mul3A_759, %add3A_761 : vector<16xi32>
          %gt3A_763 = arith.cmpi sgt, %add3A_762, %max3A_755 : vector<16xi32>
          %max3A_764 = arith.maxsi %add3A_762, %max3A_755 : vector<16xi32>
          %select_n3A_765 = arith.select %gt3A_763, %max3A_575, %select_n3A_756 : vector<16xi1>, vector<16xf32>
          %eq3A_766 = arith.cmpf oeq, %min3A_576, %max3A_575 : vector<16xf32>
          %convert_element_type3A_767 = arith.extui %eq3A_766 : vector<16xi1> to vector<16xi32>
          %mul3A_768 = arith.muli %add3A_762, %convert_element_type3A_767 : vector<16xi32>
          %add3A_769 = arith.constant 1 : i32
          %add3A_770 = vector.broadcast %add3A_769 : i32 to vector<16xi32>
          %add3A_771 = arith.addi %mul3A_768, %add3A_770 : vector<16xi32>
          %gt3A_772 = arith.cmpi sgt, %add3A_771, %max3A_764 : vector<16xi32>
          %max3A_773 = arith.maxsi %add3A_771, %max3A_764 : vector<16xi32>
          %select_n3A_774 = arith.select %gt3A_772, %min3A_576, %select_n3A_765 : vector<16xi1>, vector<16xf32>
          %eq3A_775 = arith.cmpf oeq, %max3A_577, %min3A_576 : vector<16xf32>
          %convert_element_type3A_776 = arith.extui %eq3A_775 : vector<16xi1> to vector<16xi32>
          %mul3A_777 = arith.muli %add3A_771, %convert_element_type3A_776 : vector<16xi32>
          %add3A_778 = arith.constant 1 : i32
          %add3A_779 = vector.broadcast %add3A_778 : i32 to vector<16xi32>
          %add3A_780 = arith.addi %mul3A_777, %add3A_779 : vector<16xi32>
          %gt3A_781 = arith.cmpi sgt, %add3A_780, %max3A_773 : vector<16xi32>
          %max3A_782 = arith.maxsi %add3A_780, %max3A_773 : vector<16xi32>
          %select_n3A_783 = arith.select %gt3A_781, %max3A_577, %select_n3A_774 : vector<16xi1>, vector<16xf32>
          %eq3A_784 = arith.cmpf oeq, %min3A_578, %max3A_577 : vector<16xf32>
          %convert_element_type3A_785 = arith.extui %eq3A_784 : vector<16xi1> to vector<16xi32>
          %mul3A_786 = arith.muli %add3A_780, %convert_element_type3A_785 : vector<16xi32>
          %add3A_787 = arith.constant 1 : i32
          %add3A_788 = vector.broadcast %add3A_787 : i32 to vector<16xi32>
          %add3A_789 = arith.addi %mul3A_786, %add3A_788 : vector<16xi32>
          %gt3A_790 = arith.cmpi sgt, %add3A_789, %max3A_782 : vector<16xi32>
          %max3A_791 = arith.maxsi %add3A_789, %max3A_782 : vector<16xi32>
          %select_n3A_792 = arith.select %gt3A_790, %min3A_578, %select_n3A_783 : vector<16xi1>, vector<16xf32>
          %eq3A_793 = arith.cmpf oeq, %max3A_579, %min3A_578 : vector<16xf32>
          %convert_element_type3A_794 = arith.extui %eq3A_793 : vector<16xi1> to vector<16xi32>
          %mul3A_795 = arith.muli %add3A_789, %convert_element_type3A_794 : vector<16xi32>
          %add3A_796 = arith.constant 1 : i32
          %add3A_797 = vector.broadcast %add3A_796 : i32 to vector<16xi32>
          %add3A_798 = arith.addi %mul3A_795, %add3A_797 : vector<16xi32>
          %gt3A_799 = arith.cmpi sgt, %add3A_798, %max3A_791 : vector<16xi32>
          %max3A_800 = arith.maxsi %add3A_798, %max3A_791 : vector<16xi32>
          %select_n3A_801 = arith.select %gt3A_799, %max3A_579, %select_n3A_792 : vector<16xi1>, vector<16xf32>
          %eq3A_802 = arith.cmpf oeq, %min3A_580, %max3A_579 : vector<16xf32>
          %convert_element_type3A_803 = arith.extui %eq3A_802 : vector<16xi1> to vector<16xi32>
          %mul3A_804 = arith.muli %add3A_798, %convert_element_type3A_803 : vector<16xi32>
          %add3A_805 = arith.constant 1 : i32
          %add3A_806 = vector.broadcast %add3A_805 : i32 to vector<16xi32>
          %add3A_807 = arith.addi %mul3A_804, %add3A_806 : vector<16xi32>
          %gt3A_808 = arith.cmpi sgt, %add3A_807, %max3A_800 : vector<16xi32>
          %max3A_809 = arith.maxsi %add3A_807, %max3A_800 : vector<16xi32>
          %select_n3A_810 = arith.select %gt3A_808, %min3A_580, %select_n3A_801 : vector<16xi1>, vector<16xf32>
          %eq3A_811 = arith.cmpf oeq, %max3A_581, %min3A_580 : vector<16xf32>
          %convert_element_type3A_812 = arith.extui %eq3A_811 : vector<16xi1> to vector<16xi32>
          %mul3A_813 = arith.muli %add3A_807, %convert_element_type3A_812 : vector<16xi32>
          %add3A_814 = arith.constant 1 : i32
          %add3A_815 = vector.broadcast %add3A_814 : i32 to vector<16xi32>
          %add3A_816 = arith.addi %mul3A_813, %add3A_815 : vector<16xi32>
          %gt3A_817 = arith.cmpi sgt, %add3A_816, %max3A_809 : vector<16xi32>
          %max3A_818 = arith.maxsi %add3A_816, %max3A_809 : vector<16xi32>
          %select_n3A_819 = arith.select %gt3A_817, %max3A_581, %select_n3A_810 : vector<16xi1>, vector<16xf32>
          %eq3A_820 = arith.cmpf oeq, %min3A_582, %max3A_581 : vector<16xf32>
          %convert_element_type3A_821 = arith.extui %eq3A_820 : vector<16xi1> to vector<16xi32>
          %mul3A_822 = arith.muli %add3A_816, %convert_element_type3A_821 : vector<16xi32>
          %add3A_823 = arith.constant 1 : i32
          %add3A_824 = vector.broadcast %add3A_823 : i32 to vector<16xi32>
          %add3A_825 = arith.addi %mul3A_822, %add3A_824 : vector<16xi32>
          %gt3A_826 = arith.cmpi sgt, %add3A_825, %max3A_818 : vector<16xi32>
          %max3A_827 = arith.maxsi %add3A_825, %max3A_818 : vector<16xi32>
          %select_n3A_828 = arith.select %gt3A_826, %min3A_582, %select_n3A_819 : vector<16xi1>, vector<16xf32>
          %eq3A_829 = arith.cmpf oeq, %max3A_583, %min3A_582 : vector<16xf32>
          %convert_element_type3A_830 = arith.extui %eq3A_829 : vector<16xi1> to vector<16xi32>
          %mul3A_831 = arith.muli %add3A_825, %convert_element_type3A_830 : vector<16xi32>
          %add3A_832 = arith.constant 1 : i32
          %add3A_833 = vector.broadcast %add3A_832 : i32 to vector<16xi32>
          %add3A_834 = arith.addi %mul3A_831, %add3A_833 : vector<16xi32>
          %gt3A_835 = arith.cmpi sgt, %add3A_834, %max3A_827 : vector<16xi32>
          %max3A_836 = arith.maxsi %add3A_834, %max3A_827 : vector<16xi32>
          %select_n3A_837 = arith.select %gt3A_835, %max3A_583, %select_n3A_828 : vector<16xi1>, vector<16xf32>
          %eq3A_838 = arith.cmpf oeq, %min3A_584, %max3A_583 : vector<16xf32>
          %convert_element_type3A_839 = arith.extui %eq3A_838 : vector<16xi1> to vector<16xi32>
          %mul3A_840 = arith.muli %add3A_834, %convert_element_type3A_839 : vector<16xi32>
          %add3A_841 = arith.constant 1 : i32
          %add3A_842 = vector.broadcast %add3A_841 : i32 to vector<16xi32>
          %add3A_843 = arith.addi %mul3A_840, %add3A_842 : vector<16xi32>
          %gt3A_844 = arith.cmpi sgt, %add3A_843, %max3A_836 : vector<16xi32>
          %max3A_845 = arith.maxsi %add3A_843, %max3A_836 : vector<16xi32>
          %select_n3A_846 = arith.select %gt3A_844, %min3A_584, %select_n3A_837 : vector<16xi1>, vector<16xf32>
          %eq3A_847 = arith.cmpf oeq, %max3A_585, %min3A_584 : vector<16xf32>
          %convert_element_type3A_848 = arith.extui %eq3A_847 : vector<16xi1> to vector<16xi32>
          %mul3A_849 = arith.muli %add3A_843, %convert_element_type3A_848 : vector<16xi32>
          %add3A_850 = arith.constant 1 : i32
          %add3A_851 = vector.broadcast %add3A_850 : i32 to vector<16xi32>
          %add3A_852 = arith.addi %mul3A_849, %add3A_851 : vector<16xi32>
          %gt3A_853 = arith.cmpi sgt, %add3A_852, %max3A_845 : vector<16xi32>
          %max3A_854 = arith.maxsi %add3A_852, %max3A_845 : vector<16xi32>
          %select_n3A_855 = arith.select %gt3A_853, %max3A_585, %select_n3A_846 : vector<16xi1>, vector<16xf32>
          %eq3A_856 = arith.cmpf oeq, %min3A_586, %max3A_585 : vector<16xf32>
          %convert_element_type3A_857 = arith.extui %eq3A_856 : vector<16xi1> to vector<16xi32>
          %mul3A_858 = arith.muli %add3A_852, %convert_element_type3A_857 : vector<16xi32>
          %add3A_859 = arith.constant 1 : i32
          %add3A_860 = vector.broadcast %add3A_859 : i32 to vector<16xi32>
          %add3A_861 = arith.addi %mul3A_858, %add3A_860 : vector<16xi32>
          %gt3A_862 = arith.cmpi sgt, %add3A_861, %max3A_854 : vector<16xi32>
          %max3A_863 = arith.maxsi %add3A_861, %max3A_854 : vector<16xi32>
          %select_n3A_864 = arith.select %gt3A_862, %min3A_586, %select_n3A_855 : vector<16xi1>, vector<16xf32>
          %eq3A_865 = arith.cmpf oeq, %max3A_587, %min3A_586 : vector<16xf32>
          %convert_element_type3A_866 = arith.extui %eq3A_865 : vector<16xi1> to vector<16xi32>
          %mul3A_867 = arith.muli %add3A_861, %convert_element_type3A_866 : vector<16xi32>
          %add3A_868 = arith.constant 1 : i32
          %add3A_869 = vector.broadcast %add3A_868 : i32 to vector<16xi32>
          %add3A_870 = arith.addi %mul3A_867, %add3A_869 : vector<16xi32>
          %gt3A_871 = arith.cmpi sgt, %add3A_870, %max3A_863 : vector<16xi32>
          %max3A_872 = arith.maxsi %add3A_870, %max3A_863 : vector<16xi32>
          %select_n3A_873 = arith.select %gt3A_871, %max3A_587, %select_n3A_864 : vector<16xi1>, vector<16xf32>
          %eq3A_874 = arith.cmpf oeq, %min3A_588, %max3A_587 : vector<16xf32>
          %convert_element_type3A_875 = arith.extui %eq3A_874 : vector<16xi1> to vector<16xi32>
          %mul3A_876 = arith.muli %add3A_870, %convert_element_type3A_875 : vector<16xi32>
          %add3A_877 = arith.constant 1 : i32
          %add3A_878 = vector.broadcast %add3A_877 : i32 to vector<16xi32>
          %add3A_879 = arith.addi %mul3A_876, %add3A_878 : vector<16xi32>
          %gt3A_880 = arith.cmpi sgt, %add3A_879, %max3A_872 : vector<16xi32>
          %max3A_881 = arith.maxsi %add3A_879, %max3A_872 : vector<16xi32>
          %select_n3A_882 = arith.select %gt3A_880, %min3A_588, %select_n3A_873 : vector<16xi1>, vector<16xf32>
          %eq3A_883 = arith.cmpf oeq, %max3A_589, %min3A_588 : vector<16xf32>
          %convert_element_type3A_884 = arith.extui %eq3A_883 : vector<16xi1> to vector<16xi32>
          %mul3A_885 = arith.muli %add3A_879, %convert_element_type3A_884 : vector<16xi32>
          %add3A_886 = arith.constant 1 : i32
          %add3A_887 = vector.broadcast %add3A_886 : i32 to vector<16xi32>
          %add3A_888 = arith.addi %mul3A_885, %add3A_887 : vector<16xi32>
          %gt3A_889 = arith.cmpi sgt, %add3A_888, %max3A_881 : vector<16xi32>
          %max3A_890 = arith.maxsi %add3A_888, %max3A_881 : vector<16xi32>
          %select_n3A_891 = arith.select %gt3A_889, %max3A_589, %select_n3A_882 : vector<16xi1>, vector<16xf32>
          %eq3A_892 = arith.cmpf oeq, %min3A_590, %max3A_589 : vector<16xf32>
          %convert_element_type3A_893 = arith.extui %eq3A_892 : vector<16xi1> to vector<16xi32>
          %mul3A_894 = arith.muli %add3A_888, %convert_element_type3A_893 : vector<16xi32>
          %add3A_895 = arith.constant 1 : i32
          %add3A_896 = vector.broadcast %add3A_895 : i32 to vector<16xi32>
          %add3A_897 = arith.addi %mul3A_894, %add3A_896 : vector<16xi32>
          %gt3A_898 = arith.cmpi sgt, %add3A_897, %max3A_890 : vector<16xi32>
          %max3A_899 = arith.maxsi %add3A_897, %max3A_890 : vector<16xi32>
          %select_n3A_900 = arith.select %gt3A_898, %min3A_590, %select_n3A_891 : vector<16xi1>, vector<16xf32>
          %eq3A_901 = arith.cmpf oeq, %max3A_591, %min3A_590 : vector<16xf32>
          %convert_element_type3A_902 = arith.extui %eq3A_901 : vector<16xi1> to vector<16xi32>
          %mul3A_903 = arith.muli %add3A_897, %convert_element_type3A_902 : vector<16xi32>
          %add3A_904 = arith.constant 1 : i32
          %add3A_905 = vector.broadcast %add3A_904 : i32 to vector<16xi32>
          %add3A_906 = arith.addi %mul3A_903, %add3A_905 : vector<16xi32>
          %gt3A_907 = arith.cmpi sgt, %add3A_906, %max3A_899 : vector<16xi32>
          %max3A_908 = arith.maxsi %add3A_906, %max3A_899 : vector<16xi32>
          %select_n3A_909 = arith.select %gt3A_907, %max3A_591, %select_n3A_900 : vector<16xi1>, vector<16xf32>
          %eq3A_910 = arith.cmpf oeq, %min3A_592, %max3A_591 : vector<16xf32>
          %convert_element_type3A_911 = arith.extui %eq3A_910 : vector<16xi1> to vector<16xi32>
          %mul3A_912 = arith.muli %add3A_906, %convert_element_type3A_911 : vector<16xi32>
          %add3A_913 = arith.constant 1 : i32
          %add3A_914 = vector.broadcast %add3A_913 : i32 to vector<16xi32>
          %add3A_915 = arith.addi %mul3A_912, %add3A_914 : vector<16xi32>
          %gt3A_916 = arith.cmpi sgt, %add3A_915, %max3A_908 : vector<16xi32>
          %max3A_917 = arith.maxsi %add3A_915, %max3A_908 : vector<16xi32>
          %select_n3A_918 = arith.select %gt3A_916, %min3A_592, %select_n3A_909 : vector<16xi1>, vector<16xf32>
          %eq3A_919 = arith.cmpf oeq, %max3A_593, %min3A_592 : vector<16xf32>
          %convert_element_type3A_920 = arith.extui %eq3A_919 : vector<16xi1> to vector<16xi32>
          %mul3A_921 = arith.muli %add3A_915, %convert_element_type3A_920 : vector<16xi32>
          %add3A_922 = arith.constant 1 : i32
          %add3A_923 = vector.broadcast %add3A_922 : i32 to vector<16xi32>
          %add3A_924 = arith.addi %mul3A_921, %add3A_923 : vector<16xi32>
          %gt3A_925 = arith.cmpi sgt, %add3A_924, %max3A_917 : vector<16xi32>
          %max3A_926 = arith.maxsi %add3A_924, %max3A_917 : vector<16xi32>
          %select_n3A_927 = arith.select %gt3A_925, %max3A_593, %select_n3A_918 : vector<16xi1>, vector<16xf32>
          %eq3A_928 = arith.cmpf oeq, %min3A_594, %max3A_593 : vector<16xf32>
          %convert_element_type3A_929 = arith.extui %eq3A_928 : vector<16xi1> to vector<16xi32>
          %mul3A_930 = arith.muli %add3A_924, %convert_element_type3A_929 : vector<16xi32>
          %add3A_931 = arith.constant 1 : i32
          %add3A_932 = vector.broadcast %add3A_931 : i32 to vector<16xi32>
          %add3A_933 = arith.addi %mul3A_930, %add3A_932 : vector<16xi32>
          %gt3A_934 = arith.cmpi sgt, %add3A_933, %max3A_926 : vector<16xi32>
          %max3A_935 = arith.maxsi %add3A_933, %max3A_926 : vector<16xi32>
          %select_n3A_936 = arith.select %gt3A_934, %min3A_594, %select_n3A_927 : vector<16xi1>, vector<16xf32>
          %eq3A_937 = arith.cmpf oeq, %max3A_595, %min3A_594 : vector<16xf32>
          %convert_element_type3A_938 = arith.extui %eq3A_937 : vector<16xi1> to vector<16xi32>
          %mul3A_939 = arith.muli %add3A_933, %convert_element_type3A_938 : vector<16xi32>
          %add3A_940 = arith.constant 1 : i32
          %add3A_941 = vector.broadcast %add3A_940 : i32 to vector<16xi32>
          %add3A_942 = arith.addi %mul3A_939, %add3A_941 : vector<16xi32>
          %gt3A_943 = arith.cmpi sgt, %add3A_942, %max3A_935 : vector<16xi32>
          %max3A_944 = arith.maxsi %add3A_942, %max3A_935 : vector<16xi32>
          %select_n3A_945 = arith.select %gt3A_943, %max3A_595, %select_n3A_936 : vector<16xi1>, vector<16xf32>
          %eq3A_946 = arith.cmpf oeq, %max3A_543, %max3A_595 : vector<16xf32>
          %convert_element_type3A_947 = arith.extui %eq3A_946 : vector<16xi1> to vector<16xi32>
          %mul3A_948 = arith.muli %add3A_942, %convert_element_type3A_947 : vector<16xi32>
          %add3A_949 = arith.constant 1 : i32
          %add3A_950 = vector.broadcast %add3A_949 : i32 to vector<16xi32>
          %add3A_951 = arith.addi %mul3A_948, %add3A_950 : vector<16xi32>
          %gt3A_952 = arith.cmpi sgt, %add3A_951, %max3A_944 : vector<16xi32>
          %max3A_953 = arith.maxsi %add3A_951, %max3A_944 : vector<16xi32>
          %select_n3A_954 = arith.select %gt3A_952, %max3A_543, %select_n3A_945 : vector<16xi1>, vector<16xf32>
          scf.yield %select_n3A_954 : vector<16xf32>
        } else {
          scf.yield %min3A_466 : vector<16xf32>
        }
        %mul3A_670 = arith.constant 16 : i32
        %mul3A_671 = arith.muli %scan3A_116, %mul3A_670 : i32
        %add3A_672 = arith.addi %mul3A_79, %mul3A_671 : i32
        %swap3A = arith.index_cast %add3A_672 : i32 to index
        %swap3A_673 = tpu.vector_load %arg6[%swap3A] {strides = array<i32>} : memref<2048xf32, #tpu.memory_space<vmem>>, vector<16xf32>,
        tpu.vector_store %arg6[%swap3A], %cond3A_669 {strides = array<i32>} : memref<2048xf32, #tpu.memory_space<vmem>>, vector<16xf32>,
        %scan3A_674 = arith.constant 0 : i32
        scf.yield %scan3A_674 : i32
      }
      %scan3A_86 = arith.constant 16 : i32
      %lt3A_87 = arith.constant 63 : i32
      %lt3A_88 = arith.cmpi slt, %scan3A_20, %lt3A_87 : i32
      %convert_element_type3A_89 = arith.extui %lt3A_88 : i1 to i32
      %cond3A_90 = arith.constant 0 : i32
      %cond3A_91 = arith.cmpi ne, %convert_element_type3A_89, %cond3A_90 : i32
      scf.if %cond3A_91 {
        %add3A_116 = arith.constant 3 : i32
        %add3A_117 = arith.addi %mul3A_23, %add3A_116 : i32
        %mul3A_118 = arith.constant 256 : i32
        %mul3A_119 = arith.muli %add3A_117, %mul3A_118 : i32
        %add3A_120 = arith.addi %mul3A_2, %mul3A_119 : i32
        %dma_start3A_121 = arith.constant 0 : i32
        %dma_start3A_122 = tpu.memref_slice %arg2[%add3A_120, %dma_start3A_121] : memref<1048576x32xf32, #tpu.memory_space<hbm>> -> memref<256x32xf32, #tpu.memory_space<hbm>>
        %dma_start3A_123 = arith.constant 0 : i32
        %dma_start3A_124 = tpu.memref_slice %arg2[%add3A_120, %dma_start3A_123] : memref<1048576x32xf32, #tpu.memory_space<hbm>> -> memref<256x32xf32, #tpu.memory_space<hbm>>
        tpu.enqueue_dma source(%dma_start3A_124 : memref<256x32xf32, #tpu.memory_space<hbm>>) target(%arg5 : memref<256x32xf32, #tpu.memory_space<vmem>>) target_semaphore(%arg8 : memref<!tpu.dma_semaphore, #tpu.memory_space<semaphore_mem>>)
      } else {
      }
      %add3A_92 = arith.constant 2 : i32
      %add3A_93 = arith.addi %mul3A_23, %add3A_92 : i32
      %jit3A_94 = arith.constant 8 : i32
      %eq3A_95 = arith.constant 0 : i32
      %eq3A_96 = arith.cmpi eq, %jit3A_94, %eq3A_95 : i32
      %jit3A_97 = arith.constant 1 : i32
      %select_n3A_98 = arith.select %eq3A_96, %jit3A_97, %jit3A_94 : i32
      %rem3A_99 = arith.remsi %add3A_93, %select_n3A_98 : i32
      %ne3A_100 = arith.constant 0 : i32
      %ne3A_101 = arith.cmpi ne, %rem3A_99, %ne3A_100 : i32
      %lt3A_102 = arith.constant 0 : i32
      %lt3A_103 = arith.cmpi slt, %rem3A_99, %lt3A_102 : i32
      %lt3A_104 = arith.constant 0 : i32
      %lt3A_105 = arith.cmpi slt, %select_n3A_98, %lt3A_104 : i32
      %ne3A_106 = arith.xori %lt3A_103, %lt3A_105 : i1
      %and3A_107 = arith.andi %ne3A_106, %ne3A_101 : i1
      %add3A_108 = arith.addi %rem3A_99, %select_n3A_98 : i32
      %select_n3A_109 = arith.select %and3A_107, %add3A_108, %rem3A_99 : i32
      %eq3A_110 = arith.constant 0 : i32
      %eq3A_111 = arith.cmpi eq, %select_n3A_109, %eq3A_110 : i32
      %convert_element_type3A_112 = arith.extui %eq3A_111 : i1 to i32
      %cond3A_113 = arith.constant 0 : i32
      %cond3A_114 = arith.cmpi ne, %convert_element_type3A_112, %cond3A_113 : i32
      scf.if %cond3A_114 {
        %add3A_116 = arith.constant 2 : i32
        %add3A_117 = arith.addi %mul3A_23, %add3A_116 : i32
        %jit3A_118 = arith.constant 8 : i32
        %div3A = arith.divsi %add3A_117, %jit3A_118 : i32
        %sign3A = arith.constant 0 : i32
        %sign3A_119 = arith.cmpi sgt, %add3A_117, %sign3A : i32
        %sign3A_120 = arith.extui %sign3A_119 : i1 to i32
        %sign3A_121 = arith.constant 0 : i32
        %sign3A_122 = arith.cmpi slt, %add3A_117, %sign3A_121 : i32
        %sign3A_123 = arith.extui %sign3A_122 : i1 to i32
        %sign3A_124 = arith.subi %sign3A_120, %sign3A_123 : i32
        %sign3A_125 = arith.constant 0 : i32
        %sign3A_126 = arith.cmpi sgt, %jit3A_118, %sign3A_125 : i32
        %sign3A_127 = arith.extui %sign3A_126 : i1 to i32
        %sign3A_128 = arith.constant 0 : i32
        %sign3A_129 = arith.cmpi slt, %jit3A_118, %sign3A_128 : i32
        %sign3A_130 = arith.extui %sign3A_129 : i1 to i32
        %sign3A_131 = arith.subi %sign3A_127, %sign3A_130 : i32
        %ne3A_132 = arith.cmpi ne, %sign3A_124, %sign3A_131 : i32
        %rem3A_133 = arith.remsi %add3A_117, %jit3A_118 : i32
        %ne3A_134 = arith.constant 0 : i32
        %ne3A_135 = arith.cmpi ne, %rem3A_133, %ne3A_134 : i32
        %and3A_136 = arith.andi %ne3A_132, %ne3A_135 : i1
        %sub3A = arith.constant 1 : i32
        %sub3A_137 = arith.subi %div3A, %sub3A : i32
        %select_n3A_138 = arith.select %and3A_136, %sub3A_137, %div3A : i32
        %sub3A_139 = arith.constant 1 : i32
        %sub3A_140 = arith.subi %select_n3A_138, %sub3A_139 : i32
        %mul3A_141 = arith.constant 2048 : i32
        %mul3A_142 = arith.muli %sub3A_140, %mul3A_141 : i32
        %add3A_143 = arith.addi %mul3A_2, %mul3A_142 : i32
        "tpu.region"() ({
          %run_scoped3A = tpu.sem_alloc : memref<!tpu.dma_semaphore, #tpu.memory_space<semaphore_mem>>
          %dma_start3A_144 = tpu.memref_slice %arg3[%add3A_143] : memref<1048576xf32, #tpu.memory_space<hbm>> -> memref<2048xf32, #tpu.memory_space<hbm>>
          %dma_start3A_145 = tpu.memref_slice %arg3[%add3A_143] : memref<1048576xf32, #tpu.memory_space<hbm>> -> memref<2048xf32, #tpu.memory_space<hbm>>
          tpu.enqueue_dma source(%arg6 : memref<2048xf32, #tpu.memory_space<vmem>>) target(%dma_start3A_145 : memref<2048xf32, #tpu.memory_space<hbm>>) target_semaphore(%run_scoped3A : memref<!tpu.dma_semaphore, #tpu.memory_space<semaphore_mem>>)
          %dma_wait3A_146 = tpu.memref_slice %arg3[%add3A_143] : memref<1048576xf32, #tpu.memory_space<hbm>> -> memref<2048xf32, #tpu.memory_space<hbm>>
          %dma_wait3A_147 = tpu.memref_slice %arg3[%add3A_143] : memref<1048576xf32, #tpu.memory_space<hbm>> -> memref<2048xf32, #tpu.memory_space<hbm>>
          tpu.wait_dma2 semaphore(%run_scoped3A : memref<!tpu.dma_semaphore, #tpu.memory_space<semaphore_mem>>) src(%arg6 : memref<2048xf32, #tpu.memory_space<vmem>>) dst(%dma_wait3A_147 : memref<2048xf32, #tpu.memory_space<hbm>>)
          tpu.yield
        }) : () -> ()
      } else {
      }
      %scan3A_115 = arith.constant 0 : i32
      scf.yield %scan3A_115 : i32
    }
    %scan3A_19 = arith.constant 64 : i32
    return
  }
}

</mosaic_0001>

<sc_bundles>
// kernel: kernel.3.cloned.1.call-start
scs
__scs_entry_jumppad:
0x0: {  	(pc) =	sbr.rel $0x88, $3  }
0x1: {  	(tag) =	ssettag $0x0;
	lr =	simm.s32 $0x1  }
0x2: {  	[smem:$0x3FA0] =	sst lr;
	_ =	strace $0xD0000000  }
0x3: {  	_ = 	snop  }
0x4: {  	_ = 	snop  }
0x5: {  	_ = 	snop  }
0x6: {  	_ = 	snop  }
0x7: {  	_ = 	snop  }
__scs_overlays_trampoline_lowered:
0x8: {  	[smem:$0x3FAF] =	sst s0  }
0x9: {  	[smem:$0x3FB0] =	sst s1  }
0xa: {  	[smem:$0x3FB1] =	sst s2  }
0xb: {  	[smem:$0x3FB2] =	sst s3  }
0xc: {  	[smem:$0x3FB3] =	sst s4  }
0xd: {  	[smem:$0x3FB4] =	sst s5  }
0xe: {  	[smem:$0x3FB5] =	sst s6  }
0xf: {  	[smem:$0x3FB6] =	sst s7  }
0x10: {  	[smem:$0x3FB7] =	sst s8  }
0x11: {  	[smem:$0x3FB8] =	sst s9;
	s0 =	simm.s32 @!p0 $0x0  }
0x12: {  	s1 =	sld [smem:$0x3F9E];
	s0 =	simm.s32 @p0 $0x1  }
0x13: {  	[smem:$0x3FB9] =	sst s0;
	s0 =	simm.s32 @!p1 $0x0  }
0x14: {  	s2 =	sld [smem:$0x3F9D];
	s0 =	simm.s32 @p1 $0x1  }
0x15: {  	[smem:$0x3FBA] =	sst s0;
	s0 =	simm.s32 @!p2 $0x0  }
0x16: {  	s3 =	sld [smem:$0x3FDB];
	s0 =	simm.s32 @p2 $0x1  }
0x17: {  	s4 =	simm.s32 $0x1BF5;
	[smem:$0x3FBC] =	sst s0  }
0x18: {  	s0 =	sld [smem:$0x3F9F];
	_ =	swait.ge [sflag:s4], $0x0  }
0x19: {  	s7 =	sld [smem:$0x3FA0]  }
0x1a: {  	s8 =	sadd.s32 $0xFFFFE003, lr  }
0x1b: {  	s9 =	sadd.s32 $0xFFFFFEF7, lr;
	s5 =	simm.s32 $0xFFFFFFFF;
	p2 =	slt.u32 s8, $0xFFFFF086  }
0x1c: {  	p1 =	slt.u32 s9, $0xF7A;
	s5 =	simm.s32 @!p2 $0x0  }
0x1d: {  	s5 =	simm.s32 @p1 $0x1;
	p0 =	seq.s32 s7, s2  }
0x1e: {  	s7 =	smul.u32 @!p0 $0xF7A, s2;
	p2 =	seq.s32 @!p0 s5, $0x0  }
0x1f: {  	s9 =	smul.u32 $0xF7A, s1;
	s8 =	simm.s32 @!p0 $0x1BF5;
	p2 =	por !p2, p0  }
0x20: {  	[sflag:s8] =	ssyncset.s32 @!p0 $0xFFFFF086;
	s6 =	sadd.s32 @!p0 s3, s7;
	s7 =	simm.s32 @!p0 $0x108  }
0x21: {  	s3 =	sadd.s32 s3, s9;
	s6 =	sadd.s32 @!p0 $0x88, s6;
	s7 =	simm.s32 @p2 $0x1082  }
0x22: {  	[simem:s7], [sflag:s8] =	dma.local @!p0 [hbm:s6], $0xF7A  }
0x23: {  	s9 =	sor.u32 $0xD0000000, s2;
	s6 =	simm.s32 $0x108;
	_ =	swait.ge @!p0 [sflag:s8], $0x0  }
0x24: {  	s3 =	sadd.s32 $0x88, s3;
	s6 =	simm.s32 @!p1 $0x1082;
	[sflag:s4] =	ssyncset.s32 $0xFFFFF086  }
0x25: {  	[simem:s6], [sflag:s4] =	dma.local [hbm:s3], $0xF7A  }
0x26: {  	[smem:$0x3FA0] =	sst s1;
	(tag) =	ssettag s2;
	_ =	strace s9  }
0x27: {  	s1 =	sld [smem:$0x3FB0]  }
0x28: {  	s2 =	sld [smem:$0x3FB1]  }
0x29: {  	s4 =	sld [smem:$0x3FB3]  }
0x2a: {  	p0 =	seq.s32 s5, $0x0;
	s5 =	sld [smem:$0x3FB4]  }
0x2b: {  	s6 =	sld [smem:$0x3FB5]  }
0x2c: {  	s7 =	sld [smem:$0x3FB6]  }
0x2d: {  	s3 =	simm.s32 $0x108;
	s8 =	sld [smem:$0x3FB7]  }
0x2e: {  	s3 =	simm.s32 @!p0 $0x1082;
	s9 =	sld [smem:$0x3FB8]  }
0x2f: {  	lr =	sadd.s32 s0, s3;
	s0 =	sld [smem:$0x3FAF]  }
0x30: {  	s3 =	sld [smem:$0x3FB2]  }
0x31: {  	[smem:$0x3FBB] =	sst s10  }
0x32: {  	s10 =	sld [smem:$0x3FB9];
	_ =	sdelay $0x3  }
0x33: {  	p0 =	seq.s32 s10, $0x1;
	s10 =	sld [smem:$0x3FBB];
	_ =	sdelay $0x3  }
0x34: {  	[smem:$0x3FBB] =	sst s10  }
0x35: {  	s10 =	sld [smem:$0x3FBA];
	_ =	sdelay $0x3  }
0x36: {  	p1 =	seq.s32 s10, $0x1;
	s10 =	sld [smem:$0x3FBB];
	_ =	sdelay $0x3  }
0x37: {  	[smem:$0x3FBB] =	sst s10  }
0x38: {  	s10 =	sld [smem:$0x3FBC]  }
0x39: {  	_ = 	snop;
	(pc) =	sbr.ind lr, $3  }
0x3a: {  	_ = 	snop  }
0x3b: {  	_ = 	snop  }
0x3c: {  	p2 =	seq.s32 s10, $0x1;
	s10 =	sld [smem:$0x3FBB]  }
0x3d: {  	_ =	shalt  }
0x3e: {  	_ =	shalt  }
0x3f: {  	_ =	shalt  }
0x40: {  	_ =	shalt  }
0x41: {  	_ =	shalt  }
0x42: {  	_ =	shalt  }
0x43: {  	_ =	shalt  }
0x44: {  	_ =	shalt  }
0x45: {  	_ =	shalt  }
0x46: {  	_ =	shalt  }
0x47: {  	_ =	shalt  }
0x48: {  	_ =	shalt  }
0x49: {  	_ =	shalt  }
0x4a: {  	_ =	shalt  }
0x4b: {  	_ =	shalt  }
0x4c: {  	_ =	shalt  }
0x4d: {  	_ =	shalt  }
0x4e: {  	_ =	shalt  }
0x4f: {  	_ =	shalt  }
0x50: {  	_ =	shalt  }
0x51: {  	_ =	shalt  }
0x52: {  	_ =	shalt  }
0x53: {  	_ =	shalt  }
0x54: {  	_ =	shalt  }
0x55: {  	_ =	shalt  }
0x56: {  	_ =	shalt  }
0x57: {  	_ =	shalt  }
0x58: {  	_ =	shalt  }
0x59: {  	_ =	shalt  }
0x5a: {  	_ =	shalt  }
0x5b: {  	_ =	shalt  }
0x5c: {  	_ =	shalt  }
0x5d: {  	_ =	shalt  }
0x5e: {  	_ =	shalt  }
0x5f: {  	_ =	shalt  }
0x60: {  	_ =	shalt  }
0x61: {  	_ =	shalt  }
0x62: {  	_ =	shalt  }
0x63: {  	_ =	shalt  }
0x64: {  	_ =	shalt  }
0x65: {  	_ =	shalt  }
0x66: {  	_ =	shalt  }
0x67: {  	_ =	shalt  }
0x68: {  	_ =	shalt  }
0x69: {  	_ =	shalt  }
0x6a: {  	_ =	shalt  }
0x6b: {  	_ =	shalt  }
0x6c: {  	_ =	shalt  }
0x6d: {  	_ =	shalt  }
0x6e: {  	_ =	shalt  }
0x6f: {  	_ =	shalt  }
0x70: {  	_ =	shalt  }
0x71: {  	_ =	shalt  }
0x72: {  	_ =	shalt  }
0x73: {  	_ =	shalt  }
0x74: {  	_ =	shalt  }
0x75: {  	_ =	shalt  }
0x76: {  	_ =	shalt  }
0x77: {  	_ =	shalt  }
0x78: {  	_ =	shalt  }
0x79: {  	_ =	shalt  }
0x7a: {  	_ =	shalt  }
0x7b: {  	_ =	shalt  }
0x7c: {  	_ =	shalt  }
0x7d: {  	_ =	shalt  }
0x7e: {  	_ =	shalt  }
0x7f: {  	_ =	shalt  }
0x80: {  	_ =	shalt  }
0x81: {  	_ =	shalt  }
0x82: {  	_ =	shalt  }
0x83: {  	_ =	shalt  }
0x84: {  	_ =	shalt  }
0x85: {  	_ =	shalt  }
0x86: {  	_ =	shalt  }
0x87: {  	_ =	shalt  }
.Lfunc_end0:
.L_simem_size_0:
called_computation_lowered:
.L_overlay_start_0:
0x88: {  	s2 =	sld [smem:$0x3FD9]  }
0x89: {  	s3 =	sld [smem:$0x3FFE];
	_ =	sdelay $0x1  }
0x8a: {  	s1 =	srdreg.scid  }
0x8b: {  	s0 =	sand.u32 $0x1, s1  }
0x8c: {  	s17 =	sshll.u32 s0, $0xA;
	s2 =	sadd.s32 s3, s2  }
0x8d: {  	s2 =	sadd.s32 s2, s17  }
0x8e: {  	[smem:$0x3FC7] =	sst s2  }
0x8f: {  	_ = 	snop  }
0x90: {  	s2 =	sld [smem:$0x3FD0];
	(tm) =	ssettm $0x1  }
0x91: {  	s18 =	sld [smem:$0x3FFB];
	_ =	sdelay $0x3  }
0x92: {  	_ =	strace s18  }
0x93: {  	s3 =	sld [smem:$0x3FFC];
	_ =	sdelay $0x3  }
0x94: {  	_ =	strace s3  }
0x95: {  	s3 =	sld [smem:$0x3FFD];
	_ =	sdelay $0x3  }
0x96: {  	_ =	strace s3  }
0x97: {  	_ =	strace $0x8FFFFFFF  }
0x98: {  	s19 =	sld [smem:$0x3FDB];
	_ =	sdelay $0x1  }
0x99: {  	s4 =	simm.s32 $_scs_section_size  }
0x9a: {  	s5 =	simm.s32 $_size__tile_overlayer_lowered;
	s6 =	simm.s32 $_tile_overlayer_lowered  }
0x9b: {  	s22 =	simm.s32 $0x1BFF;
	s21 =	sshll.u32 s6, $0x1;
	s3 =	sadd.s32 s4, s19  }
0x9c: {  	s7 =	simm.s32 $0x0;
	s20 =	sshll.u32 s5, $0x1;
	s5 =	sadd.s32 s21, s3  }
0x9d: {  	[timem:s7], [sflag:s22] =	dma.local [hbm:s5], s20  }
0x9e: {  	_ =	swait.ge [sflag:s22], s20  }
0x9f: {  	s4 =	ssub.s32 $0x0, s20;
	[sflag:s22] =	ssyncset.done $0x0  }
0xa0: {  	[sflag:s22] =	ssyncadd.s32 s4;
	_ =	sdelay $0x1  }
0xa1: {  	s23 =	simm.s32 $0x1B8B  }
0xa2: {  	_ =	swait.ge [sflag:s23], $0x1  }
0xa3: {  	[sflag:s23] =	ssyncset.done $0x0  }
0xa4: {  	s25 =	simm.s32 $0x1B8E;
	s24 =	sld [smem:$0x3FFE];
	[sflag:s23] =	ssyncadd.s32 $0xFFFFFFFF  }
0xa5: {  	s26 =	simm.s32 $execute0_lowered;
	[smem:$0x3FD2] =	sst s25  }
0xa6: {  	s5 =	sshll.u32 s26, $0x1;
	_ =	strace $0x80000046;
	[dreg:$0x1] =	wrdreg $0xFFFFFFFF  }
0xa7: {  	s28 =	simm.s32 $_size_execute0_lowered;
	s3 =	sadd.s32 s3, s5;
	[dreg:$0x0] =	wrdreg $0x0  }
0xa8: {  	s5 =	sshll.u32 s28, $0x1;
	[dreg:$0x2] =	wrdreg s3  }
0xa9: {  	[dreg:$0x3] =	wrdreg s5  }
0xaa: {  	[dreg:$0x4] =	wrdreg $0xC0  }
0xab: {  	_ =	task [dreg:s7], $0x5FFFF  }
0xac: {  	[dreg:$0x1] =	wrdreg $0xFFFFFFFF  }
0xad: {  	[dreg:$0x0] =	wrdreg $0x60  }
0xae: {  	[dreg:$0x2] =	wrdreg s24  }
0xaf: {  	[dreg:$0x3] =	wrdreg s2  }
0xb0: {  	[dreg:$0x4] =	wrdreg $0x9  }
0xb1: {  	_ =	task.clear_ibuf [dreg:s7], $0x5FFFF;
	_ =	strace $0x90000046  }
0xb2: {  	s29 =	simm.s32 $0x9;
	_ =	strace $0x80000048  }
0xb3: {  	_ =	swait.ge [sflag:s29], $0x1  }
0xb4: {  	[sflag:s29] =	ssyncadd.s32 $0xFFFFFFFF  }
0xb5: {  	_ =	strace $0x90000048  }
0xb6: {  	_ =	sfence  }
0xb7: {  	s30 =	sld [smem:$0x0];
	_ =	sdelay $0x2  }
0xb8: {  	s31 =	sshll.u32 s1, $0xD;
	s1 =	sshrl.u32 s1, $0x2  }
0xb9: {  	s3 =	sand.u32 $0x4000, s31;
	s1 =	sadd.s32 s1, s30  }
0xba: {  	s0 =	sor.u32 s3, s0;
	s1 =	sshll.u32 s1, $0x11  }
0xbb: {  	s0 =	sor.u32 s1, s0  }
0xbc: {  	s0 =	sadd.s32 $0x8F2B, s0  }
0xbd: {  	[sflag:s0] =	ssyncadd.remote.s32 $0x1  }
0xbe: {  	_ =	sfence.sel $0xFFFF  }
0xbf: {  	[dreg:$0x0] =	wrdreg $0xFFFFFFFF;
	(pc) =	sbr.abs _section_cstart, $3  }
0xc0: {  	[dreg:$0x1] =	wrdreg $0xFFFFFFFF  }
0xc1: {  	_ =	task.clear_ibuf [dreg:s7], $0x2FFFF;
	_ =	strace $0x9FFFFFFF  }
0xc2: {  	(tm) =	ssettm $0x7FFFFFFF  }
0xc3: {  	_ =	shalt  }
tec
execute0_lowered:
.L_overlay_start_1:
0x0: {  	(tag) =	ssettag $0x1  }
0x1: {  	s4 =	rddreg [dreg:$0x0]  }
0x2: {  	s2 =	rddreg [dreg:$0x1];
	s3 =	srdreg.scid  }
0x3: {  	s0 =	rddreg [dreg:$0x2];
	s1 =	stileid.u32;
	s11 =	simm.s32 $0x8000  }
0x4: {  	s12 =	simm.s32 $0x1;
	s13 =	simm.s32 $0x2;
	s14 =	simm.s32 $0x10000  }
0x5: {  	s15 =	simm.s32 $0x3;
	s16 =	simm.s32 $0x0;
	s5 =	sand.u32 $0x1, s3  }
0x6: {  	s3 =	simm.s32 $0x0;
	s6 =	sshll.u32 s1, $0x10;
	s4 =	sadd.s32 $0x400, s4  }
.Ltmp0:
0x7: {  	s7 =	sshll.u32 s5, $0xF;
	s29 =	ssub.s32 $0x2, s5;
	(pc) =	sbr.rel .LBB2_1-.Ltmp0, $4  }
0x8: {  	[smem:$0x7FF] =	sst s3;
	s9 =	sor.u32 s7, s6;
	s31 =	sshrl.u32 s29, $0x1  }
0x9: {  	_ =	strace $0x80000047;
	s30 =	sshll.u32 s9, $0x4;
	s10 =	ssub.s32 s29, s31  }
0xa: {  	v0 =	vlaneseq.u32;
	s7 =	sor.u32 $0x200, s9;
	s8 =	sor.u32 $0x300, s9;
	s5 =	sadd.s32 s4, s30  }
0xb: {  	v1 =	vimm.f32 $0.0e+00;
	v2 =	vimm.s32 $0x1;
	v0 =	vmul.u32 $0x80, v0;
	s9 =	sadd.s32 $0xFFFFF800, s9;
	s10 =	smax.u32 s10, $0x1;
	s6 =	sadd.s32 $0x1000, s5  }
.LBB2_15:
0xc: {  	s16 =	sadd.s32 $0x1, s16  }
0xd: {  	p0 =	sne.s32 s16, s10  }
.Ltmp1:
0xe: {  	_ = 	snop;
	(pc) =	sbr.rel @!p0 .LBB2_16-.Ltmp1, $1  }
0xf: {  	_ =	sdelay $0x3  }
.LBB2_1:
.Ltmp2:
0x10: {  	(pc) =	sbr.rel .LBB2_2-.Ltmp2, $4  }
0x11: {  	_ = 	snop  }
0x12: {  	[tilespmem:s3], [sflag:$0x1] =	stream.linear.gather [hbm4b:s5+s3], $0x8000, $0x38;
	[tilespmem:$0x10800] =	vst v63  }
0x13: {  	s17 =	simm.s32 $0x0;
	s18 =	simm.s32 $0x0  }
0x14: {  	[tilespmem:s11], [sflag:$0x2] =	stream.linear.gather [hbm4b:s6+s3], $0x8000, $0x38;
	[tilespmem:$0x10800] =	vst v63  }
.LBB2_11:
0x15: {  	s19 =	simm.s32 $0x80  }
.LBB2_13:
0x16: {  	s19 =	sshll.u32 s19, $0x8  }
0x17: {  	s19 =	sadd.s32 s19, s9  }
0x18: {  	s19 =	sshrl.u32 s19, $0x3  }
0x19: {  	s19 =	sadd.s32 s2, s19  }
0x1a: {  	[hbm4b:s19+s3] =	stream.linear.scatter [tilespmem:s14], [sflag:$0x3], $0x800, $0x38;
	[tilespmem:$0x10800] =	vst v63  }
0x1b: {  	_ =	swait.ge [sflag:s15], $0x800  }
0x1c: {  	[sflag:s15] =	ssyncset.done $0x0  }
0x1d: {  	[sflag:s15] =	ssyncadd.s32 $0xFFFFF800  }
.LBB2_14:
0x1e: {  	s18 =	sadd.s32 $0x1, s18  }
0x1f: {  	p0 =	sne.s32 s18, $0x40  }
.Ltmp3:
0x20: {  	_ = 	snop;
	(pc) =	sbr.rel @!p0 .LBB2_15-.Ltmp3, $2  }
0x21: {  	_ =	sdelay $0x2  }
0x22: {  	s17 =	sadd.s32 $0x200, s17  }
.LBB2_2:
.Ltmp4:
0x23: {  	(pc) =	sbr.rel .LBB2_3-.Ltmp4, $4  }
0x24: {  	_ = 	snop  }
0x25: {  	_ =	swait.ge [sflag:s12], $0x8000  }
0x26: {  	[sflag:s12] =	ssyncset.done $0x0  }
0x27: {  	s19 =	sshll.u32 s18, $0x9;
	s20 =	simm.s32 $0x0;
	[sflag:s12] =	ssyncadd.s32 $0xFFFF8000  }
.LBB2_5:
0x28: {  	s21 =	sadd.s32 s20, s17;
	s22 =	sand.u32 $0x70, s20;
	s20 =	sadd.s32 $0x10, s20  }
0x29: {  	p0 =	sne.s32 s20, $0x100  }
.Ltmp5:
0x2a: {  	_ = 	snop;
	(pc) =	sbr.rel @!p0 .LBB2_6-.Ltmp5, $4  }
0x2b: {  	_ = 	snop  }
0x2c: {  	s21 =	sand.u32 $0x680, s21  }
0x2d: {  	s21 =	sor.u32 s22, s21  }
0x2e: {  	[tilespmem:s21+$0x10000] =	vst v4  }
.LBB2_3:
0x2f: {  	v3 =	vmov s20  }
0x30: {  	v3 =	vshll.u32 v3, $0x7  }
0x31: {  	v4 =	vor.u32 v0, v3  }
0x32: {  	v3 =	vor.u32 $0x1, v4  }
0x33: {  	v5 =	vor.u32 $0x2, v4  }
0x34: {  	v6 =	vor.u32 $0x3, v4  }
0x35: {  	v7 =	vor.u32 $0x4, v4  }
0x36: {  	v13 =	vor.u32 $0x6, v4;
	v17 =	vld.idx.msk [tilespmem:v4+s3+$0x0], $0xffff  }
0x37: {  	v14 =	vor.u32 $0x7, v4;
	v23 =	vld.idx.msk [tilespmem:v3+s3+$0x0], $0xffff  }
0x38: {  	v18 =	vor.u32 $0x8, v4;
	v27 =	vld.idx.msk [tilespmem:v5+s3+$0x0], $0xffff  }
0x39: {  	v22 =	vor.u32 $0x9, v4;
	v31 =	vld.idx.msk [tilespmem:v6+s3+$0x0], $0xffff  }
0x3a: {  	v24 =	vor.u32 $0xA, v4;
	v32 =	vld.idx.msk [tilespmem:v7+s3+$0x0], $0xffff  }
0x3b: {  	v25 =	vor.u32 $0xB, v4;
	v34 =	vld.idx.msk [tilespmem:v13+s3+$0x0], $0xffff  }
0x3c: {  	v29 =	vor.u32 $0xE, v4;
	v35 =	vld.idx.msk [tilespmem:v14+s3+$0x0], $0xffff  }
0x3d: {  	v8 =	vor.u32 $0x5, v4;
	v26 =	vor.u32 $0xC, v4;
	v30 =	vor.u32 $0xF, v4;
	v18 =	vld.idx.msk [tilespmem:v18+s3+$0x0], $0xffff  }
0x3e: {  	v28 =	vor.u32 $0xD, v4;
	v12 =	vor.u32 $0x11, v4;
	v10 =	vor.u32 $0x12, v4;
	v22 =	vld.idx.msk [tilespmem:v22+s3+$0x0], $0xffff  }
0x3f: {  	v9 =	vor.u32 $0x13, v4;
	v11 =	vor.u32 $0x16, v4;
	v21 =	vor.u32 $0x18, v4;
	v24 =	vld.idx.msk [tilespmem:v24+s3+$0x0], $0xffff  }
0x40: {  	v20 =	vor.u32 $0x19, v4;
	v19 =	vor.u32 $0x1A, v4;
	v16 =	vor.u32 $0x1B, v4;
	v25 =	vld.idx.msk [tilespmem:v25+s3+$0x0], $0xffff  }
0x41: {  	v15 =	vor.u32 $0x1C, v4;
	v3 =	vor.u32 $0x10, v4;
	v6 =	vor.u32 $0x14, v4;
	v29 =	vld.idx.msk [tilespmem:v29+s3+$0x0], $0xffff  }
0x42: {  	v5 =	vor.u32 $0x15, v4;
	v7 =	vor.u32 $0x17, v4;
	v14 =	vor.u32 $0x1D, v4;
	v30 =	vld.idx.msk [tilespmem:v30+s3+$0x0], $0xffff  }
0x43: {  	v33 =	vld.idx.msk [tilespmem:v8+s3+$0x0], $0xffff;
	v13 =	vor.u32 $0x1E, v4;
	v8 =	vor.u32 $0x1F, v4;
	v4 =	vmin.f32 v17, v23  }
0x44: {  	v36 =	vmin.f32 v27, v31;
	v17 =	vmax.f32 v17, v23;
	v23 =	vmax.f32 v27, v31  }
0x45: {  	v52 =	vmin.f32 v34, v35;
	v34 =	vmax.f32 v34, v35;
	v40 =	vmin.f32 v18, v22  }
0x46: {  	v18 =	vmax.f32 v18, v22;
	v22 =	vmin.f32 v24, v25;
	v24 =	vmax.f32 v24, v25  }
0x47: {  	v37 =	vld.idx.msk [tilespmem:v12+s3+$0x0], $0xffff;
	v41 =	vmin.f32 v29, v30;
	v27 =	vmin.f32 v4, v36;
	v4 =	vmax.f32 v4, v36  }
0x48: {  	v50 =	vld.idx.msk [tilespmem:v10+s3+$0x0], $0xffff;
	v31 =	vmin.f32 v17, v23;
	v17 =	vmax.f32 v17, v23;
	v25 =	vmin.f32 v18, v24  }
0x49: {  	v38 =	vld.idx.msk [tilespmem:v9+s3+$0x0], $0xffff;
	v23 =	vmin.f32 v31, v4;
	v4 =	vmax.f32 v31, v4;
	v31 =	vmin.f32 v32, v33  }
0x4a: {  	v48 =	vld.idx.msk [tilespmem:v3+s3+$0x0], $0xffff;
	v18 =	vmax.f32 v18, v24;
	v32 =	vmax.f32 v32, v33;
	v53 =	vmin.f32 v31, v52  }
0x4b: {  	v31 =	vmax.f32 v31, v52;
	v54 =	vmin.f32 v32, v34;
	v32 =	vmax.f32 v32, v34  }
0x4c: {  	v55 =	vmin.f32 v54, v31;
	v31 =	vmax.f32 v54, v31;
	v56 =	vmin.f32 v27, v53  }
0x4d: {  	v27 =	vmax.f32 v27, v53;
	v59 =	vmin.f32 v17, v32;
	v17 =	vmax.f32 v17, v32  }
0x4e: {  	v26 =	vld.idx.msk [tilespmem:v26+s3+$0x0], $0xffff;
	v53 =	vmax.f32 v50, v38;
	v57 =	vmin.f32 v4, v31;
	v4 =	vmax.f32 v4, v31  }
0x4f: {  	v28 =	vld.idx.msk [tilespmem:v28+s3+$0x0], $0xffff;
	v58 =	vmin.f32 v23, v55;
	v23 =	vmax.f32 v23, v55;
	v52 =	vmax.f32 v48, v37  }
0x50: {  	v31 =	vmin.f32 v57, v27;
	v27 =	vmax.f32 v57, v27;
	v60 =	vmin.f32 v59, v23  }
0x51: {  	v23 =	vmax.f32 v59, v23;
	v61 =	vmin.f32 v58, v31;
	v31 =	vmax.f32 v58, v31  }
0x52: {  	v62 =	vmin.f32 v60, v27;
	v27 =	vmax.f32 v60, v27;
	v63 =	vmin.f32 v23, v4  }
0x53: {  	v23 =	vmax.f32 v23, v4;
	v4 =	vmax.f32 v40, v22;
	v22 =	vmin.f32 v40, v22  }
0x54: {  	v24 =	vmin.f32 v25, v4;
	v4 =	vmax.f32 v25, v4;
	v25 =	vmin.f32 v26, v28  }
0x55: {  	v26 =	vmax.f32 v26, v28;
	v28 =	vmax.f32 v29, v30;
	v29 =	vmin.f32 v25, v41  }
0x56: {  	v25 =	vmax.f32 v25, v41;
	v30 =	vmin.f32 v26, v28;
	v26 =	vmax.f32 v26, v28  }
0x57: {  	v28 =	vmin.f32 v30, v25;
	v25 =	vmax.f32 v30, v25;
	v30 =	vmin.f32 v22, v29  }
0x58: {  	v22 =	vmax.f32 v22, v29;
	v29 =	vmin.f32 v4, v25;
	v4 =	vmax.f32 v4, v25  }
0x59: {  	v25 =	vmin.f32 v29, v22;
	v22 =	vmax.f32 v29, v22;
	v29 =	vmin.f32 v24, v28  }
0x5a: {  	v24 =	vmax.f32 v24, v28;
	v28 =	vmin.f32 v18, v26;
	v18 =	vmax.f32 v18, v26  }
0x5b: {  	v26 =	vmin.f32 v28, v24;
	v24 =	vmax.f32 v28, v24;
	v28 =	vmin.f32 v29, v25  }
0x5c: {  	v25 =	vmax.f32 v29, v25;
	v49 =	vmin.f32 v17, v18;
	v3 =	vmax.f32 v17, v18  }
0x5d: {  	v21 =	vld.idx.msk [tilespmem:v21+s3+$0x0], $0xffff;
	v29 =	vmin.f32 v26, v22;
	v22 =	vmax.f32 v26, v22;
	v26 =	vmin.f32 v24, v4  }
0x5e: {  	v20 =	vld.idx.msk [tilespmem:v20+s3+$0x0], $0xffff;
	v24 =	vmax.f32 v24, v4;
	v4 =	vmin.f32 v56, v30;
	v30 =	vmax.f32 v56, v30  }
0x5f: {  	v19 =	vld.idx.msk [tilespmem:v19+s3+$0x0], $0xffff;
	v43 =	vmin.f32 v31, v25;
	v25 =	vmax.f32 v31, v25;
	v42 =	vmin.f32 v27, v22  }
0x60: {  	v16 =	vld.idx.msk [tilespmem:v16+s3+$0x0], $0xffff;
	v22 =	vmax.f32 v27, v22;
	v31 =	vmin.f32 v23, v24;
	v44 =	vmax.f32 v23, v24  }
0x61: {  	v45 =	vmin.f32 v63, v26;
	v26 =	vmax.f32 v63, v26;
	v47 =	vmin.f32 v62, v29  }
0x62: {  	v29 =	vmax.f32 v62, v29;
	v27 =	vmin.f32 v42, v30;
	v30 =	vmax.f32 v42, v30  }
0x63: {  	v13 =	vld.idx.msk [tilespmem:v13+s3+$0x0], $0xffff;
	v23 =	vmin.f32 v31, v25;
	v24 =	vmax.f32 v31, v25;
	v12 =	vmin.f32 v49, v29  }
0x64: {  	v8 =	vld.idx.msk [tilespmem:v8+s3+$0x0], $0xffff;
	v17 =	vmax.f32 v49, v29;
	v42 =	vmin.f32 v21, v20;
	v20 =	vmax.f32 v21, v20  }
0x65: {  	v21 =	vmin.f32 v19, v16;
	v16 =	vmax.f32 v19, v16;
	v25 =	vmin.f32 v43, v27  }
0x66: {  	v27 =	vmax.f32 v43, v27;
	v31 =	vmin.f32 v23, v30;
	v23 =	vmax.f32 v23, v30  }
0x67: {  	v30 =	vmin.f32 v24, v22;
	v22 =	vmax.f32 v24, v22;
	v24 =	vmin.f32 v61, v28  }
0x68: {  	v28 =	vmax.f32 v61, v28;
	v39 =	vmin.f32 v17, v26;
	v40 =	vmax.f32 v17, v26  }
0x69: {  	v43 =	vmin.f32 v13, v8;
	v8 =	vmax.f32 v13, v8;
	v46 =	vmin.f32 v45, v28  }
0x6a: {  	v28 =	vmax.f32 v45, v28;
	v9 =	vmin.f32 v24, v25;
	v18 =	vmax.f32 v24, v25  }
0x6b: {  	v41 =	vld.idx.msk [tilespmem:v6+s3+$0x0], $0xffff;
	v25 =	vmax.f32 v39, v22;
	v29 =	vmin.f32 v47, v46;
	v32 =	vmax.f32 v47, v46  }
0x6c: {  	v51 =	vmin.f32 v12, v28;
	v6 =	vmin.f32 v29, v27;
	v24 =	vmax.f32 v29, v27;
	v27 =	vld.idx.msk [tilespmem:v5+s3+$0x0], $0xffff  }
0x6d: {  	v28 =	vmax.f32 v12, v28;
	v10 =	vmin.f32 v32, v31;
	v5 =	vmin.f32 v51, v23;
	v29 =	vld.idx.msk [tilespmem:v11+s3+$0x0], $0xffff  }
0x6e: {  	v26 =	vmax.f32 v51, v23;
	v12 =	vmin.f32 v28, v30;
	v23 =	vmax.f32 v28, v30;
	v28 =	vld.idx.msk [tilespmem:v7+s3+$0x0], $0xffff  }
0x6f: {  	v17 =	vmax.f32 v32, v31;
	v7 =	vmin.f32 v39, v22;
	v11 =	vmin.f32 v40, v44  }
0x70: {  	v22 =	vmax.f32 v40, v44;
	v30 =	vmin.f32 v48, v37;
	v31 =	vmin.f32 v50, v38  }
0x71: {  	v54 =	vmin.f32 v30, v31;
	v30 =	vmax.f32 v30, v31;
	v31 =	vmin.f32 v52, v53  }
0x72: {  	v55 =	vmin.f32 v31, v30;
	v30 =	vmax.f32 v31, v30;
	v31 =	vmin.f32 v41, v27  }
0x73: {  	v27 =	vmax.f32 v41, v27;
	v56 =	vmin.f32 v29, v28;
	v28 =	vmax.f32 v29, v28  }
0x74: {  	v29 =	vmin.f32 v31, v56;
	v31 =	vmax.f32 v31, v56;
	v57 =	vmin.f32 v27, v28  }
0x75: {  	v32 =	vmax.f32 v52, v53;
	v27 =	vmax.f32 v27, v28;
	v28 =	vmin.f32 v57, v31  }
0x76: {  	v31 =	vmax.f32 v57, v31;
	v58 =	vmin.f32 v54, v29;
	v29 =	vmax.f32 v54, v29  }
0x77: {  	v61 =	vmin.f32 v32, v27;
	v27 =	vmax.f32 v32, v27;
	v59 =	vmin.f32 v30, v31  }
0x78: {  	v15 =	vld.idx.msk [tilespmem:v15+s3+$0x0], $0xffff;
	v30 =	vmax.f32 v30, v31;
	v60 =	vmin.f32 v55, v28;
	v28 =	vmax.f32 v55, v28  }
0x79: {  	v14 =	vld.idx.msk [tilespmem:v14+s3+$0x0], $0xffff;
	v31 =	vmin.f32 v59, v29;
	v29 =	vmax.f32 v59, v29;
	v62 =	vmin.f32 v61, v28  }
0x7a: {  	v28 =	vmax.f32 v61, v28;
	v63 =	vmin.f32 v60, v31;
	v31 =	vmax.f32 v60, v31  }
0x7b: {  	v40 =	vmin.f32 v62, v29;
	v29 =	vmax.f32 v62, v29;
	v41 =	vmin.f32 v28, v30  }
0x7c: {  	v19 =	vmax.f32 v28, v30;
	v28 =	vmax.f32 v42, v21;
	v30 =	vmin.f32 v20, v16  }
0x7d: {  	v21 =	vmin.f32 v42, v21;
	v16 =	vmax.f32 v20, v16;
	v20 =	vmin.f32 v30, v28  }
0x7e: {  	v28 =	vmax.f32 v30, v28;
	v30 =	vmin.f32 v15, v14;
	v14 =	vmax.f32 v15, v14  }
0x7f: {  	v13 =	vmin.f32 v30, v43;
	v15 =	vmax.f32 v30, v43;
	v30 =	vmin.f32 v14, v8  }
0x80: {  	v8 =	vmax.f32 v14, v8;
	v14 =	vmin.f32 v30, v15;
	v15 =	vmax.f32 v30, v15  }
0x81: {  	v30 =	vmin.f32 v21, v13;
	v13 =	vmax.f32 v21, v13;
	v21 =	vmin.f32 v28, v15  }
0x82: {  	v15 =	vmax.f32 v28, v15;
	v28 =	vmin.f32 v21, v13;
	v13 =	vmax.f32 v21, v13  }
0x83: {  	v21 =	vmin.f32 v20, v14;
	v14 =	vmax.f32 v20, v14;
	v20 =	vmin.f32 v16, v8  }
0x84: {  	v8 =	vmax.f32 v16, v8;
	v16 =	vmin.f32 v20, v14;
	v14 =	vmax.f32 v20, v14  }
0x85: {  	v20 =	vmin.f32 v21, v28;
	v21 =	vmax.f32 v21, v28;
	v50 =	vmin.f32 v27, v8  }
0x86: {  	v8 =	vmax.f32 v27, v8;
	v28 =	vmin.f32 v16, v13;
	v13 =	vmax.f32 v16, v13  }
0x87: {  	v16 =	vmin.f32 v14, v15;
	v14 =	vmax.f32 v14, v15;
	v15 =	vmin.f32 v58, v30  }
0x88: {  	v30 =	vmax.f32 v58, v30;
	v45 =	vmin.f32 v31, v21;
	v21 =	vmax.f32 v31, v21  }
0x89: {  	v44 =	vmin.f32 v29, v13;
	v13 =	vmax.f32 v29, v13;
	v31 =	vmin.f32 v19, v14  }
0x8a: {  	v14 =	vmax.f32 v19, v14;
	v47 =	vmin.f32 v41, v16;
	v16 =	vmax.f32 v41, v16  }
0x8b: {  	v49 =	vmin.f32 v40, v28;
	v28 =	vmax.f32 v40, v28;
	v29 =	vmin.f32 v44, v30  }
0x8c: {  	v30 =	vmax.f32 v44, v30;
	v19 =	vmin.f32 v31, v21;
	v21 =	vmax.f32 v31, v21  }
0x8d: {  	v27 =	vmin.f32 v50, v28;
	v28 =	vmax.f32 v50, v28;
	v31 =	vmin.f32 v45, v29  }
0x8e: {  	v46 =	vmin.f32 v19, v30;
	v19 =	vmax.f32 v19, v30;
	v30 =	vmin.f32 v21, v13  }
0x8f: {  	v13 =	vmax.f32 v21, v13;
	v21 =	vmin.f32 v63, v20;
	v20 =	vmax.f32 v63, v20  }
0x90: {  	v29 =	vmax.f32 v45, v29;
	v48 =	vmin.f32 v47, v20;
	v20 =	vmax.f32 v47, v20  }
0x91: {  	v51 =	vmin.f32 v49, v48;
	v32 =	vmax.f32 v49, v48;
	v52 =	vmin.f32 v27, v20  }
0x92: {  	v20 =	vmax.f32 v27, v20;
	v27 =	vmin.f32 v28, v16;
	v16 =	vmax.f32 v28, v16  }
0x93: {  	v28 =	vmin.f32 v21, v31;
	v21 =	vmax.f32 v21, v31;
	v31 =	vmin.f32 v51, v29  }
0x94: {  	v29 =	vmax.f32 v51, v29;
	v53 =	vmin.f32 v32, v46;
	v32 =	vmax.f32 v32, v46  }
0x95: {  	v54 =	vmin.f32 v52, v19;
	v19 =	vmax.f32 v52, v19;
	v55 =	vmin.f32 v20, v30  }
0x96: {  	v20 =	vmax.f32 v20, v30;
	v30 =	vmin.f32 v27, v13;
	v13 =	vmax.f32 v27, v13  }
0x97: {  	v27 =	vmin.f32 v16, v14;
	v14 =	vmax.f32 v16, v14;
	v16 =	vmax.f32 v4, v15  }
0x98: {  	v4 =	vmin.f32 v4, v15;
	v56 =	vmin.f32 v26, v19;
	v15 =	vmax.f32 v26, v19  }
0x99: {  	v26 =	vmax.f32 v24, v29;
	v57 =	vmin.f32 v25, v13;
	v24 =	vmin.f32 v24, v29  }
0x9a: {  	v25 =	vmax.f32 v25, v13;
	v58 =	vmin.f32 v22, v14;
	v19 =	vmin.f32 v56, v16  }
0x9b: {  	v16 =	vmax.f32 v56, v16;
	v13 =	vmin.f32 v57, v26;
	v26 =	vmax.f32 v57, v26  }
0x9c: {  	v29 =	vmin.f32 v24, v19;
	v19 =	vmax.f32 v24, v19;
	v24 =	vmin.f32 v13, v16  }
0x9d: {  	v16 =	vmax.f32 v13, v16;
	v36 =	vmin.f32 v26, v15;
	v15 =	vmax.f32 v26, v15  }
0x9e: {  	v13 =	vmax.f32 v18, v21;
	v26 =	vmin.f32 v23, v20;
	v18 =	vmin.f32 v18, v21  }
0x9f: {  	v20 =	vmax.f32 v23, v20;
	v21 =	vmin.f32 v26, v13;
	v23 =	vmax.f32 v26, v13  }
0xa0: {  	v26 =	vmax.f32 v17, v32;
	v17 =	vmin.f32 v17, v32;
	v13 =	vmax.f32 v22, v14  }
0xa1: {  	v14 =	vmin.f32 v58, v26;
	v22 =	vmax.f32 v58, v26;
	v26 =	vmin.f32 v17, v21  }
0xa2: {  	v17 =	vmax.f32 v17, v21;
	v21 =	vmin.f32 v14, v23;
	v14 =	vmax.f32 v14, v23  }
0xa3: {  	v23 =	vmin.f32 v22, v20;
	v20 =	vmax.f32 v22, v20;
	v22 =	vmin.f32 v18, v29  }
0xa4: {  	v18 =	vmax.f32 v18, v29;
	v29 =	vmin.f32 v26, v19;
	v19 =	vmax.f32 v26, v19  }
0xa5: {  	v26 =	vmin.f32 v17, v24;
	v17 =	vmax.f32 v17, v24;
	v24 =	vmin.f32 v21, v16  }
0xa6: {  	v16 =	vmax.f32 v21, v16;
	v59 =	vmin.f32 v14, v36;
	v14 =	vmax.f32 v14, v36  }
0xa7: {  	v60 =	vmin.f32 v23, v15;
	v61 =	vmax.f32 v23, v15;
	v62 =	vmin.f32 v20, v25  }
0xa8: {  	v63 =	vmax.f32 v20, v25;
	v15 =	vmin.f32 v9, v28;
	v9 =	vmax.f32 v9, v28  }
0xa9: {  	v20 =	vmin.f32 v12, v55;
	v12 =	vmax.f32 v12, v55;
	v23 =	vmin.f32 v11, v27  }
0xaa: {  	v11 =	vmax.f32 v11, v27;
	v27 =	vmin.f32 v7, v30;
	v7 =	vmax.f32 v7, v30  }
0xab: {  	v21 =	vmin.f32 v20, v9;
	v9 =	vmax.f32 v20, v9;
	v20 =	vmin.f32 v10, v53  }
0xac: {  	v10 =	vmax.f32 v10, v53;
	v36 =	vmin.f32 v15, v22;
	v35 =	vmax.f32 v15, v22  }
0xad: {  	v25 =	vmin.f32 v23, v10;
	v10 =	vmax.f32 v23, v10;
	v23 =	vmin.f32 v20, v21  }
0xae: {  	v20 =	vmax.f32 v20, v21;
	vm15 =	veq.f32 v36, v4;
	vm13 =	veq.f32 v35, v36  }
0xaf: {  	v21 =	vmin.f32 v25, v9;
	v9 =	vmax.f32 v25, v9;
	v25 =	vmin.f32 v10, v12  }
0xb0: {  	v10 =	vmax.f32 v10, v12;
	v12 =	vmin.f32 v6, v31;
	v6 =	vmax.f32 v6, v31  }
0xb1: {  	v30 =	vmin.f32 v3, v8;
	vm0 =	vmor vm15, vm13;
	v28 =	vmin.f32 v27, v6  }
0xb2: {  	v6 =	vmax.f32 v27, v6;
	v27 =	vmin.f32 v5, v54;
	v5 =	vmax.f32 v5, v54  }
0xb3: {  	v31 =	vmin.f32 v30, v5;
	v5 =	vmax.f32 v30, v5;
	v30 =	vmin.f32 v27, v28  }
0xb4: {  	v27 =	vmax.f32 v27, v28;
	v28 =	vmin.f32 v31, v6;
	v6 =	vmax.f32 v31, v6  }
0xb5: {  	v31 =	vmin.f32 v5, v7;
	v5 =	vmax.f32 v5, v7;
	v7 =	vmin.f32 v12, v23  }
0xb6: {  	v12 =	vmax.f32 v12, v23;
	v23 =	vmin.f32 v30, v20;
	v20 =	vmax.f32 v30, v20  }
0xb7: {  	v42 =	vmin.f32 v27, v21;
	v21 =	vmax.f32 v27, v21;
	v43 =	vmin.f32 v28, v9  }
0xb8: {  	v9 =	vmax.f32 v28, v9;
	v44 =	vmin.f32 v6, v25;
	v6 =	vmax.f32 v6, v25  }
0xb9: {  	v45 =	vmin.f32 v31, v10;
	v46 =	vmax.f32 v31, v10;
	v47 =	vmin.f32 v5, v11  }
0xba: {  	v48 =	vmax.f32 v5, v11;
	v33 =	vmin.f32 v7, v18;
	v34 =	vmax.f32 v7, v18  }
0xbb: {  	v31 =	vmin.f32 v12, v29;
	v32 =	vmax.f32 v12, v29;
	vm5 =	veq.f32 v33, v35  }
0xbc: {  	v29 =	vmin.f32 v23, v19;
	vm7 =	veq.f32 v34, v33;
	vm0 =	vmor vm5, vm0  }
0xbd: {  	v30 =	vmax.f32 v23, v19;
	vm8 =	veq.f32 v31, v34;
	vm0 =	vmor vm7, vm0  }
0xbe: {  	v27 =	vmin.f32 v20, v26;
	vm10 =	veq.f32 v32, v31;
	vm0 =	vmor vm8, vm0  }
0xbf: {  	v28 =	vmax.f32 v20, v26;
	vm11 =	veq.f32 v29, v32;
	vm0 =	vmor vm10, vm0  }
0xc0: {  	v25 =	vmin.f32 v42, v17;
	vm12 =	veq.f32 v30, v29;
	vm0 =	vmor vm11, vm0  }
0xc1: {  	v26 =	vmax.f32 v42, v17;
	vm1 =	vmor vm12, vm0;
	vm0 =	veq.f32 v27, v30  }
0xc2: {  	v23 =	vmin.f32 v21, v24;
	vm14 =	veq.f32 v28, v27;
	vm1 =	vmor vm0, vm1  }
0xc3: {  	v24 =	vmax.f32 v21, v24;
	vm9 =	veq.f32 v25, v28;
	vm1 =	vmor vm14, vm1  }
0xc4: {  	v5 =	vimm.s32 $0x0;
	vm6 =	veq.f32 v26, v25;
	vm1 =	vmor vm9, vm1  }
0xc5: {  	vm4 =	veq.f32 v23, v26;
	v21 =	vmin.f32 v43, v16;
	vm1 =	vmor vm6, vm1  }
0xc6: {  	vm3 =	veq.f32 v24, v23;
	vm2 =	veq.f32 v21, v24;
	vm1 =	vmor vm4, vm1  }
0xc7: {  	v22 =	vmax.f32 v43, v16;
	v5 =	vsel vm2, $0xFFFFFFFF, v5;
	vm1 =	vmor vm3, vm1  }
0xc8: {  	[tilespmem:$0x1FEF0] =	vst v5;
	v5 =	vimm.s32 $0x0;
	vm1 =	vmor vm2, vm1;
	vm2 =	veq.f32 v22, v21  }
0xc9: {  	v19 =	vmin.f32 v9, v59;
	v5 =	vsel vm2, $0xFFFFFFFF, v5  }
0xca: {  	vm1 =	vmor vm2, vm1;
	vm2 =	veq.f32 v19, v22;
	[tilespmem:$0x1FF00] =	vst v5;
	v5 =	vimm.s32 $0x0  }
0xcb: {  	v20 =	vmax.f32 v9, v59;
	v5 =	vsel vm2, $0xFFFFFFFF, v5  }
0xcc: {  	vm1 =	vmor vm2, vm1;
	vm2 =	veq.f32 v20, v19;
	[tilespmem:$0x1FF10] =	vst v5;
	v5 =	vimm.s32 $0x0  }
0xcd: {  	v17 =	vmin.f32 v44, v14;
	v5 =	vsel vm2, $0xFFFFFFFF, v5  }
0xce: {  	vm1 =	vmor vm2, vm1;
	vm2 =	veq.f32 v17, v20;
	[tilespmem:$0x1FF20] =	vst v5;
	v5 =	vimm.s32 $0x0  }
0xcf: {  	v18 =	vmax.f32 v44, v14;
	v5 =	vsel vm2, $0xFFFFFFFF, v5  }
0xd0: {  	vm1 =	vmor vm2, vm1;
	vm2 =	veq.f32 v18, v17;
	[tilespmem:$0x1FF30] =	vst v5;
	v5 =	vimm.s32 $0x0  }
0xd1: {  	v15 =	vmin.f32 v6, v60;
	v5 =	vsel vm2, $0xFFFFFFFF, v5  }
0xd2: {  	vm1 =	vmor vm2, vm1;
	vm2 =	veq.f32 v15, v18;
	[tilespmem:$0x1FF40] =	vst v5;
	v5 =	vimm.s32 $0x0  }
0xd3: {  	v3 =	vmax.f32 v3, v8;
	v16 =	vmax.f32 v6, v60;
	v5 =	vsel vm2, $0xFFFFFFFF, v5  }
0xd4: {  	vm1 =	vmor vm2, vm1;
	vm2 =	veq.f32 v16, v15;
	[tilespmem:$0x1FF50] =	vst v5;
	v5 =	vimm.s32 $0x0  }
0xd5: {  	v8 =	vimm.s32 $0x0;
	v12 =	vmin.f32 v45, v61;
	v5 =	vsel vm2, $0xFFFFFFFF, v5  }
0xd6: {  	vm1 =	vmor vm2, vm1;
	vm2 =	veq.f32 v12, v16;
	[tilespmem:$0x1FF60] =	vst v5;
	v5 =	vimm.s32 $0x0  }
0xd7: {  	v14 =	vmax.f32 v45, v61;
	v10 =	vmin.f32 v46, v62;
	v5 =	vsel vm2, $0xFFFFFFFF, v5  }
0xd8: {  	vm1 =	vmor vm2, vm1;
	vm2 =	veq.f32 v14, v12;
	[tilespmem:$0x1FF70] =	vst v5;
	v5 =	vimm.s32 $0x0  }
0xd9: {  	v11 =	vmax.f32 v46, v62;
	v9 =	vmin.f32 v47, v63;
	v5 =	vsel vm2, $0xFFFFFFFF, v5  }
0xda: {  	vm1 =	vmor vm2, vm1;
	vm2 =	veq.f32 v10, v14;
	[tilespmem:$0x1FF80] =	vst v5;
	v5 =	vimm.s32 $0x0  }
0xdb: {  	v7 =	vmax.f32 v47, v63;
	v6 =	vimm.s32 $0x0;
	v5 =	vsel vm2, $0xFFFFFFFF, v5  }
0xdc: {  	vm1 =	vmor vm2, vm1;
	vm2 =	veq.f32 v11, v10;
	[tilespmem:$0x1FF90] =	vst v5;
	v5 =	vimm.s32 $0x0  }
0xdd: {  	vm1 =	vmor vm2, vm1;
	v5 =	vsel vm2, $0xFFFFFFFF, v5;
	vm2 =	veq.f32 v9, v11  }
0xde: {  	[tilespmem:$0x1FFA0] =	vst v5;
	v5 =	vmin.f32 v48, v13;
	v6 =	vsel vm2, $0xFFFFFFFF, v6;
	vm1 =	vmor vm2, vm1  }
0xdf: {  	vm2 =	veq.f32 v7, v9;
	[tilespmem:$0x1FFB0] =	vst v6;
	v6 =	vmax.f32 v48, v13;
	v13 =	vimm.s32 $0x0  }
0xe0: {  	vm1 =	vmor vm2, vm1;
	v13 =	vsel vm2, $0xFFFFFFFF, v13;
	vm2 =	veq.f32 v5, v7  }
0xe1: {  	v8 =	vsel vm2, $0xFFFFFFFF, v8  }
0xe2: {  	vm1 =	vmor vm2, vm1;
	vm2 =	veq.f32 v6, v5;
	[tilespmem:$0x1FFD0] =	vst v8;
	v8 =	vimm.s32 $0x0  }
0xe3: {  	v8 =	vsel vm2, $0xFFFFFFFF, v8  }
0xe4: {  	vm1 =	vmor vm2, vm1;
	vm2 =	veq.f32 v3, v6;
	[tilespmem:$0x1FFE0] =	vst v8;
	v8 =	vimm.s32 $0x0  }
0xe5: {  	vm1 =	vmor vm2, vm1;
	v8 =	vsel vm2, $0xFFFFFFFF, v8  }
0xe6: {  	[tilespmem:$0x1FFF0] =	vst v8;
	v8 =	vsel vm1, $0x3F800000, v1  }
0xe7: {  	(xrf0) =	vmax.scan.msk.f32 $0xffff, v8;
	_ =	sdelay $0x5  }
0xe8: {  	v8, _, _ =	vpop (xrf0)  }
0xe9: {  	(v2sf) =	vpush v8, $0xF;
	_ =	sdelay $0xe  }
0xea: {  	s21 =	spop (v2sf)  }
0xeb: {  	p0 =	sgt.f32 s21, $0.0e+00  }
.Ltmp6:
0xec: {  	_ = 	snop;
	(pc) =	sbr.rel @!p0 .LBB2_5-.Ltmp6, $2  }
0xed: {  	_ =	sdelay $0x2  }
0xee: {  	[tilespmem:$0x1FFC0] =	vst v13  }
0xef: {  	v8 =	vsel vm15, $0x2, v2  }
0xf0: {  	v13 =	vadd.s32 $0x1, v8  }
0xf1: {  	v13 =	vnsel vm13, $0x1, v13  }
0xf2: {  	v37 =	vadd.s32 $0x1, v13  }
0xf3: {  	v37 =	vnsel vm5, $0x1, v37  }
0xf4: {  	v38 =	vadd.s32 $0x1, v37  }
0xf5: {  	v38 =	vnsel vm7, $0x1, v38  }
0xf6: {  	v39 =	vadd.s32 $0x1, v38  }
0xf7: {  	v39 =	vnsel vm8, $0x1, v39  }
0xf8: {  	v40 =	vadd.s32 $0x1, v39  }
0xf9: {  	v40 =	vnsel vm10, $0x1, v40  }
0xfa: {  	v41 =	vadd.s32 $0x1, v40  }
0xfb: {  	v41 =	vnsel vm11, $0x1, v41  }
0xfc: {  	v42 =	vadd.s32 $0x1, v41  }
0xfd: {  	v8 =	vmax.u32 v13, v8;
	v42 =	vnsel vm12, $0x1, v42  }
0xfe: {  	v13 =	vmax.u32 v37, v8;
	vm8 =	vgt.u32 v37, v8;
	v37 =	vld [tilespmem:$0x1FF00];
	v43 =	vadd.s32 $0x1, v42  }
0xff: {  	v62 =	vld [tilespmem:$0x1FEF0];
	v43 =	vnsel vm0, $0x1, v43  }
0x100: {  	v4 =	vsel vm15, v36, v4;
	v50 =	vadd.s32 $0x1, v43  }
0x101: {  	v4 =	vsel vm13, v35, v4;
	v51 =	vnsel vm14, $0x1, v50  }
0x102: {  	v4 =	vsel vm8, v33, v4;
	v36 =	vadd.s32 $0x1, v51  }
0x103: {  	vm5 =	vnez.u8 v37;
	v52 =	vnsel vm9, $0x1, v36;
	vm9 =	vgt.u32 v38, v13  }
0x104: {  	vm14 =	vnez.u8 v62;
	v13 =	vmax.u32 v38, v13;
	v4 =	vsel vm9, v34, v4  }
0x105: {  	v53 =	vadd.s32 $0x1, v52;
	v54 =	vmax.u32 v39, v13;
	vm10 =	vgt.u32 v39, v13  }
0x106: {  	v33 =	vnsel vm6, $0x1, v53;
	v4 =	vsel vm10, v31, v4;
	vm11 =	vgt.u32 v40, v54  }
0x107: {  	v39 =	vld [tilespmem:$0x1FF10];
	v56 =	vmax.u32 v40, v54;
	v55 =	vadd.s32 $0x1, v33;
	v4 =	vsel vm11, v32, v4  }
0x108: {  	v57 =	vmax.u32 v41, v56;
	vm12 =	vgt.u32 v41, v56;
	v13 =	vnsel vm4, $0x1, v55  }
0x109: {  	v47 =	vld [tilespmem:$0x1FF50];
	v4 =	vsel vm12, v29, v4;
	vm13 =	vgt.u32 v42, v57;
	v60 =	vmax.u32 v42, v57  }
0x10a: {  	v45 =	vld [tilespmem:$0x1FF40];
	v58 =	vadd.s32 $0x1, v13;
	v4 =	vsel vm13, v30, v4;
	vm15 =	vgt.u32 v43, v60  }
0x10b: {  	v41 =	vld [tilespmem:$0x1FF20];
	v63 =	vmax.u32 v43, v60;
	v59 =	vnsel vm3, $0x1, v58;
	v4 =	vsel vm15, v27, v4  }
0x10c: {  	vm4 =	vgt.u32 v51, v63;
	v36 =	vmax.u32 v51, v63;
	vm7 =	vnez.u8 v39  }
0x10d: {  	v61 =	vadd.s32 $0x1, v59;
	v4 =	vsel vm4, v28, v4;
	vm6 =	vgt.u32 v52, v36  }
0x10e: {  	v43 =	vld [tilespmem:$0x1FF30];
	v8 =	vmax.u32 v52, v36;
	vm4 =	vnez.u8 v47;
	v31 =	vnsel vm14, $0x1, v61  }
0x10f: {  	v4 =	vsel vm6, v25, v4;
	vm8 =	vgt.u32 v33, v8;
	v8 =	vmax.u32 v33, v8  }
0x110: {  	v53 =	vld [tilespmem:$0x1FF80];
	vm9 =	vnez.u8 v41;
	vm14 =	vnez.u8 v45;
	v34 =	vadd.s32 $0x1, v31  }
0x111: {  	v4 =	vsel vm8, v26, v4;
	vm10 =	vgt.u32 v13, v8;
	v8 =	vmax.u32 v13, v8  }
0x112: {  	v49 =	vld [tilespmem:$0x1FF60];
	v27 =	vnsel vm5, $0x1, v34;
	v4 =	vsel vm10, v23, v4;
	vm11 =	vgt.u32 v59, v8  }
0x113: {  	v8 =	vmax.u32 v59, v8;
	vm12 =	vnez.u8 v43;
	v38 =	vadd.s32 $0x1, v27  }
0x114: {  	v4 =	vsel vm11, v24, v4;
	vm13 =	vgt.u32 v31, v8;
	v25 =	vnsel vm7, $0x1, v38  }
0x115: {  	v51 =	vld [tilespmem:$0x1FF70];
	v8 =	vmax.u32 v31, v8;
	vm11 =	vnez.u8 v53;
	v40 =	vadd.s32 $0x1, v25  }
0x116: {  	v4 =	vsel vm13, v21, v4;
	vm15 =	vgt.u32 v27, v8;
	v26 =	vnsel vm9, $0x1, v40  }
0x117: {  	v58 =	vld [tilespmem:$0x1FFB0];
	v8 =	vmax.u32 v27, v8;
	vm7 =	vnez.u8 v49;
	v42 =	vadd.s32 $0x1, v26  }
0x118: {  	v4 =	vsel vm15, v22, v4;
	vm5 =	vgt.u32 v25, v8;
	v13 =	vnsel vm12, $0x1, v42  }
0x119: {  	v55 =	vld [tilespmem:$0x1FF90];
	v8 =	vmax.u32 v25, v8;
	v4 =	vsel vm5, v19, v4;
	v44 =	vadd.s32 $0x1, v13  }
0x11a: {  	vm9 =	vnez.u8 v51;
	vm6 =	vgt.u32 v26, v8;
	v21 =	vnsel vm14, $0x1, v44  }
0x11b: {  	v57 =	vld [tilespmem:$0x1FFA0];
	v8 =	vmax.u32 v26, v8;
	v4 =	vsel vm6, v20, v4;
	v46 =	vadd.s32 $0x1, v21  }
0x11c: {  	vm6 =	vnez.u8 v58;
	vm8 =	vgt.u32 v13, v8;
	v22 =	vnsel vm4, $0x1, v46  }
0x11d: {  	v8 =	vmax.u32 v13, v8;
	v4 =	vsel vm8, v17, v4;
	v48 =	vadd.s32 $0x1, v22  }
0x11e: {  	v60 =	vld [tilespmem:$0x1FFC0];
	vm14 =	vnez.u8 v55;
	vm10 =	vgt.u32 v21, v8;
	v19 =	vnsel vm7, $0x1, v48  }
0x11f: {  	v8 =	vmax.u32 v21, v8;
	v4 =	vsel vm10, v18, v4;
	v50 =	vadd.s32 $0x1, v19  }
0x120: {  	v62 =	vld [tilespmem:$0x1FFD0];
	vm4 =	vnez.u8 v57;
	vm12 =	vgt.u32 v22, v8;
	v13 =	vnsel vm9, $0x1, v50  }
0x121: {  	v8 =	vmax.u32 v22, v8;
	v4 =	vsel vm12, v15, v4;
	v52 =	vadd.s32 $0x1, v13  }
0x122: {  	vm13 =	vgt.u32 v19, v8;
	v8 =	vmax.u32 v19, v8;
	v17 =	vnsel vm11, $0x1, v52  }
0x123: {  	v4 =	vsel vm13, v16, v4;
	vm9 =	vnez.u8 v60;
	v54 =	vadd.s32 $0x1, v17  }
0x124: {  	vm15 =	vgt.u32 v13, v8;
	v8 =	vmax.u32 v13, v8;
	v15 =	vnsel vm14, $0x1, v54  }
0x125: {  	v4 =	vsel vm15, v12, v4;
	vm11 =	vnez.u8 v62;
	v56 =	vadd.s32 $0x1, v15  }
0x126: {  	vm5 =	vgt.u32 v17, v8;
	v8 =	vmax.u32 v17, v8;
	v12 =	vnsel vm4, $0x1, v56  }
0x127: {  	v4 =	vsel vm5, v14, v4;
	vm7 =	vgt.u32 v15, v8;
	v13 =	vadd.s32 $0x1, v12  }
0x128: {  	v8 =	vmax.u32 v15, v8;
	v4 =	vsel vm7, v10, v4;
	v13 =	vnsel vm6, $0x1, v13  }
0x129: {  	vm8 =	vgt.u32 v12, v8;
	v8 =	vmax.u32 v12, v8;
	v59 =	vadd.s32 $0x1, v13  }
0x12a: {  	v4 =	vsel vm8, v11, v4;
	vm10 =	vgt.u32 v13, v8;
	v10 =	vnsel vm9, $0x1, v59  }
0x12b: {  	v8 =	vmax.u32 v13, v8;
	v4 =	vsel vm10, v9, v4;
	v61 =	vadd.s32 $0x1, v10  }
0x12c: {  	v63 =	vld [tilespmem:$0x1FFE0];
	vm12 =	vgt.u32 v10, v8;
	v8 =	vmax.u32 v10, v8;
	v9 =	vnsel vm11, $0x1, v61  }
0x12d: {  	v4 =	vsel vm12, v7, v4;
	vm13 =	vgt.u32 v9, v8  }
0x12e: {  	v4 =	vsel vm13, v5, v4;
	v5 =	vld [tilespmem:$0x1FFF0];
	_ =	sdelay $0x2  }
.Ltmp7:
0x12f: {  	vm1 =	vnez.u8 v63;
	v7 =	vadd.s32 $0x1, v9;
	(pc) =	sbr.rel .LBB2_5-.Ltmp7, $4  }
0x130: {  	v8 =	vmax.u32 v9, v8;
	v7 =	vnsel vm1, $0x1, v7  }
0x131: {  	vm14 =	vgt.u32 v7, v8;
	vm1 =	vle.u32 v8, v7;
	vm15 =	vnez.u8 v5  }
0x132: {  	v4 =	vsel vm14, v6, v4;
	vm0 =	vmand vm15, vm1  }
0x133: {  	v4 =	vsel vm0, v3, v4  }
.LBB2_6:
0x134: {  	p0 =	seq.s32 s18, $0x3F  }
0x135: {  	s20 =	sadd.s32 @!p0 s19, s7  }
0x136: {  	s20 =	sshll.u32 @!p0 s20, $0x4  }
.Ltmp8:
0x137: {  	s21 =	simm.s32 @!p0 $0x0;
	s20 =	sadd.s32 @!p0 s4, s20;
	(pc) =	sbr.rel .LBB2_7-.Ltmp8, $4  }
0x138: {  	[tilespmem:s21], [sflag:$0x1] =	stream.linear.gather @!p0 [hbm4b:s20+s21], $0x8000, $0x38;
	[tilespmem:$0x10800] =	vst v63  }
0x139: {  	_ =	swait.ge [sflag:s13], $0x8000  }
0x13a: {  	[sflag:s13] =	ssyncset.done $0x0  }
0x13b: {  	s20 =	sshll.u32 s18, $0x1;
	s21 =	simm.s32 $0x0;
	[sflag:s13] =	ssyncadd.s32 $0xFFFF8000  }
.LBB2_9:
0x13c: {  	s22 =	sadd.s32 s21, s17;
	s23 =	sand.u32 $0x70, s21;
	s21 =	sadd.s32 $0x10, s21  }
0x13d: {  	p0 =	sne.s32 s21, $0x100  }
.Ltmp9:
0x13e: {  	_ = 	snop;
	(pc) =	sbr.rel @!p0 .LBB2_10-.Ltmp9, $4  }
0x13f: {  	_ = 	snop  }
0x140: {  	s22 =	sand.u32 $0x680, s22  }
0x141: {  	s22 =	sor.u32 s23, s22  }
0x142: {  	[tilespmem:s22+$0x10100] =	vst v4  }
.LBB2_7:
0x143: {  	v3 =	vmov s21  }
0x144: {  	v3 =	vshll.u32 v3, $0x7  }
0x145: {  	v4 =	vor.u32 v0, v3  }
0x146: {  	v3 =	vor.u32 $0x1, v4  }
0x147: {  	v5 =	vor.u32 $0x2, v4  }
0x148: {  	v6 =	vor.u32 $0x3, v4  }
0x149: {  	v7 =	vor.u32 $0x4, v4  }
0x14a: {  	v13 =	vor.u32 $0x6, v4;
	v17 =	vld.idx.msk [tilespmem:v4+s11+$0x0], $0xffff  }
0x14b: {  	v14 =	vor.u32 $0x7, v4;
	v23 =	vld.idx.msk [tilespmem:v3+s11+$0x0], $0xffff  }
0x14c: {  	v18 =	vor.u32 $0x8, v4;
	v27 =	vld.idx.msk [tilespmem:v5+s11+$0x0], $0xffff  }
0x14d: {  	v22 =	vor.u32 $0x9, v4;
	v31 =	vld.idx.msk [tilespmem:v6+s11+$0x0], $0xffff  }
0x14e: {  	v24 =	vor.u32 $0xA, v4;
	v32 =	vld.idx.msk [tilespmem:v7+s11+$0x0], $0xffff  }
0x14f: {  	v25 =	vor.u32 $0xB, v4;
	v34 =	vld.idx.msk [tilespmem:v13+s11+$0x0], $0xffff  }
0x150: {  	v29 =	vor.u32 $0xE, v4;
	v35 =	vld.idx.msk [tilespmem:v14+s11+$0x0], $0xffff  }
0x151: {  	v8 =	vor.u32 $0x5, v4;
	v26 =	vor.u32 $0xC, v4;
	v30 =	vor.u32 $0xF, v4;
	v18 =	vld.idx.msk [tilespmem:v18+s11+$0x0], $0xffff  }
0x152: {  	v28 =	vor.u32 $0xD, v4;
	v12 =	vor.u32 $0x11, v4;
	v10 =	vor.u32 $0x12, v4;
	v22 =	vld.idx.msk [tilespmem:v22+s11+$0x0], $0xffff  }
0x153: {  	v9 =	vor.u32 $0x13, v4;
	v11 =	vor.u32 $0x16, v4;
	v21 =	vor.u32 $0x18, v4;
	v24 =	vld.idx.msk [tilespmem:v24+s11+$0x0], $0xffff  }
0x154: {  	v20 =	vor.u32 $0x19, v4;
	v19 =	vor.u32 $0x1A, v4;
	v16 =	vor.u32 $0x1B, v4;
	v25 =	vld.idx.msk [tilespmem:v25+s11+$0x0], $0xffff  }
0x155: {  	v15 =	vor.u32 $0x1C, v4;
	v3 =	vor.u32 $0x10, v4;
	v6 =	vor.u32 $0x14, v4;
	v29 =	vld.idx.msk [tilespmem:v29+s11+$0x0], $0xffff  }
0x156: {  	v5 =	vor.u32 $0x15, v4;
	v7 =	vor.u32 $0x17, v4;
	v14 =	vor.u32 $0x1D, v4;
	v30 =	vld.idx.msk [tilespmem:v30+s11+$0x0], $0xffff  }
0x157: {  	v33 =	vld.idx.msk [tilespmem:v8+s11+$0x0], $0xffff;
	v13 =	vor.u32 $0x1E, v4;
	v8 =	vor.u32 $0x1F, v4;
	v4 =	vmin.f32 v17, v23  }
0x158: {  	v36 =	vmin.f32 v27, v31;
	v17 =	vmax.f32 v17, v23;
	v23 =	vmax.f32 v27, v31  }
0x159: {  	v52 =	vmin.f32 v34, v35;
	v34 =	vmax.f32 v34, v35;
	v40 =	vmin.f32 v18, v22  }
0x15a: {  	v18 =	vmax.f32 v18, v22;
	v22 =	vmin.f32 v24, v25;
	v24 =	vmax.f32 v24, v25  }
0x15b: {  	v37 =	vld.idx.msk [tilespmem:v12+s11+$0x0], $0xffff;
	v41 =	vmin.f32 v29, v30;
	v27 =	vmin.f32 v4, v36;
	v4 =	vmax.f32 v4, v36  }
0x15c: {  	v50 =	vld.idx.msk [tilespmem:v10+s11+$0x0], $0xffff;
	v31 =	vmin.f32 v17, v23;
	v17 =	vmax.f32 v17, v23;
	v25 =	vmin.f32 v18, v24  }
0x15d: {  	v38 =	vld.idx.msk [tilespmem:v9+s11+$0x0], $0xffff;
	v23 =	vmin.f32 v31, v4;
	v4 =	vmax.f32 v31, v4;
	v31 =	vmin.f32 v32, v33  }
0x15e: {  	v48 =	vld.idx.msk [tilespmem:v3+s11+$0x0], $0xffff;
	v18 =	vmax.f32 v18, v24;
	v32 =	vmax.f32 v32, v33;
	v53 =	vmin.f32 v31, v52  }
0x15f: {  	v31 =	vmax.f32 v31, v52;
	v54 =	vmin.f32 v32, v34;
	v32 =	vmax.f32 v32, v34  }
0x160: {  	v55 =	vmin.f32 v54, v31;
	v31 =	vmax.f32 v54, v31;
	v56 =	vmin.f32 v27, v53  }
0x161: {  	v27 =	vmax.f32 v27, v53;
	v59 =	vmin.f32 v17, v32;
	v17 =	vmax.f32 v17, v32  }
0x162: {  	v26 =	vld.idx.msk [tilespmem:v26+s11+$0x0], $0xffff;
	v53 =	vmax.f32 v50, v38;
	v57 =	vmin.f32 v4, v31;
	v4 =	vmax.f32 v4, v31  }
0x163: {  	v28 =	vld.idx.msk [tilespmem:v28+s11+$0x0], $0xffff;
	v58 =	vmin.f32 v23, v55;
	v23 =	vmax.f32 v23, v55;
	v52 =	vmax.f32 v48, v37  }
0x164: {  	v31 =	vmin.f32 v57, v27;
	v27 =	vmax.f32 v57, v27;
	v60 =	vmin.f32 v59, v23  }
0x165: {  	v23 =	vmax.f32 v59, v23;
	v61 =	vmin.f32 v58, v31;
	v31 =	vmax.f32 v58, v31  }
0x166: {  	v62 =	vmin.f32 v60, v27;
	v27 =	vmax.f32 v60, v27;
	v63 =	vmin.f32 v23, v4  }
0x167: {  	v23 =	vmax.f32 v23, v4;
	v4 =	vmax.f32 v40, v22;
	v22 =	vmin.f32 v40, v22  }
0x168: {  	v24 =	vmin.f32 v25, v4;
	v4 =	vmax.f32 v25, v4;
	v25 =	vmin.f32 v26, v28  }
0x169: {  	v26 =	vmax.f32 v26, v28;
	v28 =	vmax.f32 v29, v30;
	v29 =	vmin.f32 v25, v41  }
0x16a: {  	v25 =	vmax.f32 v25, v41;
	v30 =	vmin.f32 v26, v28;
	v26 =	vmax.f32 v26, v28  }
0x16b: {  	v28 =	vmin.f32 v30, v25;
	v25 =	vmax.f32 v30, v25;
	v30 =	vmin.f32 v22, v29  }
0x16c: {  	v22 =	vmax.f32 v22, v29;
	v29 =	vmin.f32 v4, v25;
	v4 =	vmax.f32 v4, v25  }
0x16d: {  	v25 =	vmin.f32 v29, v22;
	v22 =	vmax.f32 v29, v22;
	v29 =	vmin.f32 v24, v28  }
0x16e: {  	v24 =	vmax.f32 v24, v28;
	v28 =	vmin.f32 v18, v26;
	v18 =	vmax.f32 v18, v26  }
0x16f: {  	v26 =	vmin.f32 v28, v24;
	v24 =	vmax.f32 v28, v24;
	v28 =	vmin.f32 v29, v25  }
0x170: {  	v25 =	vmax.f32 v29, v25;
	v49 =	vmin.f32 v17, v18;
	v3 =	vmax.f32 v17, v18  }
0x171: {  	v21 =	vld.idx.msk [tilespmem:v21+s11+$0x0], $0xffff;
	v29 =	vmin.f32 v26, v22;
	v22 =	vmax.f32 v26, v22;
	v26 =	vmin.f32 v24, v4  }
0x172: {  	v20 =	vld.idx.msk [tilespmem:v20+s11+$0x0], $0xffff;
	v24 =	vmax.f32 v24, v4;
	v4 =	vmin.f32 v56, v30;
	v30 =	vmax.f32 v56, v30  }
0x173: {  	v19 =	vld.idx.msk [tilespmem:v19+s11+$0x0], $0xffff;
	v43 =	vmin.f32 v31, v25;
	v25 =	vmax.f32 v31, v25;
	v42 =	vmin.f32 v27, v22  }
0x174: {  	v16 =	vld.idx.msk [tilespmem:v16+s11+$0x0], $0xffff;
	v22 =	vmax.f32 v27, v22;
	v31 =	vmin.f32 v23, v24;
	v44 =	vmax.f32 v23, v24  }
0x175: {  	v45 =	vmin.f32 v63, v26;
	v26 =	vmax.f32 v63, v26;
	v47 =	vmin.f32 v62, v29  }
0x176: {  	v29 =	vmax.f32 v62, v29;
	v27 =	vmin.f32 v42, v30;
	v30 =	vmax.f32 v42, v30  }
0x177: {  	v13 =	vld.idx.msk [tilespmem:v13+s11+$0x0], $0xffff;
	v23 =	vmin.f32 v31, v25;
	v24 =	vmax.f32 v31, v25;
	v12 =	vmin.f32 v49, v29  }
0x178: {  	v8 =	vld.idx.msk [tilespmem:v8+s11+$0x0], $0xffff;
	v17 =	vmax.f32 v49, v29;
	v42 =	vmin.f32 v21, v20;
	v20 =	vmax.f32 v21, v20  }
0x179: {  	v21 =	vmin.f32 v19, v16;
	v16 =	vmax.f32 v19, v16;
	v25 =	vmin.f32 v43, v27  }
0x17a: {  	v27 =	vmax.f32 v43, v27;
	v31 =	vmin.f32 v23, v30;
	v23 =	vmax.f32 v23, v30  }
0x17b: {  	v30 =	vmin.f32 v24, v22;
	v22 =	vmax.f32 v24, v22;
	v24 =	vmin.f32 v61, v28  }
0x17c: {  	v28 =	vmax.f32 v61, v28;
	v39 =	vmin.f32 v17, v26;
	v40 =	vmax.f32 v17, v26  }
0x17d: {  	v43 =	vmin.f32 v13, v8;
	v8 =	vmax.f32 v13, v8;
	v46 =	vmin.f32 v45, v28  }
0x17e: {  	v28 =	vmax.f32 v45, v28;
	v9 =	vmin.f32 v24, v25;
	v18 =	vmax.f32 v24, v25  }
0x17f: {  	v41 =	vld.idx.msk [tilespmem:v6+s11+$0x0], $0xffff;
	v25 =	vmax.f32 v39, v22;
	v29 =	vmin.f32 v47, v46;
	v32 =	vmax.f32 v47, v46  }
0x180: {  	v51 =	vmin.f32 v12, v28;
	v6 =	vmin.f32 v29, v27;
	v24 =	vmax.f32 v29, v27;
	v27 =	vld.idx.msk [tilespmem:v5+s11+$0x0], $0xffff  }
0x181: {  	v28 =	vmax.f32 v12, v28;
	v10 =	vmin.f32 v32, v31;
	v5 =	vmin.f32 v51, v23;
	v29 =	vld.idx.msk [tilespmem:v11+s11+$0x0], $0xffff  }
0x182: {  	v26 =	vmax.f32 v51, v23;
	v12 =	vmin.f32 v28, v30;
	v23 =	vmax.f32 v28, v30;
	v28 =	vld.idx.msk [tilespmem:v7+s11+$0x0], $0xffff  }
0x183: {  	v17 =	vmax.f32 v32, v31;
	v7 =	vmin.f32 v39, v22;
	v11 =	vmin.f32 v40, v44  }
0x184: {  	v22 =	vmax.f32 v40, v44;
	v30 =	vmin.f32 v48, v37;
	v31 =	vmin.f32 v50, v38  }
0x185: {  	v54 =	vmin.f32 v30, v31;
	v30 =	vmax.f32 v30, v31;
	v31 =	vmin.f32 v52, v53  }
0x186: {  	v55 =	vmin.f32 v31, v30;
	v30 =	vmax.f32 v31, v30;
	v31 =	vmin.f32 v41, v27  }
0x187: {  	v27 =	vmax.f32 v41, v27;
	v56 =	vmin.f32 v29, v28;
	v28 =	vmax.f32 v29, v28  }
0x188: {  	v29 =	vmin.f32 v31, v56;
	v31 =	vmax.f32 v31, v56;
	v57 =	vmin.f32 v27, v28  }
0x189: {  	v32 =	vmax.f32 v52, v53;
	v27 =	vmax.f32 v27, v28;
	v28 =	vmin.f32 v57, v31  }
0x18a: {  	v31 =	vmax.f32 v57, v31;
	v58 =	vmin.f32 v54, v29;
	v29 =	vmax.f32 v54, v29  }
0x18b: {  	v61 =	vmin.f32 v32, v27;
	v27 =	vmax.f32 v32, v27;
	v59 =	vmin.f32 v30, v31  }
0x18c: {  	v15 =	vld.idx.msk [tilespmem:v15+s11+$0x0], $0xffff;
	v30 =	vmax.f32 v30, v31;
	v60 =	vmin.f32 v55, v28;
	v28 =	vmax.f32 v55, v28  }
0x18d: {  	v14 =	vld.idx.msk [tilespmem:v14+s11+$0x0], $0xffff;
	v31 =	vmin.f32 v59, v29;
	v29 =	vmax.f32 v59, v29;
	v62 =	vmin.f32 v61, v28  }
0x18e: {  	v28 =	vmax.f32 v61, v28;
	v63 =	vmin.f32 v60, v31;
	v31 =	vmax.f32 v60, v31  }
0x18f: {  	v40 =	vmin.f32 v62, v29;
	v29 =	vmax.f32 v62, v29;
	v41 =	vmin.f32 v28, v30  }
0x190: {  	v19 =	vmax.f32 v28, v30;
	v28 =	vmax.f32 v42, v21;
	v30 =	vmin.f32 v20, v16  }
0x191: {  	v21 =	vmin.f32 v42, v21;
	v16 =	vmax.f32 v20, v16;
	v20 =	vmin.f32 v30, v28  }
0x192: {  	v28 =	vmax.f32 v30, v28;
	v30 =	vmin.f32 v15, v14;
	v14 =	vmax.f32 v15, v14  }
0x193: {  	v13 =	vmin.f32 v30, v43;
	v15 =	vmax.f32 v30, v43;
	v30 =	vmin.f32 v14, v8  }
0x194: {  	v8 =	vmax.f32 v14, v8;
	v14 =	vmin.f32 v30, v15;
	v15 =	vmax.f32 v30, v15  }
0x195: {  	v30 =	vmin.f32 v21, v13;
	v13 =	vmax.f32 v21, v13;
	v21 =	vmin.f32 v28, v15  }
0x196: {  	v15 =	vmax.f32 v28, v15;
	v28 =	vmin.f32 v21, v13;
	v13 =	vmax.f32 v21, v13  }
0x197: {  	v21 =	vmin.f32 v20, v14;
	v14 =	vmax.f32 v20, v14;
	v20 =	vmin.f32 v16, v8  }
0x198: {  	v8 =	vmax.f32 v16, v8;
	v16 =	vmin.f32 v20, v14;
	v14 =	vmax.f32 v20, v14  }
0x199: {  	v20 =	vmin.f32 v21, v28;
	v21 =	vmax.f32 v21, v28;
	v50 =	vmin.f32 v27, v8  }
0x19a: {  	v8 =	vmax.f32 v27, v8;
	v28 =	vmin.f32 v16, v13;
	v13 =	vmax.f32 v16, v13  }
0x19b: {  	v16 =	vmin.f32 v14, v15;
	v14 =	vmax.f32 v14, v15;
	v15 =	vmin.f32 v58, v30  }
0x19c: {  	v30 =	vmax.f32 v58, v30;
	v45 =	vmin.f32 v31, v21;
	v21 =	vmax.f32 v31, v21  }
0x19d: {  	v44 =	vmin.f32 v29, v13;
	v13 =	vmax.f32 v29, v13;
	v31 =	vmin.f32 v19, v14  }
0x19e: {  	v14 =	vmax.f32 v19, v14;
	v47 =	vmin.f32 v41, v16;
	v16 =	vmax.f32 v41, v16  }
0x19f: {  	v49 =	vmin.f32 v40, v28;
	v28 =	vmax.f32 v40, v28;
	v29 =	vmin.f32 v44, v30  }
0x1a0: {  	v30 =	vmax.f32 v44, v30;
	v19 =	vmin.f32 v31, v21;
	v21 =	vmax.f32 v31, v21  }
0x1a1: {  	v27 =	vmin.f32 v50, v28;
	v28 =	vmax.f32 v50, v28;
	v31 =	vmin.f32 v45, v29  }
0x1a2: {  	v46 =	vmin.f32 v19, v30;
	v19 =	vmax.f32 v19, v30;
	v30 =	vmin.f32 v21, v13  }
0x1a3: {  	v13 =	vmax.f32 v21, v13;
	v21 =	vmin.f32 v63, v20;
	v20 =	vmax.f32 v63, v20  }
0x1a4: {  	v29 =	vmax.f32 v45, v29;
	v48 =	vmin.f32 v47, v20;
	v20 =	vmax.f32 v47, v20  }
0x1a5: {  	v51 =	vmin.f32 v49, v48;
	v32 =	vmax.f32 v49, v48;
	v52 =	vmin.f32 v27, v20  }
0x1a6: {  	v20 =	vmax.f32 v27, v20;
	v27 =	vmin.f32 v28, v16;
	v16 =	vmax.f32 v28, v16  }
0x1a7: {  	v28 =	vmin.f32 v21, v31;
	v21 =	vmax.f32 v21, v31;
	v31 =	vmin.f32 v51, v29  }
0x1a8: {  	v29 =	vmax.f32 v51, v29;
	v53 =	vmin.f32 v32, v46;
	v32 =	vmax.f32 v32, v46  }
0x1a9: {  	v54 =	vmin.f32 v52, v19;
	v19 =	vmax.f32 v52, v19;
	v55 =	vmin.f32 v20, v30  }
0x1aa: {  	v20 =	vmax.f32 v20, v30;
	v30 =	vmin.f32 v27, v13;
	v13 =	vmax.f32 v27, v13  }
0x1ab: {  	v27 =	vmin.f32 v16, v14;
	v14 =	vmax.f32 v16, v14;
	v16 =	vmax.f32 v4, v15  }
0x1ac: {  	v4 =	vmin.f32 v4, v15;
	v56 =	vmin.f32 v26, v19;
	v15 =	vmax.f32 v26, v19  }
0x1ad: {  	v26 =	vmax.f32 v24, v29;
	v57 =	vmin.f32 v25, v13;
	v24 =	vmin.f32 v24, v29  }
0x1ae: {  	v25 =	vmax.f32 v25, v13;
	v58 =	vmin.f32 v22, v14;
	v19 =	vmin.f32 v56, v16  }
0x1af: {  	v16 =	vmax.f32 v56, v16;
	v13 =	vmin.f32 v57, v26;
	v26 =	vmax.f32 v57, v26  }
0x1b0: {  	v29 =	vmin.f32 v24, v19;
	v19 =	vmax.f32 v24, v19;
	v24 =	vmin.f32 v13, v16  }
0x1b1: {  	v16 =	vmax.f32 v13, v16;
	v36 =	vmin.f32 v26, v15;
	v15 =	vmax.f32 v26, v15  }
0x1b2: {  	v13 =	vmax.f32 v18, v21;
	v26 =	vmin.f32 v23, v20;
	v18 =	vmin.f32 v18, v21  }
0x1b3: {  	v20 =	vmax.f32 v23, v20;
	v21 =	vmin.f32 v26, v13;
	v23 =	vmax.f32 v26, v13  }
0x1b4: {  	v26 =	vmax.f32 v17, v32;
	v17 =	vmin.f32 v17, v32;
	v13 =	vmax.f32 v22, v14  }
0x1b5: {  	v14 =	vmin.f32 v58, v26;
	v22 =	vmax.f32 v58, v26;
	v26 =	vmin.f32 v17, v21  }
0x1b6: {  	v17 =	vmax.f32 v17, v21;
	v21 =	vmin.f32 v14, v23;
	v14 =	vmax.f32 v14, v23  }
0x1b7: {  	v23 =	vmin.f32 v22, v20;
	v20 =	vmax.f32 v22, v20;
	v22 =	vmin.f32 v18, v29  }
0x1b8: {  	v18 =	vmax.f32 v18, v29;
	v29 =	vmin.f32 v26, v19;
	v19 =	vmax.f32 v26, v19  }
0x1b9: {  	v26 =	vmin.f32 v17, v24;
	v17 =	vmax.f32 v17, v24;
	v24 =	vmin.f32 v21, v16  }
0x1ba: {  	v16 =	vmax.f32 v21, v16;
	v59 =	vmin.f32 v14, v36;
	v14 =	vmax.f32 v14, v36  }
0x1bb: {  	v60 =	vmin.f32 v23, v15;
	v61 =	vmax.f32 v23, v15;
	v62 =	vmin.f32 v20, v25  }
0x1bc: {  	v63 =	vmax.f32 v20, v25;
	v15 =	vmin.f32 v9, v28;
	v9 =	vmax.f32 v9, v28  }
0x1bd: {  	v20 =	vmin.f32 v12, v55;
	v12 =	vmax.f32 v12, v55;
	v23 =	vmin.f32 v11, v27  }
0x1be: {  	v11 =	vmax.f32 v11, v27;
	v27 =	vmin.f32 v7, v30;
	v7 =	vmax.f32 v7, v30  }
0x1bf: {  	v21 =	vmin.f32 v20, v9;
	v9 =	vmax.f32 v20, v9;
	v20 =	vmin.f32 v10, v53  }
0x1c0: {  	v10 =	vmax.f32 v10, v53;
	v36 =	vmin.f32 v15, v22;
	v35 =	vmax.f32 v15, v22  }
0x1c1: {  	v25 =	vmin.f32 v23, v10;
	v10 =	vmax.f32 v23, v10;
	v23 =	vmin.f32 v20, v21  }
0x1c2: {  	v20 =	vmax.f32 v20, v21;
	vm15 =	veq.f32 v36, v4;
	vm13 =	veq.f32 v35, v36  }
0x1c3: {  	v21 =	vmin.f32 v25, v9;
	v9 =	vmax.f32 v25, v9;
	v25 =	vmin.f32 v10, v12  }
0x1c4: {  	v10 =	vmax.f32 v10, v12;
	v12 =	vmin.f32 v6, v31;
	v6 =	vmax.f32 v6, v31  }
0x1c5: {  	v30 =	vmin.f32 v3, v8;
	vm0 =	vmor vm15, vm13;
	v28 =	vmin.f32 v27, v6  }
0x1c6: {  	v6 =	vmax.f32 v27, v6;
	v27 =	vmin.f32 v5, v54;
	v5 =	vmax.f32 v5, v54  }
0x1c7: {  	v31 =	vmin.f32 v30, v5;
	v5 =	vmax.f32 v30, v5;
	v30 =	vmin.f32 v27, v28  }
0x1c8: {  	v27 =	vmax.f32 v27, v28;
	v28 =	vmin.f32 v31, v6;
	v6 =	vmax.f32 v31, v6  }
0x1c9: {  	v31 =	vmin.f32 v5, v7;
	v5 =	vmax.f32 v5, v7;
	v7 =	vmin.f32 v12, v23  }
0x1ca: {  	v12 =	vmax.f32 v12, v23;
	v23 =	vmin.f32 v30, v20;
	v20 =	vmax.f32 v30, v20  }
0x1cb: {  	v42 =	vmin.f32 v27, v21;
	v21 =	vmax.f32 v27, v21;
	v43 =	vmin.f32 v28, v9  }
0x1cc: {  	v9 =	vmax.f32 v28, v9;
	v44 =	vmin.f32 v6, v25;
	v6 =	vmax.f32 v6, v25  }
0x1cd: {  	v45 =	vmin.f32 v31, v10;
	v46 =	vmax.f32 v31, v10;
	v47 =	vmin.f32 v5, v11  }
0x1ce: {  	v48 =	vmax.f32 v5, v11;
	v33 =	vmin.f32 v7, v18;
	v34 =	vmax.f32 v7, v18  }
0x1cf: {  	v31 =	vmin.f32 v12, v29;
	v32 =	vmax.f32 v12, v29;
	vm5 =	veq.f32 v33, v35  }
0x1d0: {  	v29 =	vmin.f32 v23, v19;
	vm7 =	veq.f32 v34, v33;
	vm0 =	vmor vm5, vm0  }
0x1d1: {  	v30 =	vmax.f32 v23, v19;
	vm8 =	veq.f32 v31, v34;
	vm0 =	vmor vm7, vm0  }
0x1d2: {  	v27 =	vmin.f32 v20, v26;
	vm10 =	veq.f32 v32, v31;
	vm0 =	vmor vm8, vm0  }
0x1d3: {  	v28 =	vmax.f32 v20, v26;
	vm11 =	veq.f32 v29, v32;
	vm0 =	vmor vm10, vm0  }
0x1d4: {  	v25 =	vmin.f32 v42, v17;
	vm12 =	veq.f32 v30, v29;
	vm0 =	vmor vm11, vm0  }
0x1d5: {  	v26 =	vmax.f32 v42, v17;
	vm1 =	vmor vm12, vm0;
	vm0 =	veq.f32 v27, v30  }
0x1d6: {  	v23 =	vmin.f32 v21, v24;
	vm14 =	veq.f32 v28, v27;
	vm1 =	vmor vm0, vm1  }
0x1d7: {  	v24 =	vmax.f32 v21, v24;
	vm9 =	veq.f32 v25, v28;
	vm1 =	vmor vm14, vm1  }
0x1d8: {  	v5 =	vimm.s32 $0x0;
	vm6 =	veq.f32 v26, v25;
	vm1 =	vmor vm9, vm1  }
0x1d9: {  	vm4 =	veq.f32 v23, v26;
	v21 =	vmin.f32 v43, v16;
	vm1 =	vmor vm6, vm1  }
0x1da: {  	vm3 =	veq.f32 v24, v23;
	vm2 =	veq.f32 v21, v24;
	vm1 =	vmor vm4, vm1  }
0x1db: {  	v22 =	vmax.f32 v43, v16;
	v5 =	vsel vm2, $0xFFFFFFFF, v5;
	vm1 =	vmor vm3, vm1  }
0x1dc: {  	[tilespmem:$0x1FDE0] =	vst v5;
	v5 =	vimm.s32 $0x0;
	vm1 =	vmor vm2, vm1;
	vm2 =	veq.f32 v22, v21  }
0x1dd: {  	v19 =	vmin.f32 v9, v59;
	v5 =	vsel vm2, $0xFFFFFFFF, v5  }
0x1de: {  	vm1 =	vmor vm2, vm1;
	vm2 =	veq.f32 v19, v22;
	[tilespmem:$0x1FDF0] =	vst v5;
	v5 =	vimm.s32 $0x0  }
0x1df: {  	v20 =	vmax.f32 v9, v59;
	v5 =	vsel vm2, $0xFFFFFFFF, v5  }
0x1e0: {  	vm1 =	vmor vm2, vm1;
	vm2 =	veq.f32 v20, v19;
	[tilespmem:$0x1FE00] =	vst v5;
	v5 =	vimm.s32 $0x0  }
0x1e1: {  	v17 =	vmin.f32 v44, v14;
	v5 =	vsel vm2, $0xFFFFFFFF, v5  }
0x1e2: {  	vm1 =	vmor vm2, vm1;
	vm2 =	veq.f32 v17, v20;
	[tilespmem:$0x1FE10] =	vst v5;
	v5 =	vimm.s32 $0x0  }
0x1e3: {  	v18 =	vmax.f32 v44, v14;
	v5 =	vsel vm2, $0xFFFFFFFF, v5  }
0x1e4: {  	vm1 =	vmor vm2, vm1;
	vm2 =	veq.f32 v18, v17;
	[tilespmem:$0x1FE20] =	vst v5;
	v5 =	vimm.s32 $0x0  }
0x1e5: {  	v15 =	vmin.f32 v6, v60;
	v5 =	vsel vm2, $0xFFFFFFFF, v5  }
0x1e6: {  	vm1 =	vmor vm2, vm1;
	vm2 =	veq.f32 v15, v18;
	[tilespmem:$0x1FE30] =	vst v5;
	v5 =	vimm.s32 $0x0  }
0x1e7: {  	v3 =	vmax.f32 v3, v8;
	v16 =	vmax.f32 v6, v60;
	v5 =	vsel vm2, $0xFFFFFFFF, v5  }
0x1e8: {  	vm1 =	vmor vm2, vm1;
	vm2 =	veq.f32 v16, v15;
	[tilespmem:$0x1FE40] =	vst v5;
	v5 =	vimm.s32 $0x0  }
0x1e9: {  	v8 =	vimm.s32 $0x0;
	v12 =	vmin.f32 v45, v61;
	v5 =	vsel vm2, $0xFFFFFFFF, v5  }
0x1ea: {  	vm1 =	vmor vm2, vm1;
	vm2 =	veq.f32 v12, v16;
	[tilespmem:$0x1FE50] =	vst v5;
	v5 =	vimm.s32 $0x0  }
0x1eb: {  	v14 =	vmax.f32 v45, v61;
	v10 =	vmin.f32 v46, v62;
	v5 =	vsel vm2, $0xFFFFFFFF, v5  }
0x1ec: {  	vm1 =	vmor vm2, vm1;
	vm2 =	veq.f32 v14, v12;
	[tilespmem:$0x1FE60] =	vst v5;
	v5 =	vimm.s32 $0x0  }
0x1ed: {  	v11 =	vmax.f32 v46, v62;
	v9 =	vmin.f32 v47, v63;
	v5 =	vsel vm2, $0xFFFFFFFF, v5  }
0x1ee: {  	vm1 =	vmor vm2, vm1;
	vm2 =	veq.f32 v10, v14;
	[tilespmem:$0x1FE70] =	vst v5;
	v5 =	vimm.s32 $0x0  }
0x1ef: {  	v7 =	vmax.f32 v47, v63;
	v6 =	vimm.s32 $0x0;
	v5 =	vsel vm2, $0xFFFFFFFF, v5  }
0x1f0: {  	vm1 =	vmor vm2, vm1;
	vm2 =	veq.f32 v11, v10;
	[tilespmem:$0x1FE80] =	vst v5;
	v5 =	vimm.s32 $0x0  }
0x1f1: {  	vm1 =	vmor vm2, vm1;
	v5 =	vsel vm2, $0xFFFFFFFF, v5;
	vm2 =	veq.f32 v9, v11  }
0x1f2: {  	[tilespmem:$0x1FE90] =	vst v5;
	v5 =	vmin.f32 v48, v13;
	v6 =	vsel vm2, $0xFFFFFFFF, v6;
	vm1 =	vmor vm2, vm1  }
0x1f3: {  	vm2 =	veq.f32 v7, v9;
	[tilespmem:$0x1FEA0] =	vst v6;
	v6 =	vmax.f32 v48, v13;
	v13 =	vimm.s32 $0x0  }
0x1f4: {  	vm1 =	vmor vm2, vm1;
	v13 =	vsel vm2, $0xFFFFFFFF, v13;
	vm2 =	veq.f32 v5, v7  }
0x1f5: {  	v8 =	vsel vm2, $0xFFFFFFFF, v8  }
0x1f6: {  	vm1 =	vmor vm2, vm1;
	vm2 =	veq.f32 v6, v5;
	[tilespmem:$0x1FEC0] =	vst v8;
	v8 =	vimm.s32 $0x0  }
0x1f7: {  	v8 =	vsel vm2, $0xFFFFFFFF, v8  }
0x1f8: {  	vm1 =	vmor vm2, vm1;
	vm2 =	veq.f32 v3, v6;
	[tilespmem:$0x1FED0] =	vst v8;
	v8 =	vimm.s32 $0x0  }
0x1f9: {  	vm1 =	vmor vm2, vm1;
	v8 =	vsel vm2, $0xFFFFFFFF, v8  }
0x1fa: {  	[tilespmem:$0x1FEE0] =	vst v8;
	v8 =	vsel vm1, $0x3F800000, v1  }
0x1fb: {  	(xrf0) =	vmax.scan.msk.f32 $0xffff, v8;
	_ =	sdelay $0x5  }
0x1fc: {  	v8, _, _ =	vpop (xrf0)  }
0x1fd: {  	(v2sf) =	vpush v8, $0xF;
	_ =	sdelay $0xe  }
0x1fe: {  	s22 =	spop (v2sf)  }
0x1ff: {  	p0 =	sgt.f32 s22, $0.0e+00  }
.Ltmp10:
0x200: {  	_ = 	snop;
	(pc) =	sbr.rel @!p0 .LBB2_9-.Ltmp10, $2  }
0x201: {  	_ =	sdelay $0x2  }
0x202: {  	[tilespmem:$0x1FEB0] =	vst v13  }
0x203: {  	v8 =	vsel vm15, $0x2, v2  }
0x204: {  	v13 =	vadd.s32 $0x1, v8  }
0x205: {  	v13 =	vnsel vm13, $0x1, v13  }
0x206: {  	v37 =	vadd.s32 $0x1, v13  }
0x207: {  	v37 =	vnsel vm5, $0x1, v37  }
0x208: {  	v38 =	vadd.s32 $0x1, v37  }
0x209: {  	v38 =	vnsel vm7, $0x1, v38  }
0x20a: {  	v39 =	vadd.s32 $0x1, v38  }
0x20b: {  	v39 =	vnsel vm8, $0x1, v39  }
0x20c: {  	v40 =	vadd.s32 $0x1, v39  }
0x20d: {  	v40 =	vnsel vm10, $0x1, v40  }
0x20e: {  	v41 =	vadd.s32 $0x1, v40  }
0x20f: {  	v41 =	vnsel vm11, $0x1, v41  }
0x210: {  	v42 =	vadd.s32 $0x1, v41  }
0x211: {  	v8 =	vmax.u32 v13, v8;
	v42 =	vnsel vm12, $0x1, v42  }
0x212: {  	v13 =	vmax.u32 v37, v8;
	vm8 =	vgt.u32 v37, v8;
	v37 =	vld [tilespmem:$0x1FDF0];
	v43 =	vadd.s32 $0x1, v42  }
0x213: {  	v62 =	vld [tilespmem:$0x1FDE0];
	v43 =	vnsel vm0, $0x1, v43  }
0x214: {  	v4 =	vsel vm15, v36, v4;
	v50 =	vadd.s32 $0x1, v43  }
0x215: {  	v4 =	vsel vm13, v35, v4;
	v51 =	vnsel vm14, $0x1, v50  }
0x216: {  	v4 =	vsel vm8, v33, v4;
	v36 =	vadd.s32 $0x1, v51  }
0x217: {  	vm5 =	vnez.u8 v37;
	v52 =	vnsel vm9, $0x1, v36;
	vm9 =	vgt.u32 v38, v13  }
0x218: {  	vm14 =	vnez.u8 v62;
	v13 =	vmax.u32 v38, v13;
	v4 =	vsel vm9, v34, v4  }
0x219: {  	v53 =	vadd.s32 $0x1, v52;
	v54 =	vmax.u32 v39, v13;
	vm10 =	vgt.u32 v39, v13  }
0x21a: {  	v33 =	vnsel vm6, $0x1, v53;
	v4 =	vsel vm10, v31, v4;
	vm11 =	vgt.u32 v40, v54  }
0x21b: {  	v39 =	vld [tilespmem:$0x1FE00];
	v56 =	vmax.u32 v40, v54;
	v55 =	vadd.s32 $0x1, v33;
	v4 =	vsel vm11, v32, v4  }
0x21c: {  	v57 =	vmax.u32 v41, v56;
	vm12 =	vgt.u32 v41, v56;
	v13 =	vnsel vm4, $0x1, v55  }
0x21d: {  	v47 =	vld [tilespmem:$0x1FE40];
	v4 =	vsel vm12, v29, v4;
	vm13 =	vgt.u32 v42, v57;
	v60 =	vmax.u32 v42, v57  }
0x21e: {  	v45 =	vld [tilespmem:$0x1FE30];
	v58 =	vadd.s32 $0x1, v13;
	v4 =	vsel vm13, v30, v4;
	vm15 =	vgt.u32 v43, v60  }
0x21f: {  	v41 =	vld [tilespmem:$0x1FE10];
	v63 =	vmax.u32 v43, v60;
	v59 =	vnsel vm3, $0x1, v58;
	v4 =	vsel vm15, v27, v4  }
0x220: {  	vm4 =	vgt.u32 v51, v63;
	v36 =	vmax.u32 v51, v63;
	vm7 =	vnez.u8 v39  }
0x221: {  	v61 =	vadd.s32 $0x1, v59;
	v4 =	vsel vm4, v28, v4;
	vm6 =	vgt.u32 v52, v36  }
0x222: {  	v43 =	vld [tilespmem:$0x1FE20];
	v8 =	vmax.u32 v52, v36;
	vm4 =	vnez.u8 v47;
	v31 =	vnsel vm14, $0x1, v61  }
0x223: {  	v4 =	vsel vm6, v25, v4;
	vm8 =	vgt.u32 v33, v8;
	v8 =	vmax.u32 v33, v8  }
0x224: {  	v53 =	vld [tilespmem:$0x1FE70];
	vm9 =	vnez.u8 v41;
	vm14 =	vnez.u8 v45;
	v34 =	vadd.s32 $0x1, v31  }
0x225: {  	v4 =	vsel vm8, v26, v4;
	vm10 =	vgt.u32 v13, v8;
	v8 =	vmax.u32 v13, v8  }
0x226: {  	v49 =	vld [tilespmem:$0x1FE50];
	v27 =	vnsel vm5, $0x1, v34;
	v4 =	vsel vm10, v23, v4;
	vm11 =	vgt.u32 v59, v8  }
0x227: {  	v8 =	vmax.u32 v59, v8;
	vm12 =	vnez.u8 v43;
	v38 =	vadd.s32 $0x1, v27  }
0x228: {  	v4 =	vsel vm11, v24, v4;
	vm13 =	vgt.u32 v31, v8;
	v25 =	vnsel vm7, $0x1, v38  }
0x229: {  	v51 =	vld [tilespmem:$0x1FE60];
	v8 =	vmax.u32 v31, v8;
	vm11 =	vnez.u8 v53;
	v40 =	vadd.s32 $0x1, v25  }
0x22a: {  	v4 =	vsel vm13, v21, v4;
	vm15 =	vgt.u32 v27, v8;
	v26 =	vnsel vm9, $0x1, v40  }
0x22b: {  	v58 =	vld [tilespmem:$0x1FEA0];
	v8 =	vmax.u32 v27, v8;
	vm7 =	vnez.u8 v49;
	v42 =	vadd.s32 $0x1, v26  }
0x22c: {  	v4 =	vsel vm15, v22, v4;
	vm5 =	vgt.u32 v25, v8;
	v13 =	vnsel vm12, $0x1, v42  }
0x22d: {  	v55 =	vld [tilespmem:$0x1FE80];
	v8 =	vmax.u32 v25, v8;
	v4 =	vsel vm5, v19, v4;
	v44 =	vadd.s32 $0x1, v13  }
0x22e: {  	vm9 =	vnez.u8 v51;
	vm6 =	vgt.u32 v26, v8;
	v21 =	vnsel vm14, $0x1, v44  }
0x22f: {  	v57 =	vld [tilespmem:$0x1FE90];
	v8 =	vmax.u32 v26, v8;
	v4 =	vsel vm6, v20, v4;
	v46 =	vadd.s32 $0x1, v21  }
0x230: {  	vm6 =	vnez.u8 v58;
	vm8 =	vgt.u32 v13, v8;
	v22 =	vnsel vm4, $0x1, v46  }
0x231: {  	v8 =	vmax.u32 v13, v8;
	v4 =	vsel vm8, v17, v4;
	v48 =	vadd.s32 $0x1, v22  }
0x232: {  	v60 =	vld [tilespmem:$0x1FEB0];
	vm14 =	vnez.u8 v55;
	vm10 =	vgt.u32 v21, v8;
	v19 =	vnsel vm7, $0x1, v48  }
0x233: {  	v8 =	vmax.u32 v21, v8;
	v4 =	vsel vm10, v18, v4;
	v50 =	vadd.s32 $0x1, v19  }
0x234: {  	v62 =	vld [tilespmem:$0x1FEC0];
	vm4 =	vnez.u8 v57;
	vm12 =	vgt.u32 v22, v8;
	v13 =	vnsel vm9, $0x1, v50  }
0x235: {  	v8 =	vmax.u32 v22, v8;
	v4 =	vsel vm12, v15, v4;
	v52 =	vadd.s32 $0x1, v13  }
0x236: {  	vm13 =	vgt.u32 v19, v8;
	v8 =	vmax.u32 v19, v8;
	v17 =	vnsel vm11, $0x1, v52  }
0x237: {  	v4 =	vsel vm13, v16, v4;
	vm9 =	vnez.u8 v60;
	v54 =	vadd.s32 $0x1, v17  }
0x238: {  	vm15 =	vgt.u32 v13, v8;
	v8 =	vmax.u32 v13, v8;
	v15 =	vnsel vm14, $0x1, v54  }
0x239: {  	v4 =	vsel vm15, v12, v4;
	vm11 =	vnez.u8 v62;
	v56 =	vadd.s32 $0x1, v15  }
0x23a: {  	vm5 =	vgt.u32 v17, v8;
	v8 =	vmax.u32 v17, v8;
	v12 =	vnsel vm4, $0x1, v56  }
0x23b: {  	v4 =	vsel vm5, v14, v4;
	vm7 =	vgt.u32 v15, v8;
	v13 =	vadd.s32 $0x1, v12  }
0x23c: {  	v8 =	vmax.u32 v15, v8;
	v4 =	vsel vm7, v10, v4;
	v13 =	vnsel vm6, $0x1, v13  }
0x23d: {  	vm8 =	vgt.u32 v12, v8;
	v8 =	vmax.u32 v12, v8;
	v59 =	vadd.s32 $0x1, v13  }
0x23e: {  	v4 =	vsel vm8, v11, v4;
	vm10 =	vgt.u32 v13, v8;
	v10 =	vnsel vm9, $0x1, v59  }
0x23f: {  	v8 =	vmax.u32 v13, v8;
	v4 =	vsel vm10, v9, v4;
	v61 =	vadd.s32 $0x1, v10  }
0x240: {  	v63 =	vld [tilespmem:$0x1FED0];
	vm12 =	vgt.u32 v10, v8;
	v8 =	vmax.u32 v10, v8;
	v9 =	vnsel vm11, $0x1, v61  }
0x241: {  	v4 =	vsel vm12, v7, v4;
	vm13 =	vgt.u32 v9, v8  }
0x242: {  	v4 =	vsel vm13, v5, v4;
	v5 =	vld [tilespmem:$0x1FEE0];
	_ =	sdelay $0x2  }
.Ltmp11:
0x243: {  	vm1 =	vnez.u8 v63;
	v7 =	vadd.s32 $0x1, v9;
	(pc) =	sbr.rel .LBB2_9-.Ltmp11, $4  }
0x244: {  	v8 =	vmax.u32 v9, v8;
	v7 =	vnsel vm1, $0x1, v7  }
0x245: {  	vm14 =	vgt.u32 v7, v8;
	vm1 =	vle.u32 v8, v7;
	vm15 =	vnez.u8 v5  }
0x246: {  	v4 =	vsel vm14, v6, v4;
	vm0 =	vmand vm15, vm1  }
0x247: {  	v4 =	vsel vm0, v3, v4  }
.LBB2_10:
0x248: {  	p0 =	sne.s32 s18, $0x3F  }
.Ltmp12:
0x249: {  	_ = 	snop;
	(pc) =	sbr.rel @!p0 .LBB2_11-.Ltmp12, $1  }
0x24a: {  	_ =	sdelay $0x3  }
0x24b: {  	s19 =	sadd.s32 s19, s8  }
0x24c: {  	s19 =	sshll.u32 s19, $0x4  }
0x24d: {  	s19 =	sadd.s32 s4, s19  }
0x24e: {  	[tilespmem:s11], [sflag:$0x2] =	stream.linear.gather [hbm4b:s19+s3], $0x8000, $0x38;
	[tilespmem:$0x10800] =	vst v63  }
0x24f: {  	s19 =	sadd.s32 $0x2, s20  }
0x250: {  	s20 =	sand.u32 $0x6, s19  }
0x251: {  	p0 =	sne.s32 s20, $0x0  }
.Ltmp13:
0x252: {  	_ = 	snop;
	(pc) =	sbr.rel @p0 .LBB2_14-.Ltmp13, $4  }
.Ltmp14:
0x253: {  	_ = 	snop;
	(pc) =	sbr.rel @!p0 .LBB2_13-.Ltmp14, $4  }
0x254: {  	_ = 	snop  }
0x255: {  	_ = 	snop  }
0x256: {  	_ = 	snop  }
0x257: {  	_ = 	snop  }
.LBB2_16:
0x258: {  	_ =	sfence.sel $0x180000  }
0x259: {  	[bflag:$0x0] =	sbarrier.arrive $0xFFFF  }
0x25a: {  	p0 =	sne.s32 s1, $0x0;
	_ =	strace $0x90000047  }
0x25b: {  	s0 =	sadd.s32 @!p0 $0x100000, s0;
	[bflag:$0x2] =	sbarrier.arrive $0xFFFF  }
0x25c: {  	[sflag:s0] =	ssyncadd.tile.s32 @!p0 $0x1;
	_ =	shalt  }
.Lfunc_end2:
_tile_overlayer_lowered:
.L_overlay_start_2:
0x25d: {  	(tag) =	ssettag $0x2  }
0x25e: {  	s0 =	rddreg [dreg:$0x0];
	s2 =	stileid.u32  }
0x25f: {  	s1 =	rddreg [dreg:$0x1];
	p0 =	sne.s32 s2, $0x0  }
0x260: {  	s3 =	rddreg [dreg:$0x2];
	[bflag:$0x3] =	sbarrier.arrive $0xFFFF;
	s2 =	simm.s32 @!p0 $0x1C03  }
0x261: {  	[timem:s3], [sflag:s2] =	dma.local @!p0 [hbm:s0], s1  }
0x262: {  	s0 =	simm.s32 @!p0 $0x3  }
0x263: {  	_ =	swait.ge @!p0 [sflag:s0], s1  }
0x264: {  	s1 =	ssub.s32 @!p0 $0x0, s1;
	[sflag:s0] =	ssyncset.done @!p0 $0x0  }
0x265: {  	[sflag:s0] =	ssyncadd.s32 @!p0 s1  }
0x266: {  	[bflag:$0x3] =	sbarrier.arrive $0xFFFF  }
0x267: {  	_ =	shalt  }

</sc_bundles>
